<compile_context>
chip_gen: v7x
topology: tpu7x:2x2x1
jax: 0.10.2.dev20260603
libtpu: 0.0.44.dev20260713+nightly
codegen_flags: <defaults>
</compile_context>

<pallas_src>
import functools
import jax
import jax.numpy as jnp
from jax import lax
from jax.experimental import pallas as pl
from jax.experimental.pallas import tpu as pltpu
from jax.experimental.pallas import tpu_sc as plsc

NUM_WORKERS = 32
LANES = 16
K = 8
NGB = 2


@functools.lru_cache(maxsize=None)
def _make_sc_kernel(T: int, N: int, C: int, J: int):
    assert N == NUM_WORKERS
    CH = C * J
    NSL = CH // LANES
    NG = T // K
    NLP = NG // NGB

    mesh = plsc.VectorSubcoreMesh(core_axis_name="c", subcore_axis_name="s")

    @functools.partial(
        pl.kernel,
        out_type=jax.ShapeDtypeStruct((T, N, C, J), jnp.float32),
        mesh=mesh,
        compiler_params=pltpu.CompilerParams(needs_layout_passes=False),
        scratch_types=[
            pltpu.VMEM((K, C, J), jnp.float32),
            pltpu.VMEM((K, C, J), jnp.float32),
            pltpu.VMEM((K, C, J), jnp.float32),
            pltpu.VMEM((K, C, J), jnp.float32),
            pltpu.VMEM((CH,), jnp.float32),
            pltpu.VMEM((LANES,), jnp.float32),
            pltpu.VMEM((2 * K, C, J), jnp.float32),
            pltpu.SemaphoreType.DMA,
            pltpu.SemaphoreType.DMA,
            pltpu.SemaphoreType.DMA,
            pltpu.SemaphoreType.DMA,
        ],
    )
    def spike_sc(x_hbm, w_hbm, out_hbm, xb0, xb1, yb0, yb1,
                 sv, mnb, yones, si0, si1, so0, so1):
        cid = lax.axis_index("c")
        sid = lax.axis_index("s")
        n = sid * 2 + cid

        xbufs = [xb0, xb1]
        ybufs = [yb0, yb1]
        sins = [si0, si1]
        souts = [so0, so1]

        pltpu.async_copy(x_hbm.at[pl.ds(0, K), n], xb0, si0)
        pltpu.async_copy(x_hbm.at[pl.ds(K, K), n], xb1, si1)

        def cs(i):
            if C == 1:
                return 0, pl.ds(i * LANES, LANES)
            return (i * LANES) // J, pl.ds((i * LANES) % J, LANES)

        @plsc.parallel_loop(0, NSL, unroll=2)
        def _init(i):
            c, s = cs(i)
            sv[pl.ds(i * LANES, LANES)] = jnp.zeros((LANES,), jnp.float32)
            one = jnp.full((LANES,), jnp.float32(1.0))
            for k in range(2 * K):
                yones[k, c, s] = one

        def compute_block(xb, yb):
            @plsc.parallel_loop(0, NSL, unroll=2)
            def _block(i):
                c, s = cs(i)
                sf = pl.ds(i * LANES, LANES)
                acc = sv[sf]
                for k in range(K):
                    acc = acc + xb[k, c, s]
                    yb[k, c, s] = jnp.where(acc >= 1.0, 1.0, 0.0)
                sv[sf] = acc

        def wait_in(j):
            pltpu.make_async_copy(
                x_hbm.at[pl.ds(0, K), n], xbufs[j], sins[j]).wait()

        def wait_out(j):
            pltpu.make_async_copy(
                ybufs[j], out_hbm.at[pl.ds(0, K), n], souts[j]).wait()

        for j in range(NGB):
            wait_in(j)
            compute_block(xbufs[j], ybufs[j])
            pltpu.async_copy(
                ybufs[j], out_hbm.at[pl.ds(j * K, K), n], souts[j])

        def red_body(i, mn):
            return jnp.minimum(mn, sv[pl.ds(i * LANES, LANES)])

        mnb[...] = lax.fori_loop(
            0, NSL, red_body, jnp.full((LANES,), 3.4e38, jnp.float32))
        lanes = lax.iota(jnp.int32, LANES)
        for sh in (1, 2, 4, 8):
            g = plsc.load_gather(mnb, [lanes ^ sh])
            mnb[...] = jnp.minimum(mnb[...], g)
        done = mnb[...][0] >= 1.0

        @pl.when(done)
        def _fast():
            for g2 in range(1, NG // 2):
                pltpu.async_copy(
                    yones, out_hbm.at[pl.ds(g2 * 2 * K, 2 * K), n], so0)
            wait_out(0)
            wait_out(1)
            for g2 in range(1, NG // 2):
                pltpu.make_async_copy(
                    yones, out_hbm.at[pl.ds(0, 2 * K), n], so0).wait()

        @pl.when(jnp.logical_not(done))
        def _slow():
            wait_out(0)
            wait_out(1)

            def block_body(g, carry):
                pltpu.sync_copy(x_hbm.at[pl.ds(g * K, K), n], xb0)
                compute_block(xb0, yb0)
                pltpu.sync_copy(yb0, out_hbm.at[pl.ds(g * K, K), n])
                return carry

            lax.fori_loop(NGB, NG, block_body, 0)

    return spike_sc


def kernel(input, lateral_weight):
    T, N, C, J = input.shape
    return _make_sc_kernel(T, N, C, J)(input, lateral_weight)

# --- scband reference (transcript-rebuilt; emitter-appended) ---
"""Pipeline reference for scband-spike-amplifier-73452530696745 (READ-ONLY COPY).

The authoritative reference and input builder live on the scoring server;
editing this copy changes nothing except your own understanding.
"""

import jax, jax.numpy as jnp
import numpy as np

# ATan surrogate-gradient Heaviside (spikingjelly IFNode with ATan(), alpha=2.0)
@jax.custom_vjp
def atan_spike(x):
    return (x >= 0.0).astype(x.dtype)

def _atan_fwd(x):
    return atan_spike(x), x

def _atan_bwd(x, g):
    alpha = 2.0
    sg = (alpha / 2.0) / (1.0 + (jnp.pi / 2.0 * alpha * x) ** 2)
    return (g * sg,)

atan_spike.defvjp(_atan_fwd, _atan_bwd)


def setup_inputs(seed: int = 0) -> dict:
    key = jax.random.key(seed)
    T, N, C, J = 64, 32, 1, 2048
    k1 = jax.random.fold_in(key, 1)
    inp = jax.random.uniform(k1, (T, N, C, J), dtype=jnp.float32)
    # lateral_weight parameter: torch.full((num_features,), 10.0), requires_grad=False
    lateral_weight = jnp.full((J,), 10.0, dtype=jnp.float32)
    return {"input": inp, "lateral_weight": lateral_weight}


def reference(input, lateral_weight):
    # Faithful translation of SpikeAmplifier.forward.
    # Note: self.single_step_delay is constructed and reset in the torch code but its
    # output is never used in the recurrence, so it does not affect the forward output.
    T, N, C, J = input.shape
    v_threshold = 1.0  # IFNode default

    def step(carry, x_t):
        h, v, y_prev = carry
        # h = h - (1 - y_prev) * h + lateral_weight * y_prev
        h = h - (1.0 - y_prev) * h + lateral_weight * y_prev
        x = x_t + h
        # IFNode: integrate, fire (Heaviside w/ ATan surrogate), hard reset to v_reset=0.0
        v = v + x
        spike = atan_spike(v - v_threshold)
        v = v * (1.0 - spike)  # hard reset (v_reset = 0.0)
        return (h, v, spike), spike

    h0 = jnp.zeros((N, C, J), dtype=input.dtype)
    v0 = jnp.zeros((N, C, J), dtype=input.dtype)
    y0 = jnp.zeros((N, C, J), dtype=input.dtype)
    (_h, _v, _y), y_seq = jax.lax.scan(step, (h0, v0, y0), input)
    # torch returns y_seq[1:] of shape (T, N, C, J); scan stacks spikes over T already
    return y_seq

if __name__ == "__main__":
    import jax
    _d = setup_inputs()
    print(jax.jit(kernel)(*tuple(_d.values())))

</pallas_src>

<mosaic_0001>
#map = affine_map<(d0, d1) -> (0, 0, 0, 0)>
#map1 = affine_map<(d0, d1) -> (0)>
module attributes {stable_mosaic.version = 14 : i64} {
  func.func @spike_sc(%arg0: i32, %arg1: i32, %arg2: memref<64x32x1x2048xf32, #tpu.memory_space<hbm>>, %arg3: memref<2048xf32, #tpu.memory_space<hbm>>, %arg4: memref<64x32x1x2048xf32, #tpu.memory_space<hbm>>, %arg5: memref<8x1x2048xf32, #tpu.memory_space<vmem>>, %arg6: memref<8x1x2048xf32, #tpu.memory_space<vmem>>, %arg7: memref<8x1x2048xf32, #tpu.memory_space<vmem>>, %arg8: memref<8x1x2048xf32, #tpu.memory_space<vmem>>, %arg9: memref<2048xf32, #tpu.memory_space<vmem>>, %arg10: memref<16xf32, #tpu.memory_space<vmem>>, %arg11: memref<16x1x2048xf32, #tpu.memory_space<vmem>>, %arg12: memref<!tpu.dma_semaphore, #tpu.memory_space<semaphore_mem>>, %arg13: memref<!tpu.dma_semaphore, #tpu.memory_space<semaphore_mem>>, %arg14: memref<!tpu.dma_semaphore, #tpu.memory_space<semaphore_mem>>, %arg15: memref<!tpu.dma_semaphore, #tpu.memory_space<semaphore_mem>>) attributes {dimension_semantics = [#tpu.dimension_semantics<core_parallel>, #tpu.dimension_semantics<subcore_parallel>], iteration_bounds = array<i64: 2, 16>, scalar_prefetch = 0 : i64, scratch_operands = 11 : i64, tpu.core_type = #tpu.core_type<sc_vector_subcore>, window_params = [{transform_indices = #map}, {transform_indices = #map1}, {transform_indices = #map}]} {
    %mul3A = arith.constant 2 : i32
    %mul3A_0 = arith.muli %arg1, %mul3A : i32
    %add3A = arith.addi %mul3A_0, %arg0 : i32
    %dma_start3A = arith.constant 0 : i32
    %dma_start3A_1 = arith.constant 0 : i32
    %dma_start3A_2 = arith.constant 0 : i32
    %dma_start3A_3 = tpu.memref_slice %arg2[%dma_start3A, %add3A, %dma_start3A_1, %dma_start3A_2] : memref<64x32x1x2048xf32, #tpu.memory_space<hbm>> -> memref<8x1x1x2048xf32, #tpu.memory_space<hbm>>
    %dma_start3A_4 = tpu.memref_squeeze %dma_start3A_3 : memref<8x1x1x2048xf32, #tpu.memory_space<hbm>> -> memref<8x1x2048xf32, #tpu.memory_space<hbm>>
    %dma_start3A_5 = arith.constant 0 : i32
    %dma_start3A_6 = arith.constant 0 : i32
    %dma_start3A_7 = arith.constant 0 : i32
    %dma_start3A_8 = tpu.memref_slice %arg2[%dma_start3A_5, %add3A, %dma_start3A_6, %dma_start3A_7] : memref<64x32x1x2048xf32, #tpu.memory_space<hbm>> -> memref<8x1x1x2048xf32, #tpu.memory_space<hbm>>
    %dma_start3A_9 = tpu.memref_squeeze %dma_start3A_8 : memref<8x1x1x2048xf32, #tpu.memory_space<hbm>> -> memref<8x1x2048xf32, #tpu.memory_space<hbm>>
    tpu.enqueue_dma source(%dma_start3A_9 : memref<8x1x2048xf32, #tpu.memory_space<hbm>>) target(%arg5 : memref<8x1x2048xf32, #tpu.memory_space<vmem>>) target_semaphore(%arg12 : memref<!tpu.dma_semaphore, #tpu.memory_space<semaphore_mem>>)
    %dma_start3A_10 = arith.constant 8 : i32
    %dma_start3A_11 = arith.constant 0 : i32
    %dma_start3A_12 = arith.constant 0 : i32
    %dma_start3A_13 = tpu.memref_slice %arg2[%dma_start3A_10, %add3A, %dma_start3A_11, %dma_start3A_12] : memref<64x32x1x2048xf32, #tpu.memory_space<hbm>> -> memref<8x1x1x2048xf32, #tpu.memory_space<hbm>>
    %dma_start3A_14 = tpu.memref_squeeze %dma_start3A_13 : memref<8x1x1x2048xf32, #tpu.memory_space<hbm>> -> memref<8x1x2048xf32, #tpu.memory_space<hbm>>
    %dma_start3A_15 = arith.constant 8 : i32
    %dma_start3A_16 = arith.constant 0 : i32
    %dma_start3A_17 = arith.constant 0 : i32
    %dma_start3A_18 = tpu.memref_slice %arg2[%dma_start3A_15, %add3A, %dma_start3A_16, %dma_start3A_17] : memref<64x32x1x2048xf32, #tpu.memory_space<hbm>> -> memref<8x1x1x2048xf32, #tpu.memory_space<hbm>>
    %dma_start3A_19 = tpu.memref_squeeze %dma_start3A_18 : memref<8x1x1x2048xf32, #tpu.memory_space<hbm>> -> memref<8x1x2048xf32, #tpu.memory_space<hbm>>
    tpu.enqueue_dma source(%dma_start3A_19 : memref<8x1x2048xf32, #tpu.memory_space<hbm>>) target(%arg6 : memref<8x1x2048xf32, #tpu.memory_space<vmem>>) target_semaphore(%arg13 : memref<!tpu.dma_semaphore, #tpu.memory_space<semaphore_mem>>)
    %parallel_loop3A = arith.constant 0 : i32
    %parallel_loop3A_20 = arith.constant 128 : i32
    %parallel_loop3A_21 = arith.constant 1 : i32
    scf.for %parallel_loop3A_114 = %parallel_loop3A to %parallel_loop3A_20 step %parallel_loop3A_21  : i32 {
      %parallel_loop3A_115 = arith.constant 16 : i32
      %parallel_loop3A_116 = arith.muli %parallel_loop3A_114, %parallel_loop3A_115 : i32
      %parallel_loop3A_117 = arith.constant 0.000000e+00 : f32
      %parallel_loop3A_118 = vector.broadcast %parallel_loop3A_117 : f32 to vector<16xf32>
      %parallel_loop3A_119 = arith.constant 16 : i32
      %parallel_loop3A_120 = arith.muli %parallel_loop3A_114, %parallel_loop3A_119 : i32
      %parallel_loop3A_121 = arith.index_cast %parallel_loop3A_120 : i32 to index
      %parallel_loop3A_122 = tpu.vector_load %arg9[%parallel_loop3A_121] {strides = array<i32>} : memref<2048xf32, #tpu.memory_space<vmem>>, vector<16xf32>,
      tpu.vector_store %arg9[%parallel_loop3A_121], %parallel_loop3A_118 {strides = array<i32>} : memref<2048xf32, #tpu.memory_space<vmem>>, vector<16xf32>,
      %parallel_loop3A_123 = arith.constant 1.000000e+00 : f32
      %parallel_loop3A_124 = vector.broadcast %parallel_loop3A_123 : f32 to vector<16xf32>
      %parallel_loop3A_125 = arith.constant 0 : i32
      %parallel_loop3A_126 = arith.constant 0 : i32
      %parallel_loop3A_127 = arith.index_cast %parallel_loop3A_125 : i32 to index
      %parallel_loop3A_128 = arith.index_cast %parallel_loop3A_126 : i32 to index
      %parallel_loop3A_129 = arith.index_cast %parallel_loop3A_116 : i32 to index
      %parallel_loop3A_130 = tpu.vector_load %arg11[%parallel_loop3A_127, %parallel_loop3A_128, %parallel_loop3A_129] {strides = array<i32>} : memref<16x1x2048xf32, #tpu.memory_space<vmem>>, vector<16xf32>,
      tpu.vector_store %arg11[%parallel_loop3A_127, %parallel_loop3A_128, %parallel_loop3A_129], %parallel_loop3A_124 {strides = array<i32>} : memref<16x1x2048xf32, #tpu.memory_space<vmem>>, vector<16xf32>,
      %parallel_loop3A_131 = arith.constant 1 : i32
      %parallel_loop3A_132 = arith.constant 0 : i32
      %parallel_loop3A_133 = arith.index_cast %parallel_loop3A_131 : i32 to index
      %parallel_loop3A_134 = arith.index_cast %parallel_loop3A_132 : i32 to index
      %parallel_loop3A_135 = arith.index_cast %parallel_loop3A_116 : i32 to index
      %parallel_loop3A_136 = tpu.vector_load %arg11[%parallel_loop3A_133, %parallel_loop3A_134, %parallel_loop3A_135] {strides = array<i32>} : memref<16x1x2048xf32, #tpu.memory_space<vmem>>, vector<16xf32>,
      tpu.vector_store %arg11[%parallel_loop3A_133, %parallel_loop3A_134, %parallel_loop3A_135], %parallel_loop3A_124 {strides = array<i32>} : memref<16x1x2048xf32, #tpu.memory_space<vmem>>, vector<16xf32>,
      %parallel_loop3A_137 = arith.constant 2 : i32
      %parallel_loop3A_138 = arith.constant 0 : i32
      %parallel_loop3A_139 = arith.index_cast %parallel_loop3A_137 : i32 to index
      %parallel_loop3A_140 = arith.index_cast %parallel_loop3A_138 : i32 to index
      %parallel_loop3A_141 = arith.index_cast %parallel_loop3A_116 : i32 to index
      %parallel_loop3A_142 = tpu.vector_load %arg11[%parallel_loop3A_139, %parallel_loop3A_140, %parallel_loop3A_141] {strides = array<i32>} : memref<16x1x2048xf32, #tpu.memory_space<vmem>>, vector<16xf32>,
      tpu.vector_store %arg11[%parallel_loop3A_139, %parallel_loop3A_140, %parallel_loop3A_141], %parallel_loop3A_124 {strides = array<i32>} : memref<16x1x2048xf32, #tpu.memory_space<vmem>>, vector<16xf32>,
      %parallel_loop3A_143 = arith.constant 3 : i32
      %parallel_loop3A_144 = arith.constant 0 : i32
      %parallel_loop3A_145 = arith.index_cast %parallel_loop3A_143 : i32 to index
      %parallel_loop3A_146 = arith.index_cast %parallel_loop3A_144 : i32 to index
      %parallel_loop3A_147 = arith.index_cast %parallel_loop3A_116 : i32 to index
      %parallel_loop3A_148 = tpu.vector_load %arg11[%parallel_loop3A_145, %parallel_loop3A_146, %parallel_loop3A_147] {strides = array<i32>} : memref<16x1x2048xf32, #tpu.memory_space<vmem>>, vector<16xf32>,
      tpu.vector_store %arg11[%parallel_loop3A_145, %parallel_loop3A_146, %parallel_loop3A_147], %parallel_loop3A_124 {strides = array<i32>} : memref<16x1x2048xf32, #tpu.memory_space<vmem>>, vector<16xf32>,
      %parallel_loop3A_149 = arith.constant 4 : i32
      %parallel_loop3A_150 = arith.constant 0 : i32
      %parallel_loop3A_151 = arith.index_cast %parallel_loop3A_149 : i32 to index
      %parallel_loop3A_152 = arith.index_cast %parallel_loop3A_150 : i32 to index
      %parallel_loop3A_153 = arith.index_cast %parallel_loop3A_116 : i32 to index
      %parallel_loop3A_154 = tpu.vector_load %arg11[%parallel_loop3A_151, %parallel_loop3A_152, %parallel_loop3A_153] {strides = array<i32>} : memref<16x1x2048xf32, #tpu.memory_space<vmem>>, vector<16xf32>,
      tpu.vector_store %arg11[%parallel_loop3A_151, %parallel_loop3A_152, %parallel_loop3A_153], %parallel_loop3A_124 {strides = array<i32>} : memref<16x1x2048xf32, #tpu.memory_space<vmem>>, vector<16xf32>,
      %parallel_loop3A_155 = arith.constant 5 : i32
      %parallel_loop3A_156 = arith.constant 0 : i32
      %parallel_loop3A_157 = arith.index_cast %parallel_loop3A_155 : i32 to index
      %parallel_loop3A_158 = arith.index_cast %parallel_loop3A_156 : i32 to index
      %parallel_loop3A_159 = arith.index_cast %parallel_loop3A_116 : i32 to index
      %parallel_loop3A_160 = tpu.vector_load %arg11[%parallel_loop3A_157, %parallel_loop3A_158, %parallel_loop3A_159] {strides = array<i32>} : memref<16x1x2048xf32, #tpu.memory_space<vmem>>, vector<16xf32>,
      tpu.vector_store %arg11[%parallel_loop3A_157, %parallel_loop3A_158, %parallel_loop3A_159], %parallel_loop3A_124 {strides = array<i32>} : memref<16x1x2048xf32, #tpu.memory_space<vmem>>, vector<16xf32>,
      %parallel_loop3A_161 = arith.constant 6 : i32
      %parallel_loop3A_162 = arith.constant 0 : i32
      %parallel_loop3A_163 = arith.index_cast %parallel_loop3A_161 : i32 to index
      %parallel_loop3A_164 = arith.index_cast %parallel_loop3A_162 : i32 to index
      %parallel_loop3A_165 = arith.index_cast %parallel_loop3A_116 : i32 to index
      %parallel_loop3A_166 = tpu.vector_load %arg11[%parallel_loop3A_163, %parallel_loop3A_164, %parallel_loop3A_165] {strides = array<i32>} : memref<16x1x2048xf32, #tpu.memory_space<vmem>>, vector<16xf32>,
      tpu.vector_store %arg11[%parallel_loop3A_163, %parallel_loop3A_164, %parallel_loop3A_165], %parallel_loop3A_124 {strides = array<i32>} : memref<16x1x2048xf32, #tpu.memory_space<vmem>>, vector<16xf32>,
      %parallel_loop3A_167 = arith.constant 7 : i32
      %parallel_loop3A_168 = arith.constant 0 : i32
      %parallel_loop3A_169 = arith.index_cast %parallel_loop3A_167 : i32 to index
      %parallel_loop3A_170 = arith.index_cast %parallel_loop3A_168 : i32 to index
      %parallel_loop3A_171 = arith.index_cast %parallel_loop3A_116 : i32 to index
      %parallel_loop3A_172 = tpu.vector_load %arg11[%parallel_loop3A_169, %parallel_loop3A_170, %parallel_loop3A_171] {strides = array<i32>} : memref<16x1x2048xf32, #tpu.memory_space<vmem>>, vector<16xf32>,
      tpu.vector_store %arg11[%parallel_loop3A_169, %parallel_loop3A_170, %parallel_loop3A_171], %parallel_loop3A_124 {strides = array<i32>} : memref<16x1x2048xf32, #tpu.memory_space<vmem>>, vector<16xf32>,
      %parallel_loop3A_173 = arith.constant 8 : i32
      %parallel_loop3A_174 = arith.constant 0 : i32
      %parallel_loop3A_175 = arith.index_cast %parallel_loop3A_173 : i32 to index
      %parallel_loop3A_176 = arith.index_cast %parallel_loop3A_174 : i32 to index
      %parallel_loop3A_177 = arith.index_cast %parallel_loop3A_116 : i32 to index
      %parallel_loop3A_178 = tpu.vector_load %arg11[%parallel_loop3A_175, %parallel_loop3A_176, %parallel_loop3A_177] {strides = array<i32>} : memref<16x1x2048xf32, #tpu.memory_space<vmem>>, vector<16xf32>,
      tpu.vector_store %arg11[%parallel_loop3A_175, %parallel_loop3A_176, %parallel_loop3A_177], %parallel_loop3A_124 {strides = array<i32>} : memref<16x1x2048xf32, #tpu.memory_space<vmem>>, vector<16xf32>,
      %parallel_loop3A_179 = arith.constant 9 : i32
      %parallel_loop3A_180 = arith.constant 0 : i32
      %parallel_loop3A_181 = arith.index_cast %parallel_loop3A_179 : i32 to index
      %parallel_loop3A_182 = arith.index_cast %parallel_loop3A_180 : i32 to index
      %parallel_loop3A_183 = arith.index_cast %parallel_loop3A_116 : i32 to index
      %parallel_loop3A_184 = tpu.vector_load %arg11[%parallel_loop3A_181, %parallel_loop3A_182, %parallel_loop3A_183] {strides = array<i32>} : memref<16x1x2048xf32, #tpu.memory_space<vmem>>, vector<16xf32>,
      tpu.vector_store %arg11[%parallel_loop3A_181, %parallel_loop3A_182, %parallel_loop3A_183], %parallel_loop3A_124 {strides = array<i32>} : memref<16x1x2048xf32, #tpu.memory_space<vmem>>, vector<16xf32>,
      %parallel_loop3A_185 = arith.constant 10 : i32
      %parallel_loop3A_186 = arith.constant 0 : i32
      %parallel_loop3A_187 = arith.index_cast %parallel_loop3A_185 : i32 to index
      %parallel_loop3A_188 = arith.index_cast %parallel_loop3A_186 : i32 to index
      %parallel_loop3A_189 = arith.index_cast %parallel_loop3A_116 : i32 to index
      %parallel_loop3A_190 = tpu.vector_load %arg11[%parallel_loop3A_187, %parallel_loop3A_188, %parallel_loop3A_189] {strides = array<i32>} : memref<16x1x2048xf32, #tpu.memory_space<vmem>>, vector<16xf32>,
      tpu.vector_store %arg11[%parallel_loop3A_187, %parallel_loop3A_188, %parallel_loop3A_189], %parallel_loop3A_124 {strides = array<i32>} : memref<16x1x2048xf32, #tpu.memory_space<vmem>>, vector<16xf32>,
      %parallel_loop3A_191 = arith.constant 11 : i32
      %parallel_loop3A_192 = arith.constant 0 : i32
      %parallel_loop3A_193 = arith.index_cast %parallel_loop3A_191 : i32 to index
      %parallel_loop3A_194 = arith.index_cast %parallel_loop3A_192 : i32 to index
      %parallel_loop3A_195 = arith.index_cast %parallel_loop3A_116 : i32 to index
      %parallel_loop3A_196 = tpu.vector_load %arg11[%parallel_loop3A_193, %parallel_loop3A_194, %parallel_loop3A_195] {strides = array<i32>} : memref<16x1x2048xf32, #tpu.memory_space<vmem>>, vector<16xf32>,
      tpu.vector_store %arg11[%parallel_loop3A_193, %parallel_loop3A_194, %parallel_loop3A_195], %parallel_loop3A_124 {strides = array<i32>} : memref<16x1x2048xf32, #tpu.memory_space<vmem>>, vector<16xf32>,
      %parallel_loop3A_197 = arith.constant 12 : i32
      %parallel_loop3A_198 = arith.constant 0 : i32
      %parallel_loop3A_199 = arith.index_cast %parallel_loop3A_197 : i32 to index
      %parallel_loop3A_200 = arith.index_cast %parallel_loop3A_198 : i32 to index
      %parallel_loop3A_201 = arith.index_cast %parallel_loop3A_116 : i32 to index
      %parallel_loop3A_202 = tpu.vector_load %arg11[%parallel_loop3A_199, %parallel_loop3A_200, %parallel_loop3A_201] {strides = array<i32>} : memref<16x1x2048xf32, #tpu.memory_space<vmem>>, vector<16xf32>,
      tpu.vector_store %arg11[%parallel_loop3A_199, %parallel_loop3A_200, %parallel_loop3A_201], %parallel_loop3A_124 {strides = array<i32>} : memref<16x1x2048xf32, #tpu.memory_space<vmem>>, vector<16xf32>,
      %parallel_loop3A_203 = arith.constant 13 : i32
      %parallel_loop3A_204 = arith.constant 0 : i32
      %parallel_loop3A_205 = arith.index_cast %parallel_loop3A_203 : i32 to index
      %parallel_loop3A_206 = arith.index_cast %parallel_loop3A_204 : i32 to index
      %parallel_loop3A_207 = arith.index_cast %parallel_loop3A_116 : i32 to index
      %parallel_loop3A_208 = tpu.vector_load %arg11[%parallel_loop3A_205, %parallel_loop3A_206, %parallel_loop3A_207] {strides = array<i32>} : memref<16x1x2048xf32, #tpu.memory_space<vmem>>, vector<16xf32>,
      tpu.vector_store %arg11[%parallel_loop3A_205, %parallel_loop3A_206, %parallel_loop3A_207], %parallel_loop3A_124 {strides = array<i32>} : memref<16x1x2048xf32, #tpu.memory_space<vmem>>, vector<16xf32>,
      %parallel_loop3A_209 = arith.constant 14 : i32
      %parallel_loop3A_210 = arith.constant 0 : i32
      %parallel_loop3A_211 = arith.index_cast %parallel_loop3A_209 : i32 to index
      %parallel_loop3A_212 = arith.index_cast %parallel_loop3A_210 : i32 to index
      %parallel_loop3A_213 = arith.index_cast %parallel_loop3A_116 : i32 to index
      %parallel_loop3A_214 = tpu.vector_load %arg11[%parallel_loop3A_211, %parallel_loop3A_212, %parallel_loop3A_213] {strides = array<i32>} : memref<16x1x2048xf32, #tpu.memory_space<vmem>>, vector<16xf32>,
      tpu.vector_store %arg11[%parallel_loop3A_211, %parallel_loop3A_212, %parallel_loop3A_213], %parallel_loop3A_124 {strides = array<i32>} : memref<16x1x2048xf32, #tpu.memory_space<vmem>>, vector<16xf32>,
      %parallel_loop3A_215 = arith.constant 15 : i32
      %parallel_loop3A_216 = arith.constant 0 : i32
      %parallel_loop3A_217 = arith.index_cast %parallel_loop3A_215 : i32 to index
      %parallel_loop3A_218 = arith.index_cast %parallel_loop3A_216 : i32 to index
      %parallel_loop3A_219 = arith.index_cast %parallel_loop3A_116 : i32 to index
      %parallel_loop3A_220 = tpu.vector_load %arg11[%parallel_loop3A_217, %parallel_loop3A_218, %parallel_loop3A_219] {strides = array<i32>} : memref<16x1x2048xf32, #tpu.memory_space<vmem>>, vector<16xf32>,
      tpu.vector_store %arg11[%parallel_loop3A_217, %parallel_loop3A_218, %parallel_loop3A_219], %parallel_loop3A_124 {strides = array<i32>} : memref<16x1x2048xf32, #tpu.memory_space<vmem>>, vector<16xf32>,
    } {sc.loop_unroll_factor = 2 : i64, sc.parallel_access}
    %dma_wait3A = arith.constant 0 : i32
    %dma_wait3A_22 = arith.constant 0 : i32
    %dma_wait3A_23 = arith.constant 0 : i32
    %dma_wait3A_24 = tpu.memref_slice %arg2[%dma_wait3A, %add3A, %dma_wait3A_22, %dma_wait3A_23] : memref<64x32x1x2048xf32, #tpu.memory_space<hbm>> -> memref<8x1x1x2048xf32, #tpu.memory_space<hbm>>
    %dma_wait3A_25 = tpu.memref_squeeze %dma_wait3A_24 : memref<8x1x1x2048xf32, #tpu.memory_space<hbm>> -> memref<8x1x2048xf32, #tpu.memory_space<hbm>>
    %dma_wait3A_26 = arith.constant 0 : i32
    %dma_wait3A_27 = arith.constant 0 : i32
    %dma_wait3A_28 = arith.constant 0 : i32
    %dma_wait3A_29 = tpu.memref_slice %arg2[%dma_wait3A_26, %add3A, %dma_wait3A_27, %dma_wait3A_28] : memref<64x32x1x2048xf32, #tpu.memory_space<hbm>> -> memref<8x1x1x2048xf32, #tpu.memory_space<hbm>>
    %dma_wait3A_30 = tpu.memref_squeeze %dma_wait3A_29 : memref<8x1x1x2048xf32, #tpu.memory_space<hbm>> -> memref<8x1x2048xf32, #tpu.memory_space<hbm>>
    tpu.wait_dma2 semaphore(%arg12 : memref<!tpu.dma_semaphore, #tpu.memory_space<semaphore_mem>>) src(%dma_wait3A_30 : memref<8x1x2048xf32, #tpu.memory_space<hbm>>) dst(%arg5 : memref<8x1x2048xf32, #tpu.memory_space<vmem>>)
    %parallel_loop3A_31 = arith.constant 0 : i32
    %parallel_loop3A_32 = arith.constant 128 : i32
    %parallel_loop3A_33 = arith.constant 1 : i32
    scf.for %parallel_loop3A_114 = %parallel_loop3A_31 to %parallel_loop3A_32 step %parallel_loop3A_33  : i32 {
      %parallel_loop3A_115 = arith.constant 16 : i32
      %parallel_loop3A_116 = arith.muli %parallel_loop3A_114, %parallel_loop3A_115 : i32
      %parallel_loop3A_117 = arith.constant 16 : i32
      %parallel_loop3A_118 = arith.muli %parallel_loop3A_114, %parallel_loop3A_117 : i32
      %parallel_loop3A_119 = arith.index_cast %parallel_loop3A_118 : i32 to index
      %parallel_loop3A_120 = tpu.vector_load %arg9[%parallel_loop3A_119] {strides = array<i32>} : memref<2048xf32, #tpu.memory_space<vmem>>, vector<16xf32>,
      %parallel_loop3A_121 = arith.constant 0 : i32
      %parallel_loop3A_122 = arith.constant 0 : i32
      %parallel_loop3A_123 = arith.index_cast %parallel_loop3A_121 : i32 to index
      %parallel_loop3A_124 = arith.index_cast %parallel_loop3A_122 : i32 to index
      %parallel_loop3A_125 = arith.index_cast %parallel_loop3A_116 : i32 to index
      %parallel_loop3A_126 = tpu.vector_load %arg5[%parallel_loop3A_123, %parallel_loop3A_124, %parallel_loop3A_125] {strides = array<i32>} : memref<8x1x2048xf32, #tpu.memory_space<vmem>>, vector<16xf32>,
      %parallel_loop3A_127 = arith.addf %parallel_loop3A_120, %parallel_loop3A_126 : vector<16xf32>
      %parallel_loop3A_128 = arith.constant 1.000000e+00 : f32
      %parallel_loop3A_129 = vector.broadcast %parallel_loop3A_128 : f32 to vector<16xf32>
      %parallel_loop3A_130 = arith.cmpf oge, %parallel_loop3A_127, %parallel_loop3A_129 : vector<16xf32>
      %parallel_loop3A_131 = arith.constant 1.000000e+00 : f32
      %parallel_loop3A_132 = arith.constant 0.000000e+00 : f32
      %parallel_loop3A_133 = vector.broadcast %parallel_loop3A_131 : f32 to vector<16xf32>
      %parallel_loop3A_134 = vector.broadcast %parallel_loop3A_132 : f32 to vector<16xf32>
      %parallel_loop3A_135 = arith.select %parallel_loop3A_130, %parallel_loop3A_133, %parallel_loop3A_134 : vector<16xi1>, vector<16xf32>
      %parallel_loop3A_136 = arith.constant 0 : i32
      %parallel_loop3A_137 = arith.constant 0 : i32
      %parallel_loop3A_138 = arith.index_cast %parallel_loop3A_136 : i32 to index
      %parallel_loop3A_139 = arith.index_cast %parallel_loop3A_137 : i32 to index
      %parallel_loop3A_140 = arith.index_cast %parallel_loop3A_116 : i32 to index
      %parallel_loop3A_141 = tpu.vector_load %arg7[%parallel_loop3A_138, %parallel_loop3A_139, %parallel_loop3A_140] {strides = array<i32>} : memref<8x1x2048xf32, #tpu.memory_space<vmem>>, vector<16xf32>,
      tpu.vector_store %arg7[%parallel_loop3A_138, %parallel_loop3A_139, %parallel_loop3A_140], %parallel_loop3A_135 {strides = array<i32>} : memref<8x1x2048xf32, #tpu.memory_space<vmem>>, vector<16xf32>,
      %parallel_loop3A_142 = arith.constant 1 : i32
      %parallel_loop3A_143 = arith.constant 0 : i32
      %parallel_loop3A_144 = arith.index_cast %parallel_loop3A_142 : i32 to index
      %parallel_loop3A_145 = arith.index_cast %parallel_loop3A_143 : i32 to index
      %parallel_loop3A_146 = arith.index_cast %parallel_loop3A_116 : i32 to index
      %parallel_loop3A_147 = tpu.vector_load %arg5[%parallel_loop3A_144, %parallel_loop3A_145, %parallel_loop3A_146] {strides = array<i32>} : memref<8x1x2048xf32, #tpu.memory_space<vmem>>, vector<16xf32>,
      %parallel_loop3A_148 = arith.addf %parallel_loop3A_127, %parallel_loop3A_147 : vector<16xf32>
      %parallel_loop3A_149 = arith.constant 1.000000e+00 : f32
      %parallel_loop3A_150 = vector.broadcast %parallel_loop3A_149 : f32 to vector<16xf32>
      %parallel_loop3A_151 = arith.cmpf oge, %parallel_loop3A_148, %parallel_loop3A_150 : vector<16xf32>
      %parallel_loop3A_152 = arith.constant 1.000000e+00 : f32
      %parallel_loop3A_153 = arith.constant 0.000000e+00 : f32
      %parallel_loop3A_154 = vector.broadcast %parallel_loop3A_152 : f32 to vector<16xf32>
      %parallel_loop3A_155 = vector.broadcast %parallel_loop3A_153 : f32 to vector<16xf32>
      %parallel_loop3A_156 = arith.select %parallel_loop3A_151, %parallel_loop3A_154, %parallel_loop3A_155 : vector<16xi1>, vector<16xf32>
      %parallel_loop3A_157 = arith.constant 1 : i32
      %parallel_loop3A_158 = arith.constant 0 : i32
      %parallel_loop3A_159 = arith.index_cast %parallel_loop3A_157 : i32 to index
      %parallel_loop3A_160 = arith.index_cast %parallel_loop3A_158 : i32 to index
      %parallel_loop3A_161 = arith.index_cast %parallel_loop3A_116 : i32 to index
      %parallel_loop3A_162 = tpu.vector_load %arg7[%parallel_loop3A_159, %parallel_loop3A_160, %parallel_loop3A_161] {strides = array<i32>} : memref<8x1x2048xf32, #tpu.memory_space<vmem>>, vector<16xf32>,
      tpu.vector_store %arg7[%parallel_loop3A_159, %parallel_loop3A_160, %parallel_loop3A_161], %parallel_loop3A_156 {strides = array<i32>} : memref<8x1x2048xf32, #tpu.memory_space<vmem>>, vector<16xf32>,
      %parallel_loop3A_163 = arith.constant 2 : i32
      %parallel_loop3A_164 = arith.constant 0 : i32
      %parallel_loop3A_165 = arith.index_cast %parallel_loop3A_163 : i32 to index
      %parallel_loop3A_166 = arith.index_cast %parallel_loop3A_164 : i32 to index
      %parallel_loop3A_167 = arith.index_cast %parallel_loop3A_116 : i32 to index
      %parallel_loop3A_168 = tpu.vector_load %arg5[%parallel_loop3A_165, %parallel_loop3A_166, %parallel_loop3A_167] {strides = array<i32>} : memref<8x1x2048xf32, #tpu.memory_space<vmem>>, vector<16xf32>,
      %parallel_loop3A_169 = arith.addf %parallel_loop3A_148, %parallel_loop3A_168 : vector<16xf32>
      %parallel_loop3A_170 = arith.constant 1.000000e+00 : f32
      %parallel_loop3A_171 = vector.broadcast %parallel_loop3A_170 : f32 to vector<16xf32>
      %parallel_loop3A_172 = arith.cmpf oge, %parallel_loop3A_169, %parallel_loop3A_171 : vector<16xf32>
      %parallel_loop3A_173 = arith.constant 1.000000e+00 : f32
      %parallel_loop3A_174 = arith.constant 0.000000e+00 : f32
      %parallel_loop3A_175 = vector.broadcast %parallel_loop3A_173 : f32 to vector<16xf32>
      %parallel_loop3A_176 = vector.broadcast %parallel_loop3A_174 : f32 to vector<16xf32>
      %parallel_loop3A_177 = arith.select %parallel_loop3A_172, %parallel_loop3A_175, %parallel_loop3A_176 : vector<16xi1>, vector<16xf32>
      %parallel_loop3A_178 = arith.constant 2 : i32
      %parallel_loop3A_179 = arith.constant 0 : i32
      %parallel_loop3A_180 = arith.index_cast %parallel_loop3A_178 : i32 to index
      %parallel_loop3A_181 = arith.index_cast %parallel_loop3A_179 : i32 to index
      %parallel_loop3A_182 = arith.index_cast %parallel_loop3A_116 : i32 to index
      %parallel_loop3A_183 = tpu.vector_load %arg7[%parallel_loop3A_180, %parallel_loop3A_181, %parallel_loop3A_182] {strides = array<i32>} : memref<8x1x2048xf32, #tpu.memory_space<vmem>>, vector<16xf32>,
      tpu.vector_store %arg7[%parallel_loop3A_180, %parallel_loop3A_181, %parallel_loop3A_182], %parallel_loop3A_177 {strides = array<i32>} : memref<8x1x2048xf32, #tpu.memory_space<vmem>>, vector<16xf32>,
      %parallel_loop3A_184 = arith.constant 3 : i32
      %parallel_loop3A_185 = arith.constant 0 : i32
      %parallel_loop3A_186 = arith.index_cast %parallel_loop3A_184 : i32 to index
      %parallel_loop3A_187 = arith.index_cast %parallel_loop3A_185 : i32 to index
      %parallel_loop3A_188 = arith.index_cast %parallel_loop3A_116 : i32 to index
      %parallel_loop3A_189 = tpu.vector_load %arg5[%parallel_loop3A_186, %parallel_loop3A_187, %parallel_loop3A_188] {strides = array<i32>} : memref<8x1x2048xf32, #tpu.memory_space<vmem>>, vector<16xf32>,
      %parallel_loop3A_190 = arith.addf %parallel_loop3A_169, %parallel_loop3A_189 : vector<16xf32>
      %parallel_loop3A_191 = arith.constant 1.000000e+00 : f32
      %parallel_loop3A_192 = vector.broadcast %parallel_loop3A_191 : f32 to vector<16xf32>
      %parallel_loop3A_193 = arith.cmpf oge, %parallel_loop3A_190, %parallel_loop3A_192 : vector<16xf32>
      %parallel_loop3A_194 = arith.constant 1.000000e+00 : f32
      %parallel_loop3A_195 = arith.constant 0.000000e+00 : f32
      %parallel_loop3A_196 = vector.broadcast %parallel_loop3A_194 : f32 to vector<16xf32>
      %parallel_loop3A_197 = vector.broadcast %parallel_loop3A_195 : f32 to vector<16xf32>
      %parallel_loop3A_198 = arith.select %parallel_loop3A_193, %parallel_loop3A_196, %parallel_loop3A_197 : vector<16xi1>, vector<16xf32>
      %parallel_loop3A_199 = arith.constant 3 : i32
      %parallel_loop3A_200 = arith.constant 0 : i32
      %parallel_loop3A_201 = arith.index_cast %parallel_loop3A_199 : i32 to index
      %parallel_loop3A_202 = arith.index_cast %parallel_loop3A_200 : i32 to index
      %parallel_loop3A_203 = arith.index_cast %parallel_loop3A_116 : i32 to index
      %parallel_loop3A_204 = tpu.vector_load %arg7[%parallel_loop3A_201, %parallel_loop3A_202, %parallel_loop3A_203] {strides = array<i32>} : memref<8x1x2048xf32, #tpu.memory_space<vmem>>, vector<16xf32>,
      tpu.vector_store %arg7[%parallel_loop3A_201, %parallel_loop3A_202, %parallel_loop3A_203], %parallel_loop3A_198 {strides = array<i32>} : memref<8x1x2048xf32, #tpu.memory_space<vmem>>, vector<16xf32>,
      %parallel_loop3A_205 = arith.constant 4 : i32
      %parallel_loop3A_206 = arith.constant 0 : i32
      %parallel_loop3A_207 = arith.index_cast %parallel_loop3A_205 : i32 to index
      %parallel_loop3A_208 = arith.index_cast %parallel_loop3A_206 : i32 to index
      %parallel_loop3A_209 = arith.index_cast %parallel_loop3A_116 : i32 to index
      %parallel_loop3A_210 = tpu.vector_load %arg5[%parallel_loop3A_207, %parallel_loop3A_208, %parallel_loop3A_209] {strides = array<i32>} : memref<8x1x2048xf32, #tpu.memory_space<vmem>>, vector<16xf32>,
      %parallel_loop3A_211 = arith.addf %parallel_loop3A_190, %parallel_loop3A_210 : vector<16xf32>
      %parallel_loop3A_212 = arith.constant 1.000000e+00 : f32
      %parallel_loop3A_213 = vector.broadcast %parallel_loop3A_212 : f32 to vector<16xf32>
      %parallel_loop3A_214 = arith.cmpf oge, %parallel_loop3A_211, %parallel_loop3A_213 : vector<16xf32>
      %parallel_loop3A_215 = arith.constant 1.000000e+00 : f32
      %parallel_loop3A_216 = arith.constant 0.000000e+00 : f32
      %parallel_loop3A_217 = vector.broadcast %parallel_loop3A_215 : f32 to vector<16xf32>
      %parallel_loop3A_218 = vector.broadcast %parallel_loop3A_216 : f32 to vector<16xf32>
      %parallel_loop3A_219 = arith.select %parallel_loop3A_214, %parallel_loop3A_217, %parallel_loop3A_218 : vector<16xi1>, vector<16xf32>
      %parallel_loop3A_220 = arith.constant 4 : i32
      %parallel_loop3A_221 = arith.constant 0 : i32
      %parallel_loop3A_222 = arith.index_cast %parallel_loop3A_220 : i32 to index
      %parallel_loop3A_223 = arith.index_cast %parallel_loop3A_221 : i32 to index
      %parallel_loop3A_224 = arith.index_cast %parallel_loop3A_116 : i32 to index
      %parallel_loop3A_225 = tpu.vector_load %arg7[%parallel_loop3A_222, %parallel_loop3A_223, %parallel_loop3A_224] {strides = array<i32>} : memref<8x1x2048xf32, #tpu.memory_space<vmem>>, vector<16xf32>,
      tpu.vector_store %arg7[%parallel_loop3A_222, %parallel_loop3A_223, %parallel_loop3A_224], %parallel_loop3A_219 {strides = array<i32>} : memref<8x1x2048xf32, #tpu.memory_space<vmem>>, vector<16xf32>,
      %parallel_loop3A_226 = arith.constant 5 : i32
      %parallel_loop3A_227 = arith.constant 0 : i32
      %parallel_loop3A_228 = arith.index_cast %parallel_loop3A_226 : i32 to index
      %parallel_loop3A_229 = arith.index_cast %parallel_loop3A_227 : i32 to index
      %parallel_loop3A_230 = arith.index_cast %parallel_loop3A_116 : i32 to index
      %parallel_loop3A_231 = tpu.vector_load %arg5[%parallel_loop3A_228, %parallel_loop3A_229, %parallel_loop3A_230] {strides = array<i32>} : memref<8x1x2048xf32, #tpu.memory_space<vmem>>, vector<16xf32>,
      %parallel_loop3A_232 = arith.addf %parallel_loop3A_211, %parallel_loop3A_231 : vector<16xf32>
      %parallel_loop3A_233 = arith.constant 1.000000e+00 : f32
      %parallel_loop3A_234 = vector.broadcast %parallel_loop3A_233 : f32 to vector<16xf32>
      %parallel_loop3A_235 = arith.cmpf oge, %parallel_loop3A_232, %parallel_loop3A_234 : vector<16xf32>
      %parallel_loop3A_236 = arith.constant 1.000000e+00 : f32
      %parallel_loop3A_237 = arith.constant 0.000000e+00 : f32
      %parallel_loop3A_238 = vector.broadcast %parallel_loop3A_236 : f32 to vector<16xf32>
      %parallel_loop3A_239 = vector.broadcast %parallel_loop3A_237 : f32 to vector<16xf32>
      %parallel_loop3A_240 = arith.select %parallel_loop3A_235, %parallel_loop3A_238, %parallel_loop3A_239 : vector<16xi1>, vector<16xf32>
      %parallel_loop3A_241 = arith.constant 5 : i32
      %parallel_loop3A_242 = arith.constant 0 : i32
      %parallel_loop3A_243 = arith.index_cast %parallel_loop3A_241 : i32 to index
      %parallel_loop3A_244 = arith.index_cast %parallel_loop3A_242 : i32 to index
      %parallel_loop3A_245 = arith.index_cast %parallel_loop3A_116 : i32 to index
      %parallel_loop3A_246 = tpu.vector_load %arg7[%parallel_loop3A_243, %parallel_loop3A_244, %parallel_loop3A_245] {strides = array<i32>} : memref<8x1x2048xf32, #tpu.memory_space<vmem>>, vector<16xf32>,
      tpu.vector_store %arg7[%parallel_loop3A_243, %parallel_loop3A_244, %parallel_loop3A_245], %parallel_loop3A_240 {strides = array<i32>} : memref<8x1x2048xf32, #tpu.memory_space<vmem>>, vector<16xf32>,
      %parallel_loop3A_247 = arith.constant 6 : i32
      %parallel_loop3A_248 = arith.constant 0 : i32
      %parallel_loop3A_249 = arith.index_cast %parallel_loop3A_247 : i32 to index
      %parallel_loop3A_250 = arith.index_cast %parallel_loop3A_248 : i32 to index
      %parallel_loop3A_251 = arith.index_cast %parallel_loop3A_116 : i32 to index
      %parallel_loop3A_252 = tpu.vector_load %arg5[%parallel_loop3A_249, %parallel_loop3A_250, %parallel_loop3A_251] {strides = array<i32>} : memref<8x1x2048xf32, #tpu.memory_space<vmem>>, vector<16xf32>,
      %parallel_loop3A_253 = arith.addf %parallel_loop3A_232, %parallel_loop3A_252 : vector<16xf32>
      %parallel_loop3A_254 = arith.constant 1.000000e+00 : f32
      %parallel_loop3A_255 = vector.broadcast %parallel_loop3A_254 : f32 to vector<16xf32>
      %parallel_loop3A_256 = arith.cmpf oge, %parallel_loop3A_253, %parallel_loop3A_255 : vector<16xf32>
      %parallel_loop3A_257 = arith.constant 1.000000e+00 : f32
      %parallel_loop3A_258 = arith.constant 0.000000e+00 : f32
      %parallel_loop3A_259 = vector.broadcast %parallel_loop3A_257 : f32 to vector<16xf32>
      %parallel_loop3A_260 = vector.broadcast %parallel_loop3A_258 : f32 to vector<16xf32>
      %parallel_loop3A_261 = arith.select %parallel_loop3A_256, %parallel_loop3A_259, %parallel_loop3A_260 : vector<16xi1>, vector<16xf32>
      %parallel_loop3A_262 = arith.constant 6 : i32
      %parallel_loop3A_263 = arith.constant 0 : i32
      %parallel_loop3A_264 = arith.index_cast %parallel_loop3A_262 : i32 to index
      %parallel_loop3A_265 = arith.index_cast %parallel_loop3A_263 : i32 to index
      %parallel_loop3A_266 = arith.index_cast %parallel_loop3A_116 : i32 to index
      %parallel_loop3A_267 = tpu.vector_load %arg7[%parallel_loop3A_264, %parallel_loop3A_265, %parallel_loop3A_266] {strides = array<i32>} : memref<8x1x2048xf32, #tpu.memory_space<vmem>>, vector<16xf32>,
      tpu.vector_store %arg7[%parallel_loop3A_264, %parallel_loop3A_265, %parallel_loop3A_266], %parallel_loop3A_261 {strides = array<i32>} : memref<8x1x2048xf32, #tpu.memory_space<vmem>>, vector<16xf32>,
      %parallel_loop3A_268 = arith.constant 7 : i32
      %parallel_loop3A_269 = arith.constant 0 : i32
      %parallel_loop3A_270 = arith.index_cast %parallel_loop3A_268 : i32 to index
      %parallel_loop3A_271 = arith.index_cast %parallel_loop3A_269 : i32 to index
      %parallel_loop3A_272 = arith.index_cast %parallel_loop3A_116 : i32 to index
      %parallel_loop3A_273 = tpu.vector_load %arg5[%parallel_loop3A_270, %parallel_loop3A_271, %parallel_loop3A_272] {strides = array<i32>} : memref<8x1x2048xf32, #tpu.memory_space<vmem>>, vector<16xf32>,
      %parallel_loop3A_274 = arith.addf %parallel_loop3A_253, %parallel_loop3A_273 : vector<16xf32>
      %parallel_loop3A_275 = arith.constant 1.000000e+00 : f32
      %parallel_loop3A_276 = vector.broadcast %parallel_loop3A_275 : f32 to vector<16xf32>
      %parallel_loop3A_277 = arith.cmpf oge, %parallel_loop3A_274, %parallel_loop3A_276 : vector<16xf32>
      %parallel_loop3A_278 = arith.constant 1.000000e+00 : f32
      %parallel_loop3A_279 = arith.constant 0.000000e+00 : f32
      %parallel_loop3A_280 = vector.broadcast %parallel_loop3A_278 : f32 to vector<16xf32>
      %parallel_loop3A_281 = vector.broadcast %parallel_loop3A_279 : f32 to vector<16xf32>
      %parallel_loop3A_282 = arith.select %parallel_loop3A_277, %parallel_loop3A_280, %parallel_loop3A_281 : vector<16xi1>, vector<16xf32>
      %parallel_loop3A_283 = arith.constant 7 : i32
      %parallel_loop3A_284 = arith.constant 0 : i32
      %parallel_loop3A_285 = arith.index_cast %parallel_loop3A_283 : i32 to index
      %parallel_loop3A_286 = arith.index_cast %parallel_loop3A_284 : i32 to index
      %parallel_loop3A_287 = arith.index_cast %parallel_loop3A_116 : i32 to index
      %parallel_loop3A_288 = tpu.vector_load %arg7[%parallel_loop3A_285, %parallel_loop3A_286, %parallel_loop3A_287] {strides = array<i32>} : memref<8x1x2048xf32, #tpu.memory_space<vmem>>, vector<16xf32>,
      tpu.vector_store %arg7[%parallel_loop3A_285, %parallel_loop3A_286, %parallel_loop3A_287], %parallel_loop3A_282 {strides = array<i32>} : memref<8x1x2048xf32, #tpu.memory_space<vmem>>, vector<16xf32>,
      %parallel_loop3A_289 = arith.index_cast %parallel_loop3A_118 : i32 to index
      %parallel_loop3A_290 = tpu.vector_load %arg9[%parallel_loop3A_289] {strides = array<i32>} : memref<2048xf32, #tpu.memory_space<vmem>>, vector<16xf32>,
      tpu.vector_store %arg9[%parallel_loop3A_289], %parallel_loop3A_274 {strides = array<i32>} : memref<2048xf32, #tpu.memory_space<vmem>>, vector<16xf32>,
    } {sc.loop_unroll_factor = 2 : i64, sc.parallel_access}
    %dma_start3A_34 = arith.constant 0 : i32
    %dma_start3A_35 = arith.constant 0 : i32
    %dma_start3A_36 = arith.constant 0 : i32
    %dma_start3A_37 = tpu.memref_slice %arg4[%dma_start3A_34, %add3A, %dma_start3A_35, %dma_start3A_36] : memref<64x32x1x2048xf32, #tpu.memory_space<hbm>> -> memref<8x1x1x2048xf32, #tpu.memory_space<hbm>>
    %dma_start3A_38 = tpu.memref_squeeze %dma_start3A_37 : memref<8x1x1x2048xf32, #tpu.memory_space<hbm>> -> memref<8x1x2048xf32, #tpu.memory_space<hbm>>
    %dma_start3A_39 = arith.constant 0 : i32
    %dma_start3A_40 = arith.constant 0 : i32
    %dma_start3A_41 = arith.constant 0 : i32
    %dma_start3A_42 = tpu.memref_slice %arg4[%dma_start3A_39, %add3A, %dma_start3A_40, %dma_start3A_41] : memref<64x32x1x2048xf32, #tpu.memory_space<hbm>> -> memref<8x1x1x2048xf32, #tpu.memory_space<hbm>>
    %dma_start3A_43 = tpu.memref_squeeze %dma_start3A_42 : memref<8x1x1x2048xf32, #tpu.memory_space<hbm>> -> memref<8x1x2048xf32, #tpu.memory_space<hbm>>
    tpu.enqueue_dma source(%arg7 : memref<8x1x2048xf32, #tpu.memory_space<vmem>>) target(%dma_start3A_43 : memref<8x1x2048xf32, #tpu.memory_space<hbm>>) target_semaphore(%arg14 : memref<!tpu.dma_semaphore, #tpu.memory_space<semaphore_mem>>)
    %dma_wait3A_44 = arith.constant 0 : i32
    %dma_wait3A_45 = arith.constant 0 : i32
    %dma_wait3A_46 = arith.constant 0 : i32
    %dma_wait3A_47 = tpu.memref_slice %arg2[%dma_wait3A_44, %add3A, %dma_wait3A_45, %dma_wait3A_46] : memref<64x32x1x2048xf32, #tpu.memory_space<hbm>> -> memref<8x1x1x2048xf32, #tpu.memory_space<hbm>>
    %dma_wait3A_48 = tpu.memref_squeeze %dma_wait3A_47 : memref<8x1x1x2048xf32, #tpu.memory_space<hbm>> -> memref<8x1x2048xf32, #tpu.memory_space<hbm>>
    %dma_wait3A_49 = arith.constant 0 : i32
    %dma_wait3A_50 = arith.constant 0 : i32
    %dma_wait3A_51 = arith.constant 0 : i32
    %dma_wait3A_52 = tpu.memref_slice %arg2[%dma_wait3A_49, %add3A, %dma_wait3A_50, %dma_wait3A_51] : memref<64x32x1x2048xf32, #tpu.memory_space<hbm>> -> memref<8x1x1x2048xf32, #tpu.memory_space<hbm>>
    %dma_wait3A_53 = tpu.memref_squeeze %dma_wait3A_52 : memref<8x1x1x2048xf32, #tpu.memory_space<hbm>> -> memref<8x1x2048xf32, #tpu.memory_space<hbm>>
    tpu.wait_dma2 semaphore(%arg13 : memref<!tpu.dma_semaphore, #tpu.memory_space<semaphore_mem>>) src(%dma_wait3A_53 : memref<8x1x2048xf32, #tpu.memory_space<hbm>>) dst(%arg6 : memref<8x1x2048xf32, #tpu.memory_space<vmem>>)
    %parallel_loop3A_54 = arith.constant 0 : i32
    %parallel_loop3A_55 = arith.constant 128 : i32
    %parallel_loop3A_56 = arith.constant 1 : i32
    scf.for %parallel_loop3A_114 = %parallel_loop3A_54 to %parallel_loop3A_55 step %parallel_loop3A_56  : i32 {
      %parallel_loop3A_115 = arith.constant 16 : i32
      %parallel_loop3A_116 = arith.muli %parallel_loop3A_114, %parallel_loop3A_115 : i32
      %parallel_loop3A_117 = arith.constant 16 : i32
      %parallel_loop3A_118 = arith.muli %parallel_loop3A_114, %parallel_loop3A_117 : i32
      %parallel_loop3A_119 = arith.index_cast %parallel_loop3A_118 : i32 to index
      %parallel_loop3A_120 = tpu.vector_load %arg9[%parallel_loop3A_119] {strides = array<i32>} : memref<2048xf32, #tpu.memory_space<vmem>>, vector<16xf32>,
      %parallel_loop3A_121 = arith.constant 0 : i32
      %parallel_loop3A_122 = arith.constant 0 : i32
      %parallel_loop3A_123 = arith.index_cast %parallel_loop3A_121 : i32 to index
      %parallel_loop3A_124 = arith.index_cast %parallel_loop3A_122 : i32 to index
      %parallel_loop3A_125 = arith.index_cast %parallel_loop3A_116 : i32 to index
      %parallel_loop3A_126 = tpu.vector_load %arg6[%parallel_loop3A_123, %parallel_loop3A_124, %parallel_loop3A_125] {strides = array<i32>} : memref<8x1x2048xf32, #tpu.memory_space<vmem>>, vector<16xf32>,
      %parallel_loop3A_127 = arith.addf %parallel_loop3A_120, %parallel_loop3A_126 : vector<16xf32>
      %parallel_loop3A_128 = arith.constant 1.000000e+00 : f32
      %parallel_loop3A_129 = vector.broadcast %parallel_loop3A_128 : f32 to vector<16xf32>
      %parallel_loop3A_130 = arith.cmpf oge, %parallel_loop3A_127, %parallel_loop3A_129 : vector<16xf32>
      %parallel_loop3A_131 = arith.constant 1.000000e+00 : f32
      %parallel_loop3A_132 = arith.constant 0.000000e+00 : f32
      %parallel_loop3A_133 = vector.broadcast %parallel_loop3A_131 : f32 to vector<16xf32>
      %parallel_loop3A_134 = vector.broadcast %parallel_loop3A_132 : f32 to vector<16xf32>
      %parallel_loop3A_135 = arith.select %parallel_loop3A_130, %parallel_loop3A_133, %parallel_loop3A_134 : vector<16xi1>, vector<16xf32>
      %parallel_loop3A_136 = arith.constant 0 : i32
      %parallel_loop3A_137 = arith.constant 0 : i32
      %parallel_loop3A_138 = arith.index_cast %parallel_loop3A_136 : i32 to index
      %parallel_loop3A_139 = arith.index_cast %parallel_loop3A_137 : i32 to index
      %parallel_loop3A_140 = arith.index_cast %parallel_loop3A_116 : i32 to index
      %parallel_loop3A_141 = tpu.vector_load %arg8[%parallel_loop3A_138, %parallel_loop3A_139, %parallel_loop3A_140] {strides = array<i32>} : memref<8x1x2048xf32, #tpu.memory_space<vmem>>, vector<16xf32>,
      tpu.vector_store %arg8[%parallel_loop3A_138, %parallel_loop3A_139, %parallel_loop3A_140], %parallel_loop3A_135 {strides = array<i32>} : memref<8x1x2048xf32, #tpu.memory_space<vmem>>, vector<16xf32>,
      %parallel_loop3A_142 = arith.constant 1 : i32
      %parallel_loop3A_143 = arith.constant 0 : i32
      %parallel_loop3A_144 = arith.index_cast %parallel_loop3A_142 : i32 to index
      %parallel_loop3A_145 = arith.index_cast %parallel_loop3A_143 : i32 to index
      %parallel_loop3A_146 = arith.index_cast %parallel_loop3A_116 : i32 to index
      %parallel_loop3A_147 = tpu.vector_load %arg6[%parallel_loop3A_144, %parallel_loop3A_145, %parallel_loop3A_146] {strides = array<i32>} : memref<8x1x2048xf32, #tpu.memory_space<vmem>>, vector<16xf32>,
      %parallel_loop3A_148 = arith.addf %parallel_loop3A_127, %parallel_loop3A_147 : vector<16xf32>
      %parallel_loop3A_149 = arith.constant 1.000000e+00 : f32
      %parallel_loop3A_150 = vector.broadcast %parallel_loop3A_149 : f32 to vector<16xf32>
      %parallel_loop3A_151 = arith.cmpf oge, %parallel_loop3A_148, %parallel_loop3A_150 : vector<16xf32>
      %parallel_loop3A_152 = arith.constant 1.000000e+00 : f32
      %parallel_loop3A_153 = arith.constant 0.000000e+00 : f32
      %parallel_loop3A_154 = vector.broadcast %parallel_loop3A_152 : f32 to vector<16xf32>
      %parallel_loop3A_155 = vector.broadcast %parallel_loop3A_153 : f32 to vector<16xf32>
      %parallel_loop3A_156 = arith.select %parallel_loop3A_151, %parallel_loop3A_154, %parallel_loop3A_155 : vector<16xi1>, vector<16xf32>
      %parallel_loop3A_157 = arith.constant 1 : i32
      %parallel_loop3A_158 = arith.constant 0 : i32
      %parallel_loop3A_159 = arith.index_cast %parallel_loop3A_157 : i32 to index
      %parallel_loop3A_160 = arith.index_cast %parallel_loop3A_158 : i32 to index
      %parallel_loop3A_161 = arith.index_cast %parallel_loop3A_116 : i32 to index
      %parallel_loop3A_162 = tpu.vector_load %arg8[%parallel_loop3A_159, %parallel_loop3A_160, %parallel_loop3A_161] {strides = array<i32>} : memref<8x1x2048xf32, #tpu.memory_space<vmem>>, vector<16xf32>,
      tpu.vector_store %arg8[%parallel_loop3A_159, %parallel_loop3A_160, %parallel_loop3A_161], %parallel_loop3A_156 {strides = array<i32>} : memref<8x1x2048xf32, #tpu.memory_space<vmem>>, vector<16xf32>,
      %parallel_loop3A_163 = arith.constant 2 : i32
      %parallel_loop3A_164 = arith.constant 0 : i32
      %parallel_loop3A_165 = arith.index_cast %parallel_loop3A_163 : i32 to index
      %parallel_loop3A_166 = arith.index_cast %parallel_loop3A_164 : i32 to index
      %parallel_loop3A_167 = arith.index_cast %parallel_loop3A_116 : i32 to index
      %parallel_loop3A_168 = tpu.vector_load %arg6[%parallel_loop3A_165, %parallel_loop3A_166, %parallel_loop3A_167] {strides = array<i32>} : memref<8x1x2048xf32, #tpu.memory_space<vmem>>, vector<16xf32>,
      %parallel_loop3A_169 = arith.addf %parallel_loop3A_148, %parallel_loop3A_168 : vector<16xf32>
      %parallel_loop3A_170 = arith.constant 1.000000e+00 : f32
      %parallel_loop3A_171 = vector.broadcast %parallel_loop3A_170 : f32 to vector<16xf32>
      %parallel_loop3A_172 = arith.cmpf oge, %parallel_loop3A_169, %parallel_loop3A_171 : vector<16xf32>
      %parallel_loop3A_173 = arith.constant 1.000000e+00 : f32
      %parallel_loop3A_174 = arith.constant 0.000000e+00 : f32
      %parallel_loop3A_175 = vector.broadcast %parallel_loop3A_173 : f32 to vector<16xf32>
      %parallel_loop3A_176 = vector.broadcast %parallel_loop3A_174 : f32 to vector<16xf32>
      %parallel_loop3A_177 = arith.select %parallel_loop3A_172, %parallel_loop3A_175, %parallel_loop3A_176 : vector<16xi1>, vector<16xf32>
      %parallel_loop3A_178 = arith.constant 2 : i32
      %parallel_loop3A_179 = arith.constant 0 : i32
      %parallel_loop3A_180 = arith.index_cast %parallel_loop3A_178 : i32 to index
      %parallel_loop3A_181 = arith.index_cast %parallel_loop3A_179 : i32 to index
      %parallel_loop3A_182 = arith.index_cast %parallel_loop3A_116 : i32 to index
      %parallel_loop3A_183 = tpu.vector_load %arg8[%parallel_loop3A_180, %parallel_loop3A_181, %parallel_loop3A_182] {strides = array<i32>} : memref<8x1x2048xf32, #tpu.memory_space<vmem>>, vector<16xf32>,
      tpu.vector_store %arg8[%parallel_loop3A_180, %parallel_loop3A_181, %parallel_loop3A_182], %parallel_loop3A_177 {strides = array<i32>} : memref<8x1x2048xf32, #tpu.memory_space<vmem>>, vector<16xf32>,
      %parallel_loop3A_184 = arith.constant 3 : i32
      %parallel_loop3A_185 = arith.constant 0 : i32
      %parallel_loop3A_186 = arith.index_cast %parallel_loop3A_184 : i32 to index
      %parallel_loop3A_187 = arith.index_cast %parallel_loop3A_185 : i32 to index
      %parallel_loop3A_188 = arith.index_cast %parallel_loop3A_116 : i32 to index
      %parallel_loop3A_189 = tpu.vector_load %arg6[%parallel_loop3A_186, %parallel_loop3A_187, %parallel_loop3A_188] {strides = array<i32>} : memref<8x1x2048xf32, #tpu.memory_space<vmem>>, vector<16xf32>,
      %parallel_loop3A_190 = arith.addf %parallel_loop3A_169, %parallel_loop3A_189 : vector<16xf32>
      %parallel_loop3A_191 = arith.constant 1.000000e+00 : f32
      %parallel_loop3A_192 = vector.broadcast %parallel_loop3A_191 : f32 to vector<16xf32>
      %parallel_loop3A_193 = arith.cmpf oge, %parallel_loop3A_190, %parallel_loop3A_192 : vector<16xf32>
      %parallel_loop3A_194 = arith.constant 1.000000e+00 : f32
      %parallel_loop3A_195 = arith.constant 0.000000e+00 : f32
      %parallel_loop3A_196 = vector.broadcast %parallel_loop3A_194 : f32 to vector<16xf32>
      %parallel_loop3A_197 = vector.broadcast %parallel_loop3A_195 : f32 to vector<16xf32>
      %parallel_loop3A_198 = arith.select %parallel_loop3A_193, %parallel_loop3A_196, %parallel_loop3A_197 : vector<16xi1>, vector<16xf32>
      %parallel_loop3A_199 = arith.constant 3 : i32
      %parallel_loop3A_200 = arith.constant 0 : i32
      %parallel_loop3A_201 = arith.index_cast %parallel_loop3A_199 : i32 to index
      %parallel_loop3A_202 = arith.index_cast %parallel_loop3A_200 : i32 to index
      %parallel_loop3A_203 = arith.index_cast %parallel_loop3A_116 : i32 to index
      %parallel_loop3A_204 = tpu.vector_load %arg8[%parallel_loop3A_201, %parallel_loop3A_202, %parallel_loop3A_203] {strides = array<i32>} : memref<8x1x2048xf32, #tpu.memory_space<vmem>>, vector<16xf32>,
      tpu.vector_store %arg8[%parallel_loop3A_201, %parallel_loop3A_202, %parallel_loop3A_203], %parallel_loop3A_198 {strides = array<i32>} : memref<8x1x2048xf32, #tpu.memory_space<vmem>>, vector<16xf32>,
      %parallel_loop3A_205 = arith.constant 4 : i32
      %parallel_loop3A_206 = arith.constant 0 : i32
      %parallel_loop3A_207 = arith.index_cast %parallel_loop3A_205 : i32 to index
      %parallel_loop3A_208 = arith.index_cast %parallel_loop3A_206 : i32 to index
      %parallel_loop3A_209 = arith.index_cast %parallel_loop3A_116 : i32 to index
      %parallel_loop3A_210 = tpu.vector_load %arg6[%parallel_loop3A_207, %parallel_loop3A_208, %parallel_loop3A_209] {strides = array<i32>} : memref<8x1x2048xf32, #tpu.memory_space<vmem>>, vector<16xf32>,
      %parallel_loop3A_211 = arith.addf %parallel_loop3A_190, %parallel_loop3A_210 : vector<16xf32>
      %parallel_loop3A_212 = arith.constant 1.000000e+00 : f32
      %parallel_loop3A_213 = vector.broadcast %parallel_loop3A_212 : f32 to vector<16xf32>
      %parallel_loop3A_214 = arith.cmpf oge, %parallel_loop3A_211, %parallel_loop3A_213 : vector<16xf32>
      %parallel_loop3A_215 = arith.constant 1.000000e+00 : f32
      %parallel_loop3A_216 = arith.constant 0.000000e+00 : f32
      %parallel_loop3A_217 = vector.broadcast %parallel_loop3A_215 : f32 to vector<16xf32>
      %parallel_loop3A_218 = vector.broadcast %parallel_loop3A_216 : f32 to vector<16xf32>
      %parallel_loop3A_219 = arith.select %parallel_loop3A_214, %parallel_loop3A_217, %parallel_loop3A_218 : vector<16xi1>, vector<16xf32>
      %parallel_loop3A_220 = arith.constant 4 : i32
      %parallel_loop3A_221 = arith.constant 0 : i32
      %parallel_loop3A_222 = arith.index_cast %parallel_loop3A_220 : i32 to index
      %parallel_loop3A_223 = arith.index_cast %parallel_loop3A_221 : i32 to index
      %parallel_loop3A_224 = arith.index_cast %parallel_loop3A_116 : i32 to index
      %parallel_loop3A_225 = tpu.vector_load %arg8[%parallel_loop3A_222, %parallel_loop3A_223, %parallel_loop3A_224] {strides = array<i32>} : memref<8x1x2048xf32, #tpu.memory_space<vmem>>, vector<16xf32>,
      tpu.vector_store %arg8[%parallel_loop3A_222, %parallel_loop3A_223, %parallel_loop3A_224], %parallel_loop3A_219 {strides = array<i32>} : memref<8x1x2048xf32, #tpu.memory_space<vmem>>, vector<16xf32>,
      %parallel_loop3A_226 = arith.constant 5 : i32
      %parallel_loop3A_227 = arith.constant 0 : i32
      %parallel_loop3A_228 = arith.index_cast %parallel_loop3A_226 : i32 to index
      %parallel_loop3A_229 = arith.index_cast %parallel_loop3A_227 : i32 to index
      %parallel_loop3A_230 = arith.index_cast %parallel_loop3A_116 : i32 to index
      %parallel_loop3A_231 = tpu.vector_load %arg6[%parallel_loop3A_228, %parallel_loop3A_229, %parallel_loop3A_230] {strides = array<i32>} : memref<8x1x2048xf32, #tpu.memory_space<vmem>>, vector<16xf32>,
      %parallel_loop3A_232 = arith.addf %parallel_loop3A_211, %parallel_loop3A_231 : vector<16xf32>
      %parallel_loop3A_233 = arith.constant 1.000000e+00 : f32
      %parallel_loop3A_234 = vector.broadcast %parallel_loop3A_233 : f32 to vector<16xf32>
      %parallel_loop3A_235 = arith.cmpf oge, %parallel_loop3A_232, %parallel_loop3A_234 : vector<16xf32>
      %parallel_loop3A_236 = arith.constant 1.000000e+00 : f32
      %parallel_loop3A_237 = arith.constant 0.000000e+00 : f32
      %parallel_loop3A_238 = vector.broadcast %parallel_loop3A_236 : f32 to vector<16xf32>
      %parallel_loop3A_239 = vector.broadcast %parallel_loop3A_237 : f32 to vector<16xf32>
      %parallel_loop3A_240 = arith.select %parallel_loop3A_235, %parallel_loop3A_238, %parallel_loop3A_239 : vector<16xi1>, vector<16xf32>
      %parallel_loop3A_241 = arith.constant 5 : i32
      %parallel_loop3A_242 = arith.constant 0 : i32
      %parallel_loop3A_243 = arith.index_cast %parallel_loop3A_241 : i32 to index
      %parallel_loop3A_244 = arith.index_cast %parallel_loop3A_242 : i32 to index
      %parallel_loop3A_245 = arith.index_cast %parallel_loop3A_116 : i32 to index
      %parallel_loop3A_246 = tpu.vector_load %arg8[%parallel_loop3A_243, %parallel_loop3A_244, %parallel_loop3A_245] {strides = array<i32>} : memref<8x1x2048xf32, #tpu.memory_space<vmem>>, vector<16xf32>,
      tpu.vector_store %arg8[%parallel_loop3A_243, %parallel_loop3A_244, %parallel_loop3A_245], %parallel_loop3A_240 {strides = array<i32>} : memref<8x1x2048xf32, #tpu.memory_space<vmem>>, vector<16xf32>,
      %parallel_loop3A_247 = arith.constant 6 : i32
      %parallel_loop3A_248 = arith.constant 0 : i32
      %parallel_loop3A_249 = arith.index_cast %parallel_loop3A_247 : i32 to index
      %parallel_loop3A_250 = arith.index_cast %parallel_loop3A_248 : i32 to index
      %parallel_loop3A_251 = arith.index_cast %parallel_loop3A_116 : i32 to index
      %parallel_loop3A_252 = tpu.vector_load %arg6[%parallel_loop3A_249, %parallel_loop3A_250, %parallel_loop3A_251] {strides = array<i32>} : memref<8x1x2048xf32, #tpu.memory_space<vmem>>, vector<16xf32>,
      %parallel_loop3A_253 = arith.addf %parallel_loop3A_232, %parallel_loop3A_252 : vector<16xf32>
      %parallel_loop3A_254 = arith.constant 1.000000e+00 : f32
      %parallel_loop3A_255 = vector.broadcast %parallel_loop3A_254 : f32 to vector<16xf32>
      %parallel_loop3A_256 = arith.cmpf oge, %parallel_loop3A_253, %parallel_loop3A_255 : vector<16xf32>
      %parallel_loop3A_257 = arith.constant 1.000000e+00 : f32
      %parallel_loop3A_258 = arith.constant 0.000000e+00 : f32
      %parallel_loop3A_259 = vector.broadcast %parallel_loop3A_257 : f32 to vector<16xf32>
      %parallel_loop3A_260 = vector.broadcast %parallel_loop3A_258 : f32 to vector<16xf32>
      %parallel_loop3A_261 = arith.select %parallel_loop3A_256, %parallel_loop3A_259, %parallel_loop3A_260 : vector<16xi1>, vector<16xf32>
      %parallel_loop3A_262 = arith.constant 6 : i32
      %parallel_loop3A_263 = arith.constant 0 : i32
      %parallel_loop3A_264 = arith.index_cast %parallel_loop3A_262 : i32 to index
      %parallel_loop3A_265 = arith.index_cast %parallel_loop3A_263 : i32 to index
      %parallel_loop3A_266 = arith.index_cast %parallel_loop3A_116 : i32 to index
      %parallel_loop3A_267 = tpu.vector_load %arg8[%parallel_loop3A_264, %parallel_loop3A_265, %parallel_loop3A_266] {strides = array<i32>} : memref<8x1x2048xf32, #tpu.memory_space<vmem>>, vector<16xf32>,
      tpu.vector_store %arg8[%parallel_loop3A_264, %parallel_loop3A_265, %parallel_loop3A_266], %parallel_loop3A_261 {strides = array<i32>} : memref<8x1x2048xf32, #tpu.memory_space<vmem>>, vector<16xf32>,
      %parallel_loop3A_268 = arith.constant 7 : i32
      %parallel_loop3A_269 = arith.constant 0 : i32
      %parallel_loop3A_270 = arith.index_cast %parallel_loop3A_268 : i32 to index
      %parallel_loop3A_271 = arith.index_cast %parallel_loop3A_269 : i32 to index
      %parallel_loop3A_272 = arith.index_cast %parallel_loop3A_116 : i32 to index
      %parallel_loop3A_273 = tpu.vector_load %arg6[%parallel_loop3A_270, %parallel_loop3A_271, %parallel_loop3A_272] {strides = array<i32>} : memref<8x1x2048xf32, #tpu.memory_space<vmem>>, vector<16xf32>,
      %parallel_loop3A_274 = arith.addf %parallel_loop3A_253, %parallel_loop3A_273 : vector<16xf32>
      %parallel_loop3A_275 = arith.constant 1.000000e+00 : f32
      %parallel_loop3A_276 = vector.broadcast %parallel_loop3A_275 : f32 to vector<16xf32>
      %parallel_loop3A_277 = arith.cmpf oge, %parallel_loop3A_274, %parallel_loop3A_276 : vector<16xf32>
      %parallel_loop3A_278 = arith.constant 1.000000e+00 : f32
      %parallel_loop3A_279 = arith.constant 0.000000e+00 : f32
      %parallel_loop3A_280 = vector.broadcast %parallel_loop3A_278 : f32 to vector<16xf32>
      %parallel_loop3A_281 = vector.broadcast %parallel_loop3A_279 : f32 to vector<16xf32>
      %parallel_loop3A_282 = arith.select %parallel_loop3A_277, %parallel_loop3A_280, %parallel_loop3A_281 : vector<16xi1>, vector<16xf32>
      %parallel_loop3A_283 = arith.constant 7 : i32
      %parallel_loop3A_284 = arith.constant 0 : i32
      %parallel_loop3A_285 = arith.index_cast %parallel_loop3A_283 : i32 to index
      %parallel_loop3A_286 = arith.index_cast %parallel_loop3A_284 : i32 to index
      %parallel_loop3A_287 = arith.index_cast %parallel_loop3A_116 : i32 to index
      %parallel_loop3A_288 = tpu.vector_load %arg8[%parallel_loop3A_285, %parallel_loop3A_286, %parallel_loop3A_287] {strides = array<i32>} : memref<8x1x2048xf32, #tpu.memory_space<vmem>>, vector<16xf32>,
      tpu.vector_store %arg8[%parallel_loop3A_285, %parallel_loop3A_286, %parallel_loop3A_287], %parallel_loop3A_282 {strides = array<i32>} : memref<8x1x2048xf32, #tpu.memory_space<vmem>>, vector<16xf32>,
      %parallel_loop3A_289 = arith.index_cast %parallel_loop3A_118 : i32 to index
      %parallel_loop3A_290 = tpu.vector_load %arg9[%parallel_loop3A_289] {strides = array<i32>} : memref<2048xf32, #tpu.memory_space<vmem>>, vector<16xf32>,
      tpu.vector_store %arg9[%parallel_loop3A_289], %parallel_loop3A_274 {strides = array<i32>} : memref<2048xf32, #tpu.memory_space<vmem>>, vector<16xf32>,
    } {sc.loop_unroll_factor = 2 : i64, sc.parallel_access}
    %dma_start3A_57 = arith.constant 8 : i32
    %dma_start3A_58 = arith.constant 0 : i32
    %dma_start3A_59 = arith.constant 0 : i32
    %dma_start3A_60 = tpu.memref_slice %arg4[%dma_start3A_57, %add3A, %dma_start3A_58, %dma_start3A_59] : memref<64x32x1x2048xf32, #tpu.memory_space<hbm>> -> memref<8x1x1x2048xf32, #tpu.memory_space<hbm>>
    %dma_start3A_61 = tpu.memref_squeeze %dma_start3A_60 : memref<8x1x1x2048xf32, #tpu.memory_space<hbm>> -> memref<8x1x2048xf32, #tpu.memory_space<hbm>>
    %dma_start3A_62 = arith.constant 8 : i32
    %dma_start3A_63 = arith.constant 0 : i32
    %dma_start3A_64 = arith.constant 0 : i32
    %dma_start3A_65 = tpu.memref_slice %arg4[%dma_start3A_62, %add3A, %dma_start3A_63, %dma_start3A_64] : memref<64x32x1x2048xf32, #tpu.memory_space<hbm>> -> memref<8x1x1x2048xf32, #tpu.memory_space<hbm>>
    %dma_start3A_66 = tpu.memref_squeeze %dma_start3A_65 : memref<8x1x1x2048xf32, #tpu.memory_space<hbm>> -> memref<8x1x2048xf32, #tpu.memory_space<hbm>>
    tpu.enqueue_dma source(%arg8 : memref<8x1x2048xf32, #tpu.memory_space<vmem>>) target(%dma_start3A_66 : memref<8x1x2048xf32, #tpu.memory_space<hbm>>) target_semaphore(%arg15 : memref<!tpu.dma_semaphore, #tpu.memory_space<semaphore_mem>>)
    %broadcast_in_dim3A = arith.constant 3.400000e+38 : f32
    %broadcast_in_dim3A_67 = vector.broadcast %broadcast_in_dim3A : f32 to vector<16xf32>
    %scan3A = arith.constant 0 : i32
    %scan3A_68 = arith.constant 128 : i32
    %scan3A_69 = arith.addi %scan3A, %scan3A_68 : i32
    %scan3A_70 = arith.constant 1 : i32
    %scan3A_71 = scf.for %scan3A_114 = %scan3A to %scan3A_69 step %scan3A_70 iter_args(%scan3A_115 = %broadcast_in_dim3A_67) -> (vector<16xf32>)  : i32 {
      %mul3A_116 = arith.constant 16 : i32
      %mul3A_117 = arith.muli %scan3A_114, %mul3A_116 : i32
      %get3A_118 = arith.index_cast %mul3A_117 : i32 to index
      %get3A_119 = tpu.vector_load %arg9[%get3A_118] {strides = array<i32>} : memref<2048xf32, #tpu.memory_space<vmem>>, vector<16xf32>,
      %min3A_120 = arith.minimumf %scan3A_115, %get3A_119 : vector<16xf32>
      scf.yield %min3A_120 : vector<16xf32>
    }
    %scan3A_72 = arith.constant 128 : i32
    %swap3A = arith.constant 0 : index
    %swap3A_73 = tpu.vector_load %arg10[%swap3A] {strides = array<i32>} : memref<16xf32, #tpu.memory_space<vmem>>, vector<16xf32>,
    tpu.vector_store %arg10[%swap3A], %scan3A_71 {strides = array<i32>} : memref<16xf32, #tpu.memory_space<vmem>>, vector<16xf32>,
    %iota3A = tpu.iota {dimensions = array<i32: 0>} : vector<16xi32>
    %xor3A = arith.constant 1 : i32
    %xor3A_74 = vector.broadcast %xor3A : i32 to vector<16xi32>
    %xor3A_75 = arith.xori %iota3A, %xor3A_74 : vector<16xi32>
    %gather3A = tpu.vector_load_idx %arg10[%xor3A_75] : memref<16xf32, #tpu.memory_space<vmem>>[vector<16xi32>], vector<16xf32>,
    %get3A = arith.constant 0 : index
    %get3A_76 = tpu.vector_load %arg10[%get3A] {strides = array<i32>} : memref<16xf32, #tpu.memory_space<vmem>>, vector<16xf32>,
    %min3A = arith.minimumf %get3A_76, %gather3A : vector<16xf32>
    %swap3A_77 = arith.constant 0 : index
    %swap3A_78 = tpu.vector_load %arg10[%swap3A_77] {strides = array<i32>} : memref<16xf32, #tpu.memory_space<vmem>>, vector<16xf32>,
    tpu.vector_store %arg10[%swap3A_77], %min3A {strides = array<i32>} : memref<16xf32, #tpu.memory_space<vmem>>, vector<16xf32>,
    %xor3A_79 = arith.constant 2 : i32
    %xor3A_80 = vector.broadcast %xor3A_79 : i32 to vector<16xi32>
    %xor3A_81 = arith.xori %iota3A, %xor3A_80 : vector<16xi32>
    %gather3A_82 = tpu.vector_load_idx %arg10[%xor3A_81] : memref<16xf32, #tpu.memory_space<vmem>>[vector<16xi32>], vector<16xf32>,
    %get3A_83 = arith.constant 0 : index
    %get3A_84 = tpu.vector_load %arg10[%get3A_83] {strides = array<i32>} : memref<16xf32, #tpu.memory_space<vmem>>, vector<16xf32>,
    %min3A_85 = arith.minimumf %get3A_84, %gather3A_82 : vector<16xf32>
    %swap3A_86 = arith.constant 0 : index
    %swap3A_87 = tpu.vector_load %arg10[%swap3A_86] {strides = array<i32>} : memref<16xf32, #tpu.memory_space<vmem>>, vector<16xf32>,
    tpu.vector_store %arg10[%swap3A_86], %min3A_85 {strides = array<i32>} : memref<16xf32, #tpu.memory_space<vmem>>, vector<16xf32>,
    %xor3A_88 = arith.constant 4 : i32
    %xor3A_89 = vector.broadcast %xor3A_88 : i32 to vector<16xi32>
    %xor3A_90 = arith.xori %iota3A, %xor3A_89 : vector<16xi32>
    %gather3A_91 = tpu.vector_load_idx %arg10[%xor3A_90] : memref<16xf32, #tpu.memory_space<vmem>>[vector<16xi32>], vector<16xf32>,
    %get3A_92 = arith.constant 0 : index
    %get3A_93 = tpu.vector_load %arg10[%get3A_92] {strides = array<i32>} : memref<16xf32, #tpu.memory_space<vmem>>, vector<16xf32>,
    %min3A_94 = arith.minimumf %get3A_93, %gather3A_91 : vector<16xf32>
    %swap3A_95 = arith.constant 0 : index
    %swap3A_96 = tpu.vector_load %arg10[%swap3A_95] {strides = array<i32>} : memref<16xf32, #tpu.memory_space<vmem>>, vector<16xf32>,
    tpu.vector_store %arg10[%swap3A_95], %min3A_94 {strides = array<i32>} : memref<16xf32, #tpu.memory_space<vmem>>, vector<16xf32>,
    %xor3A_97 = arith.constant 8 : i32
    %xor3A_98 = vector.broadcast %xor3A_97 : i32 to vector<16xi32>
    %xor3A_99 = arith.xori %iota3A, %xor3A_98 : vector<16xi32>
    %gather3A_100 = tpu.vector_load_idx %arg10[%xor3A_99] : memref<16xf32, #tpu.memory_space<vmem>>[vector<16xi32>], vector<16xf32>,
    %get3A_101 = arith.constant 0 : index
    %get3A_102 = tpu.vector_load %arg10[%get3A_101] {strides = array<i32>} : memref<16xf32, #tpu.memory_space<vmem>>, vector<16xf32>,
    %min3A_103 = arith.minimumf %get3A_102, %gather3A_100 : vector<16xf32>
    %swap3A_104 = arith.constant 0 : index
    %swap3A_105 = tpu.vector_load %arg10[%swap3A_104] {strides = array<i32>} : memref<16xf32, #tpu.memory_space<vmem>>, vector<16xf32>,
    tpu.vector_store %arg10[%swap3A_104], %min3A_103 {strides = array<i32>} : memref<16xf32, #tpu.memory_space<vmem>>, vector<16xf32>,
    %get3A_106 = arith.constant 0 : index
    %get3A_107 = tpu.vector_load %arg10[%get3A_106] {strides = array<i32>} : memref<16xf32, #tpu.memory_space<vmem>>, vector<16xf32>,
    %slice3A = vector.extract_strided_slice %get3A_107 {offsets = [0], sizes = [1], strides = [1]} : vector<16xf32> to vector<1xf32>
    %squeeze3A = vector.extract %slice3A[0] : f32 from vector<1xf32>
    %ge3A = arith.constant 1.000000e+00 : f32
    %ge3A_108 = arith.cmpf oge, %squeeze3A, %ge3A : f32
    %convert_element_type3A = arith.extui %ge3A_108 : i1 to i32
    %cond3A = arith.constant 0 : i32
    %cond3A_109 = arith.cmpi ne, %convert_element_type3A, %cond3A : i32
    scf.if %cond3A_109 {
      %dma_start3A_114 = arith.constant 16 : i32
      %dma_start3A_115 = arith.constant 0 : i32
      %dma_start3A_116 = arith.constant 0 : i32
      %dma_start3A_117 = tpu.memref_slice %arg4[%dma_start3A_114, %add3A, %dma_start3A_115, %dma_start3A_116] : memref<64x32x1x2048xf32, #tpu.memory_space<hbm>> -> memref<16x1x1x2048xf32, #tpu.memory_space<hbm>>
      %dma_start3A_118 = tpu.memref_squeeze %dma_start3A_117 : memref<16x1x1x2048xf32, #tpu.memory_space<hbm>> -> memref<16x1x2048xf32, #tpu.memory_space<hbm>>
      %dma_start3A_119 = arith.constant 16 : i32
      %dma_start3A_120 = arith.constant 0 : i32
      %dma_start3A_121 = arith.constant 0 : i32
      %dma_start3A_122 = tpu.memref_slice %arg4[%dma_start3A_119, %add3A, %dma_start3A_120, %dma_start3A_121] : memref<64x32x1x2048xf32, #tpu.memory_space<hbm>> -> memref<16x1x1x2048xf32, #tpu.memory_space<hbm>>
      %dma_start3A_123 = tpu.memref_squeeze %dma_start3A_122 : memref<16x1x1x2048xf32, #tpu.memory_space<hbm>> -> memref<16x1x2048xf32, #tpu.memory_space<hbm>>
      tpu.enqueue_dma source(%arg11 : memref<16x1x2048xf32, #tpu.memory_space<vmem>>) target(%dma_start3A_123 : memref<16x1x2048xf32, #tpu.memory_space<hbm>>) target_semaphore(%arg14 : memref<!tpu.dma_semaphore, #tpu.memory_space<semaphore_mem>>)
      %dma_start3A_124 = arith.constant 32 : i32
      %dma_start3A_125 = arith.constant 0 : i32
      %dma_start3A_126 = arith.constant 0 : i32
      %dma_start3A_127 = tpu.memref_slice %arg4[%dma_start3A_124, %add3A, %dma_start3A_125, %dma_start3A_126] : memref<64x32x1x2048xf32, #tpu.memory_space<hbm>> -> memref<16x1x1x2048xf32, #tpu.memory_space<hbm>>
      %dma_start3A_128 = tpu.memref_squeeze %dma_start3A_127 : memref<16x1x1x2048xf32, #tpu.memory_space<hbm>> -> memref<16x1x2048xf32, #tpu.memory_space<hbm>>
      %dma_start3A_129 = arith.constant 32 : i32
      %dma_start3A_130 = arith.constant 0 : i32
      %dma_start3A_131 = arith.constant 0 : i32
      %dma_start3A_132 = tpu.memref_slice %arg4[%dma_start3A_129, %add3A, %dma_start3A_130, %dma_start3A_131] : memref<64x32x1x2048xf32, #tpu.memory_space<hbm>> -> memref<16x1x1x2048xf32, #tpu.memory_space<hbm>>
      %dma_start3A_133 = tpu.memref_squeeze %dma_start3A_132 : memref<16x1x1x2048xf32, #tpu.memory_space<hbm>> -> memref<16x1x2048xf32, #tpu.memory_space<hbm>>
      tpu.enqueue_dma source(%arg11 : memref<16x1x2048xf32, #tpu.memory_space<vmem>>) target(%dma_start3A_133 : memref<16x1x2048xf32, #tpu.memory_space<hbm>>) target_semaphore(%arg14 : memref<!tpu.dma_semaphore, #tpu.memory_space<semaphore_mem>>)
      %dma_start3A_134 = arith.constant 48 : i32
      %dma_start3A_135 = arith.constant 0 : i32
      %dma_start3A_136 = arith.constant 0 : i32
      %dma_start3A_137 = tpu.memref_slice %arg4[%dma_start3A_134, %add3A, %dma_start3A_135, %dma_start3A_136] : memref<64x32x1x2048xf32, #tpu.memory_space<hbm>> -> memref<16x1x1x2048xf32, #tpu.memory_space<hbm>>
      %dma_start3A_138 = tpu.memref_squeeze %dma_start3A_137 : memref<16x1x1x2048xf32, #tpu.memory_space<hbm>> -> memref<16x1x2048xf32, #tpu.memory_space<hbm>>
      %dma_start3A_139 = arith.constant 48 : i32
      %dma_start3A_140 = arith.constant 0 : i32
      %dma_start3A_141 = arith.constant 0 : i32
      %dma_start3A_142 = tpu.memref_slice %arg4[%dma_start3A_139, %add3A, %dma_start3A_140, %dma_start3A_141] : memref<64x32x1x2048xf32, #tpu.memory_space<hbm>> -> memref<16x1x1x2048xf32, #tpu.memory_space<hbm>>
      %dma_start3A_143 = tpu.memref_squeeze %dma_start3A_142 : memref<16x1x1x2048xf32, #tpu.memory_space<hbm>> -> memref<16x1x2048xf32, #tpu.memory_space<hbm>>
      tpu.enqueue_dma source(%arg11 : memref<16x1x2048xf32, #tpu.memory_space<vmem>>) target(%dma_start3A_143 : memref<16x1x2048xf32, #tpu.memory_space<hbm>>) target_semaphore(%arg14 : memref<!tpu.dma_semaphore, #tpu.memory_space<semaphore_mem>>)
      %dma_wait3A_144 = arith.constant 0 : i32
      %dma_wait3A_145 = arith.constant 0 : i32
      %dma_wait3A_146 = arith.constant 0 : i32
      %dma_wait3A_147 = tpu.memref_slice %arg4[%dma_wait3A_144, %add3A, %dma_wait3A_145, %dma_wait3A_146] : memref<64x32x1x2048xf32, #tpu.memory_space<hbm>> -> memref<8x1x1x2048xf32, #tpu.memory_space<hbm>>
      %dma_wait3A_148 = tpu.memref_squeeze %dma_wait3A_147 : memref<8x1x1x2048xf32, #tpu.memory_space<hbm>> -> memref<8x1x2048xf32, #tpu.memory_space<hbm>>
      %dma_wait3A_149 = arith.constant 0 : i32
      %dma_wait3A_150 = arith.constant 0 : i32
      %dma_wait3A_151 = arith.constant 0 : i32
      %dma_wait3A_152 = tpu.memref_slice %arg4[%dma_wait3A_149, %add3A, %dma_wait3A_150, %dma_wait3A_151] : memref<64x32x1x2048xf32, #tpu.memory_space<hbm>> -> memref<8x1x1x2048xf32, #tpu.memory_space<hbm>>
      %dma_wait3A_153 = tpu.memref_squeeze %dma_wait3A_152 : memref<8x1x1x2048xf32, #tpu.memory_space<hbm>> -> memref<8x1x2048xf32, #tpu.memory_space<hbm>>
      tpu.wait_dma2 semaphore(%arg14 : memref<!tpu.dma_semaphore, #tpu.memory_space<semaphore_mem>>) src(%arg7 : memref<8x1x2048xf32, #tpu.memory_space<vmem>>) dst(%dma_wait3A_153 : memref<8x1x2048xf32, #tpu.memory_space<hbm>>)
      %dma_wait3A_154 = arith.constant 0 : i32
      %dma_wait3A_155 = arith.constant 0 : i32
      %dma_wait3A_156 = arith.constant 0 : i32
      %dma_wait3A_157 = tpu.memref_slice %arg4[%dma_wait3A_154, %add3A, %dma_wait3A_155, %dma_wait3A_156] : memref<64x32x1x2048xf32, #tpu.memory_space<hbm>> -> memref<8x1x1x2048xf32, #tpu.memory_space<hbm>>
      %dma_wait3A_158 = tpu.memref_squeeze %dma_wait3A_157 : memref<8x1x1x2048xf32, #tpu.memory_space<hbm>> -> memref<8x1x2048xf32, #tpu.memory_space<hbm>>
      %dma_wait3A_159 = arith.constant 0 : i32
      %dma_wait3A_160 = arith.constant 0 : i32
      %dma_wait3A_161 = arith.constant 0 : i32
      %dma_wait3A_162 = tpu.memref_slice %arg4[%dma_wait3A_159, %add3A, %dma_wait3A_160, %dma_wait3A_161] : memref<64x32x1x2048xf32, #tpu.memory_space<hbm>> -> memref<8x1x1x2048xf32, #tpu.memory_space<hbm>>
      %dma_wait3A_163 = tpu.memref_squeeze %dma_wait3A_162 : memref<8x1x1x2048xf32, #tpu.memory_space<hbm>> -> memref<8x1x2048xf32, #tpu.memory_space<hbm>>
      tpu.wait_dma2 semaphore(%arg15 : memref<!tpu.dma_semaphore, #tpu.memory_space<semaphore_mem>>) src(%arg8 : memref<8x1x2048xf32, #tpu.memory_space<vmem>>) dst(%dma_wait3A_163 : memref<8x1x2048xf32, #tpu.memory_space<hbm>>)
      %dma_wait3A_164 = arith.constant 0 : i32
      %dma_wait3A_165 = arith.constant 0 : i32
      %dma_wait3A_166 = arith.constant 0 : i32
      %dma_wait3A_167 = tpu.memref_slice %arg4[%dma_wait3A_164, %add3A, %dma_wait3A_165, %dma_wait3A_166] : memref<64x32x1x2048xf32, #tpu.memory_space<hbm>> -> memref<16x1x1x2048xf32, #tpu.memory_space<hbm>>
      %dma_wait3A_168 = tpu.memref_squeeze %dma_wait3A_167 : memref<16x1x1x2048xf32, #tpu.memory_space<hbm>> -> memref<16x1x2048xf32, #tpu.memory_space<hbm>>
      %dma_wait3A_169 = arith.constant 0 : i32
      %dma_wait3A_170 = arith.constant 0 : i32
      %dma_wait3A_171 = arith.constant 0 : i32
      %dma_wait3A_172 = tpu.memref_slice %arg4[%dma_wait3A_169, %add3A, %dma_wait3A_170, %dma_wait3A_171] : memref<64x32x1x2048xf32, #tpu.memory_space<hbm>> -> memref<16x1x1x2048xf32, #tpu.memory_space<hbm>>
      %dma_wait3A_173 = tpu.memref_squeeze %dma_wait3A_172 : memref<16x1x1x2048xf32, #tpu.memory_space<hbm>> -> memref<16x1x2048xf32, #tpu.memory_space<hbm>>
      tpu.wait_dma2 semaphore(%arg14 : memref<!tpu.dma_semaphore, #tpu.memory_space<semaphore_mem>>) src(%arg11 : memref<16x1x2048xf32, #tpu.memory_space<vmem>>) dst(%dma_wait3A_173 : memref<16x1x2048xf32, #tpu.memory_space<hbm>>)
      %dma_wait3A_174 = arith.constant 0 : i32
      %dma_wait3A_175 = arith.constant 0 : i32
      %dma_wait3A_176 = arith.constant 0 : i32
      %dma_wait3A_177 = tpu.memref_slice %arg4[%dma_wait3A_174, %add3A, %dma_wait3A_175, %dma_wait3A_176] : memref<64x32x1x2048xf32, #tpu.memory_space<hbm>> -> memref<16x1x1x2048xf32, #tpu.memory_space<hbm>>
      %dma_wait3A_178 = tpu.memref_squeeze %dma_wait3A_177 : memref<16x1x1x2048xf32, #tpu.memory_space<hbm>> -> memref<16x1x2048xf32, #tpu.memory_space<hbm>>
      %dma_wait3A_179 = arith.constant 0 : i32
      %dma_wait3A_180 = arith.constant 0 : i32
      %dma_wait3A_181 = arith.constant 0 : i32
      %dma_wait3A_182 = tpu.memref_slice %arg4[%dma_wait3A_179, %add3A, %dma_wait3A_180, %dma_wait3A_181] : memref<64x32x1x2048xf32, #tpu.memory_space<hbm>> -> memref<16x1x1x2048xf32, #tpu.memory_space<hbm>>
      %dma_wait3A_183 = tpu.memref_squeeze %dma_wait3A_182 : memref<16x1x1x2048xf32, #tpu.memory_space<hbm>> -> memref<16x1x2048xf32, #tpu.memory_space<hbm>>
      tpu.wait_dma2 semaphore(%arg14 : memref<!tpu.dma_semaphore, #tpu.memory_space<semaphore_mem>>) src(%arg11 : memref<16x1x2048xf32, #tpu.memory_space<vmem>>) dst(%dma_wait3A_183 : memref<16x1x2048xf32, #tpu.memory_space<hbm>>)
      %dma_wait3A_184 = arith.constant 0 : i32
      %dma_wait3A_185 = arith.constant 0 : i32
      %dma_wait3A_186 = arith.constant 0 : i32
      %dma_wait3A_187 = tpu.memref_slice %arg4[%dma_wait3A_184, %add3A, %dma_wait3A_185, %dma_wait3A_186] : memref<64x32x1x2048xf32, #tpu.memory_space<hbm>> -> memref<16x1x1x2048xf32, #tpu.memory_space<hbm>>
      %dma_wait3A_188 = tpu.memref_squeeze %dma_wait3A_187 : memref<16x1x1x2048xf32, #tpu.memory_space<hbm>> -> memref<16x1x2048xf32, #tpu.memory_space<hbm>>
      %dma_wait3A_189 = arith.constant 0 : i32
      %dma_wait3A_190 = arith.constant 0 : i32
      %dma_wait3A_191 = arith.constant 0 : i32
      %dma_wait3A_192 = tpu.memref_slice %arg4[%dma_wait3A_189, %add3A, %dma_wait3A_190, %dma_wait3A_191] : memref<64x32x1x2048xf32, #tpu.memory_space<hbm>> -> memref<16x1x1x2048xf32, #tpu.memory_space<hbm>>
      %dma_wait3A_193 = tpu.memref_squeeze %dma_wait3A_192 : memref<16x1x1x2048xf32, #tpu.memory_space<hbm>> -> memref<16x1x2048xf32, #tpu.memory_space<hbm>>
      tpu.wait_dma2 semaphore(%arg14 : memref<!tpu.dma_semaphore, #tpu.memory_space<semaphore_mem>>) src(%arg11 : memref<16x1x2048xf32, #tpu.memory_space<vmem>>) dst(%dma_wait3A_193 : memref<16x1x2048xf32, #tpu.memory_space<hbm>>)
    } else {
    }
    %not3A = arith.constant true
    %not3A_110 = arith.xori %ge3A_108, %not3A : i1
    %convert_element_type3A_111 = arith.extui %not3A_110 : i1 to i32
    %cond3A_112 = arith.constant 0 : i32
    %cond3A_113 = arith.cmpi ne, %convert_element_type3A_111, %cond3A_112 : i32
    scf.if %cond3A_113 {
      %dma_wait3A_114 = arith.constant 0 : i32
      %dma_wait3A_115 = arith.constant 0 : i32
      %dma_wait3A_116 = arith.constant 0 : i32
      %dma_wait3A_117 = tpu.memref_slice %arg4[%dma_wait3A_114, %add3A, %dma_wait3A_115, %dma_wait3A_116] : memref<64x32x1x2048xf32, #tpu.memory_space<hbm>> -> memref<8x1x1x2048xf32, #tpu.memory_space<hbm>>
      %dma_wait3A_118 = tpu.memref_squeeze %dma_wait3A_117 : memref<8x1x1x2048xf32, #tpu.memory_space<hbm>> -> memref<8x1x2048xf32, #tpu.memory_space<hbm>>
      %dma_wait3A_119 = arith.constant 0 : i32
      %dma_wait3A_120 = arith.constant 0 : i32
      %dma_wait3A_121 = arith.constant 0 : i32
      %dma_wait3A_122 = tpu.memref_slice %arg4[%dma_wait3A_119, %add3A, %dma_wait3A_120, %dma_wait3A_121] : memref<64x32x1x2048xf32, #tpu.memory_space<hbm>> -> memref<8x1x1x2048xf32, #tpu.memory_space<hbm>>
      %dma_wait3A_123 = tpu.memref_squeeze %dma_wait3A_122 : memref<8x1x1x2048xf32, #tpu.memory_space<hbm>> -> memref<8x1x2048xf32, #tpu.memory_space<hbm>>
      tpu.wait_dma2 semaphore(%arg14 : memref<!tpu.dma_semaphore, #tpu.memory_space<semaphore_mem>>) src(%arg7 : memref<8x1x2048xf32, #tpu.memory_space<vmem>>) dst(%dma_wait3A_123 : memref<8x1x2048xf32, #tpu.memory_space<hbm>>)
      %dma_wait3A_124 = arith.constant 0 : i32
      %dma_wait3A_125 = arith.constant 0 : i32
      %dma_wait3A_126 = arith.constant 0 : i32
      %dma_wait3A_127 = tpu.memref_slice %arg4[%dma_wait3A_124, %add3A, %dma_wait3A_125, %dma_wait3A_126] : memref<64x32x1x2048xf32, #tpu.memory_space<hbm>> -> memref<8x1x1x2048xf32, #tpu.memory_space<hbm>>
      %dma_wait3A_128 = tpu.memref_squeeze %dma_wait3A_127 : memref<8x1x1x2048xf32, #tpu.memory_space<hbm>> -> memref<8x1x2048xf32, #tpu.memory_space<hbm>>
      %dma_wait3A_129 = arith.constant 0 : i32
      %dma_wait3A_130 = arith.constant 0 : i32
      %dma_wait3A_131 = arith.constant 0 : i32
      %dma_wait3A_132 = tpu.memref_slice %arg4[%dma_wait3A_129, %add3A, %dma_wait3A_130, %dma_wait3A_131] : memref<64x32x1x2048xf32, #tpu.memory_space<hbm>> -> memref<8x1x1x2048xf32, #tpu.memory_space<hbm>>
      %dma_wait3A_133 = tpu.memref_squeeze %dma_wait3A_132 : memref<8x1x1x2048xf32, #tpu.memory_space<hbm>> -> memref<8x1x2048xf32, #tpu.memory_space<hbm>>
      tpu.wait_dma2 semaphore(%arg15 : memref<!tpu.dma_semaphore, #tpu.memory_space<semaphore_mem>>) src(%arg8 : memref<8x1x2048xf32, #tpu.memory_space<vmem>>) dst(%dma_wait3A_133 : memref<8x1x2048xf32, #tpu.memory_space<hbm>>)
      %scan3A_134 = arith.constant 0 : i32
      %scan3A_135 = arith.constant 2 : i32
      %scan3A_136 = arith.constant 6 : i32
      %scan3A_137 = arith.addi %scan3A_135, %scan3A_136 : i32
      %scan3A_138 = arith.constant 1 : i32
      scf.for %scan3A_140 = %scan3A_135 to %scan3A_137 step %scan3A_138  : i32 {
        %mul3A_141 = arith.constant 8 : i32
        %mul3A_142 = arith.muli %scan3A_140, %mul3A_141 : i32
        "tpu.region"() ({
          %run_scoped3A = tpu.sem_alloc : memref<!tpu.dma_semaphore, #tpu.memory_space<semaphore_mem>>
          %dma_start3A_148 = arith.constant 0 : i32
          %dma_start3A_149 = arith.constant 0 : i32
          %dma_start3A_150 = tpu.memref_slice %arg2[%mul3A_142, %add3A, %dma_start3A_148, %dma_start3A_149] : memref<64x32x1x2048xf32, #tpu.memory_space<hbm>> -> memref<8x1x1x2048xf32, #tpu.memory_space<hbm>>
          %dma_start3A_151 = tpu.memref_squeeze %dma_start3A_150 : memref<8x1x1x2048xf32, #tpu.memory_space<hbm>> -> memref<8x1x2048xf32, #tpu.memory_space<hbm>>
          %dma_start3A_152 = arith.constant 0 : i32
          %dma_start3A_153 = arith.constant 0 : i32
          %dma_start3A_154 = tpu.memref_slice %arg2[%mul3A_142, %add3A, %dma_start3A_152, %dma_start3A_153] : memref<64x32x1x2048xf32, #tpu.memory_space<hbm>> -> memref<8x1x1x2048xf32, #tpu.memory_space<hbm>>
          %dma_start3A_155 = tpu.memref_squeeze %dma_start3A_154 : memref<8x1x1x2048xf32, #tpu.memory_space<hbm>> -> memref<8x1x2048xf32, #tpu.memory_space<hbm>>
          tpu.enqueue_dma source(%dma_start3A_155 : memref<8x1x2048xf32, #tpu.memory_space<hbm>>) target(%arg5 : memref<8x1x2048xf32, #tpu.memory_space<vmem>>) target_semaphore(%run_scoped3A : memref<!tpu.dma_semaphore, #tpu.memory_space<semaphore_mem>>)
          %dma_wait3A_156 = arith.constant 0 : i32
          %dma_wait3A_157 = arith.constant 0 : i32
          %dma_wait3A_158 = tpu.memref_slice %arg2[%mul3A_142, %add3A, %dma_wait3A_156, %dma_wait3A_157] : memref<64x32x1x2048xf32, #tpu.memory_space<hbm>> -> memref<8x1x1x2048xf32, #tpu.memory_space<hbm>>
          %dma_wait3A_159 = tpu.memref_squeeze %dma_wait3A_158 : memref<8x1x1x2048xf32, #tpu.memory_space<hbm>> -> memref<8x1x2048xf32, #tpu.memory_space<hbm>>
          %dma_wait3A_160 = arith.constant 0 : i32
          %dma_wait3A_161 = arith.constant 0 : i32
          %dma_wait3A_162 = tpu.memref_slice %arg2[%mul3A_142, %add3A, %dma_wait3A_160, %dma_wait3A_161] : memref<64x32x1x2048xf32, #tpu.memory_space<hbm>> -> memref<8x1x1x2048xf32, #tpu.memory_space<hbm>>
          %dma_wait3A_163 = tpu.memref_squeeze %dma_wait3A_162 : memref<8x1x1x2048xf32, #tpu.memory_space<hbm>> -> memref<8x1x2048xf32, #tpu.memory_space<hbm>>
          tpu.wait_dma2 semaphore(%run_scoped3A : memref<!tpu.dma_semaphore, #tpu.memory_space<semaphore_mem>>) src(%dma_wait3A_163 : memref<8x1x2048xf32, #tpu.memory_space<hbm>>) dst(%arg5 : memref<8x1x2048xf32, #tpu.memory_space<vmem>>)
          tpu.yield
        }) : () -> ()
        %parallel_loop3A_143 = arith.constant 0 : i32
        %parallel_loop3A_144 = arith.constant 128 : i32
        %parallel_loop3A_145 = arith.constant 1 : i32
        scf.for %parallel_loop3A_148 = %parallel_loop3A_143 to %parallel_loop3A_144 step %parallel_loop3A_145  : i32 {
          %parallel_loop3A_149 = arith.constant 16 : i32
          %parallel_loop3A_150 = arith.muli %parallel_loop3A_148, %parallel_loop3A_149 : i32
          %parallel_loop3A_151 = arith.constant 16 : i32
          %parallel_loop3A_152 = arith.muli %parallel_loop3A_148, %parallel_loop3A_151 : i32
          %parallel_loop3A_153 = arith.index_cast %parallel_loop3A_152 : i32 to index
          %parallel_loop3A_154 = tpu.vector_load %arg9[%parallel_loop3A_153] {strides = array<i32>} : memref<2048xf32, #tpu.memory_space<vmem>>, vector<16xf32>,
          %parallel_loop3A_155 = arith.constant 0 : i32
          %parallel_loop3A_156 = arith.constant 0 : i32
          %parallel_loop3A_157 = arith.index_cast %parallel_loop3A_155 : i32 to index
          %parallel_loop3A_158 = arith.index_cast %parallel_loop3A_156 : i32 to index
          %parallel_loop3A_159 = arith.index_cast %parallel_loop3A_150 : i32 to index
          %parallel_loop3A_160 = tpu.vector_load %arg5[%parallel_loop3A_157, %parallel_loop3A_158, %parallel_loop3A_159] {strides = array<i32>} : memref<8x1x2048xf32, #tpu.memory_space<vmem>>, vector<16xf32>,
          %parallel_loop3A_161 = arith.addf %parallel_loop3A_154, %parallel_loop3A_160 : vector<16xf32>
          %parallel_loop3A_162 = arith.constant 1.000000e+00 : f32
          %parallel_loop3A_163 = vector.broadcast %parallel_loop3A_162 : f32 to vector<16xf32>
          %parallel_loop3A_164 = arith.cmpf oge, %parallel_loop3A_161, %parallel_loop3A_163 : vector<16xf32>
          %parallel_loop3A_165 = arith.constant 1.000000e+00 : f32
          %parallel_loop3A_166 = arith.constant 0.000000e+00 : f32
          %parallel_loop3A_167 = vector.broadcast %parallel_loop3A_165 : f32 to vector<16xf32>
          %parallel_loop3A_168 = vector.broadcast %parallel_loop3A_166 : f32 to vector<16xf32>
          %parallel_loop3A_169 = arith.select %parallel_loop3A_164, %parallel_loop3A_167, %parallel_loop3A_168 : vector<16xi1>, vector<16xf32>
          %parallel_loop3A_170 = arith.constant 0 : i32
          %parallel_loop3A_171 = arith.constant 0 : i32
          %parallel_loop3A_172 = arith.index_cast %parallel_loop3A_170 : i32 to index
          %parallel_loop3A_173 = arith.index_cast %parallel_loop3A_171 : i32 to index
          %parallel_loop3A_174 = arith.index_cast %parallel_loop3A_150 : i32 to index
          %parallel_loop3A_175 = tpu.vector_load %arg7[%parallel_loop3A_172, %parallel_loop3A_173, %parallel_loop3A_174] {strides = array<i32>} : memref<8x1x2048xf32, #tpu.memory_space<vmem>>, vector<16xf32>,
          tpu.vector_store %arg7[%parallel_loop3A_172, %parallel_loop3A_173, %parallel_loop3A_174], %parallel_loop3A_169 {strides = array<i32>} : memref<8x1x2048xf32, #tpu.memory_space<vmem>>, vector<16xf32>,
          %parallel_loop3A_176 = arith.constant 1 : i32
          %parallel_loop3A_177 = arith.constant 0 : i32
          %parallel_loop3A_178 = arith.index_cast %parallel_loop3A_176 : i32 to index
          %parallel_loop3A_179 = arith.index_cast %parallel_loop3A_177 : i32 to index
          %parallel_loop3A_180 = arith.index_cast %parallel_loop3A_150 : i32 to index
          %parallel_loop3A_181 = tpu.vector_load %arg5[%parallel_loop3A_178, %parallel_loop3A_179, %parallel_loop3A_180] {strides = array<i32>} : memref<8x1x2048xf32, #tpu.memory_space<vmem>>, vector<16xf32>,
          %parallel_loop3A_182 = arith.addf %parallel_loop3A_161, %parallel_loop3A_181 : vector<16xf32>
          %parallel_loop3A_183 = arith.constant 1.000000e+00 : f32
          %parallel_loop3A_184 = vector.broadcast %parallel_loop3A_183 : f32 to vector<16xf32>
          %parallel_loop3A_185 = arith.cmpf oge, %parallel_loop3A_182, %parallel_loop3A_184 : vector<16xf32>
          %parallel_loop3A_186 = arith.constant 1.000000e+00 : f32
          %parallel_loop3A_187 = arith.constant 0.000000e+00 : f32
          %parallel_loop3A_188 = vector.broadcast %parallel_loop3A_186 : f32 to vector<16xf32>
          %parallel_loop3A_189 = vector.broadcast %parallel_loop3A_187 : f32 to vector<16xf32>
          %parallel_loop3A_190 = arith.select %parallel_loop3A_185, %parallel_loop3A_188, %parallel_loop3A_189 : vector<16xi1>, vector<16xf32>
          %parallel_loop3A_191 = arith.constant 1 : i32
          %parallel_loop3A_192 = arith.constant 0 : i32
          %parallel_loop3A_193 = arith.index_cast %parallel_loop3A_191 : i32 to index
          %parallel_loop3A_194 = arith.index_cast %parallel_loop3A_192 : i32 to index
          %parallel_loop3A_195 = arith.index_cast %parallel_loop3A_150 : i32 to index
          %parallel_loop3A_196 = tpu.vector_load %arg7[%parallel_loop3A_193, %parallel_loop3A_194, %parallel_loop3A_195] {strides = array<i32>} : memref<8x1x2048xf32, #tpu.memory_space<vmem>>, vector<16xf32>,
          tpu.vector_store %arg7[%parallel_loop3A_193, %parallel_loop3A_194, %parallel_loop3A_195], %parallel_loop3A_190 {strides = array<i32>} : memref<8x1x2048xf32, #tpu.memory_space<vmem>>, vector<16xf32>,
          %parallel_loop3A_197 = arith.constant 2 : i32
          %parallel_loop3A_198 = arith.constant 0 : i32
          %parallel_loop3A_199 = arith.index_cast %parallel_loop3A_197 : i32 to index
          %parallel_loop3A_200 = arith.index_cast %parallel_loop3A_198 : i32 to index
          %parallel_loop3A_201 = arith.index_cast %parallel_loop3A_150 : i32 to index
          %parallel_loop3A_202 = tpu.vector_load %arg5[%parallel_loop3A_199, %parallel_loop3A_200, %parallel_loop3A_201] {strides = array<i32>} : memref<8x1x2048xf32, #tpu.memory_space<vmem>>, vector<16xf32>,
          %parallel_loop3A_203 = arith.addf %parallel_loop3A_182, %parallel_loop3A_202 : vector<16xf32>
          %parallel_loop3A_204 = arith.constant 1.000000e+00 : f32
          %parallel_loop3A_205 = vector.broadcast %parallel_loop3A_204 : f32 to vector<16xf32>
          %parallel_loop3A_206 = arith.cmpf oge, %parallel_loop3A_203, %parallel_loop3A_205 : vector<16xf32>
          %parallel_loop3A_207 = arith.constant 1.000000e+00 : f32
          %parallel_loop3A_208 = arith.constant 0.000000e+00 : f32
          %parallel_loop3A_209 = vector.broadcast %parallel_loop3A_207 : f32 to vector<16xf32>
          %parallel_loop3A_210 = vector.broadcast %parallel_loop3A_208 : f32 to vector<16xf32>
          %parallel_loop3A_211 = arith.select %parallel_loop3A_206, %parallel_loop3A_209, %parallel_loop3A_210 : vector<16xi1>, vector<16xf32>
          %parallel_loop3A_212 = arith.constant 2 : i32
          %parallel_loop3A_213 = arith.constant 0 : i32
          %parallel_loop3A_214 = arith.index_cast %parallel_loop3A_212 : i32 to index
          %parallel_loop3A_215 = arith.index_cast %parallel_loop3A_213 : i32 to index
          %parallel_loop3A_216 = arith.index_cast %parallel_loop3A_150 : i32 to index
          %parallel_loop3A_217 = tpu.vector_load %arg7[%parallel_loop3A_214, %parallel_loop3A_215, %parallel_loop3A_216] {strides = array<i32>} : memref<8x1x2048xf32, #tpu.memory_space<vmem>>, vector<16xf32>,
          tpu.vector_store %arg7[%parallel_loop3A_214, %parallel_loop3A_215, %parallel_loop3A_216], %parallel_loop3A_211 {strides = array<i32>} : memref<8x1x2048xf32, #tpu.memory_space<vmem>>, vector<16xf32>,
          %parallel_loop3A_218 = arith.constant 3 : i32
          %parallel_loop3A_219 = arith.constant 0 : i32
          %parallel_loop3A_220 = arith.index_cast %parallel_loop3A_218 : i32 to index
          %parallel_loop3A_221 = arith.index_cast %parallel_loop3A_219 : i32 to index
          %parallel_loop3A_222 = arith.index_cast %parallel_loop3A_150 : i32 to index
          %parallel_loop3A_223 = tpu.vector_load %arg5[%parallel_loop3A_220, %parallel_loop3A_221, %parallel_loop3A_222] {strides = array<i32>} : memref<8x1x2048xf32, #tpu.memory_space<vmem>>, vector<16xf32>,
          %parallel_loop3A_224 = arith.addf %parallel_loop3A_203, %parallel_loop3A_223 : vector<16xf32>
          %parallel_loop3A_225 = arith.constant 1.000000e+00 : f32
          %parallel_loop3A_226 = vector.broadcast %parallel_loop3A_225 : f32 to vector<16xf32>
          %parallel_loop3A_227 = arith.cmpf oge, %parallel_loop3A_224, %parallel_loop3A_226 : vector<16xf32>
          %parallel_loop3A_228 = arith.constant 1.000000e+00 : f32
          %parallel_loop3A_229 = arith.constant 0.000000e+00 : f32
          %parallel_loop3A_230 = vector.broadcast %parallel_loop3A_228 : f32 to vector<16xf32>
          %parallel_loop3A_231 = vector.broadcast %parallel_loop3A_229 : f32 to vector<16xf32>
          %parallel_loop3A_232 = arith.select %parallel_loop3A_227, %parallel_loop3A_230, %parallel_loop3A_231 : vector<16xi1>, vector<16xf32>
          %parallel_loop3A_233 = arith.constant 3 : i32
          %parallel_loop3A_234 = arith.constant 0 : i32
          %parallel_loop3A_235 = arith.index_cast %parallel_loop3A_233 : i32 to index
          %parallel_loop3A_236 = arith.index_cast %parallel_loop3A_234 : i32 to index
          %parallel_loop3A_237 = arith.index_cast %parallel_loop3A_150 : i32 to index
          %parallel_loop3A_238 = tpu.vector_load %arg7[%parallel_loop3A_235, %parallel_loop3A_236, %parallel_loop3A_237] {strides = array<i32>} : memref<8x1x2048xf32, #tpu.memory_space<vmem>>, vector<16xf32>,
          tpu.vector_store %arg7[%parallel_loop3A_235, %parallel_loop3A_236, %parallel_loop3A_237], %parallel_loop3A_232 {strides = array<i32>} : memref<8x1x2048xf32, #tpu.memory_space<vmem>>, vector<16xf32>,
          %parallel_loop3A_239 = arith.constant 4 : i32
          %parallel_loop3A_240 = arith.constant 0 : i32
          %parallel_loop3A_241 = arith.index_cast %parallel_loop3A_239 : i32 to index
          %parallel_loop3A_242 = arith.index_cast %parallel_loop3A_240 : i32 to index
          %parallel_loop3A_243 = arith.index_cast %parallel_loop3A_150 : i32 to index
          %parallel_loop3A_244 = tpu.vector_load %arg5[%parallel_loop3A_241, %parallel_loop3A_242, %parallel_loop3A_243] {strides = array<i32>} : memref<8x1x2048xf32, #tpu.memory_space<vmem>>, vector<16xf32>,
          %parallel_loop3A_245 = arith.addf %parallel_loop3A_224, %parallel_loop3A_244 : vector<16xf32>
          %parallel_loop3A_246 = arith.constant 1.000000e+00 : f32
          %parallel_loop3A_247 = vector.broadcast %parallel_loop3A_246 : f32 to vector<16xf32>
          %parallel_loop3A_248 = arith.cmpf oge, %parallel_loop3A_245, %parallel_loop3A_247 : vector<16xf32>
          %parallel_loop3A_249 = arith.constant 1.000000e+00 : f32
          %parallel_loop3A_250 = arith.constant 0.000000e+00 : f32
          %parallel_loop3A_251 = vector.broadcast %parallel_loop3A_249 : f32 to vector<16xf32>
          %parallel_loop3A_252 = vector.broadcast %parallel_loop3A_250 : f32 to vector<16xf32>
          %parallel_loop3A_253 = arith.select %parallel_loop3A_248, %parallel_loop3A_251, %parallel_loop3A_252 : vector<16xi1>, vector<16xf32>
          %parallel_loop3A_254 = arith.constant 4 : i32
          %parallel_loop3A_255 = arith.constant 0 : i32
          %parallel_loop3A_256 = arith.index_cast %parallel_loop3A_254 : i32 to index
          %parallel_loop3A_257 = arith.index_cast %parallel_loop3A_255 : i32 to index
          %parallel_loop3A_258 = arith.index_cast %parallel_loop3A_150 : i32 to index
          %parallel_loop3A_259 = tpu.vector_load %arg7[%parallel_loop3A_256, %parallel_loop3A_257, %parallel_loop3A_258] {strides = array<i32>} : memref<8x1x2048xf32, #tpu.memory_space<vmem>>, vector<16xf32>,
          tpu.vector_store %arg7[%parallel_loop3A_256, %parallel_loop3A_257, %parallel_loop3A_258], %parallel_loop3A_253 {strides = array<i32>} : memref<8x1x2048xf32, #tpu.memory_space<vmem>>, vector<16xf32>,
          %parallel_loop3A_260 = arith.constant 5 : i32
          %parallel_loop3A_261 = arith.constant 0 : i32
          %parallel_loop3A_262 = arith.index_cast %parallel_loop3A_260 : i32 to index
          %parallel_loop3A_263 = arith.index_cast %parallel_loop3A_261 : i32 to index
          %parallel_loop3A_264 = arith.index_cast %parallel_loop3A_150 : i32 to index
          %parallel_loop3A_265 = tpu.vector_load %arg5[%parallel_loop3A_262, %parallel_loop3A_263, %parallel_loop3A_264] {strides = array<i32>} : memref<8x1x2048xf32, #tpu.memory_space<vmem>>, vector<16xf32>,
          %parallel_loop3A_266 = arith.addf %parallel_loop3A_245, %parallel_loop3A_265 : vector<16xf32>
          %parallel_loop3A_267 = arith.constant 1.000000e+00 : f32
          %parallel_loop3A_268 = vector.broadcast %parallel_loop3A_267 : f32 to vector<16xf32>
          %parallel_loop3A_269 = arith.cmpf oge, %parallel_loop3A_266, %parallel_loop3A_268 : vector<16xf32>
          %parallel_loop3A_270 = arith.constant 1.000000e+00 : f32
          %parallel_loop3A_271 = arith.constant 0.000000e+00 : f32
          %parallel_loop3A_272 = vector.broadcast %parallel_loop3A_270 : f32 to vector<16xf32>
          %parallel_loop3A_273 = vector.broadcast %parallel_loop3A_271 : f32 to vector<16xf32>
          %parallel_loop3A_274 = arith.select %parallel_loop3A_269, %parallel_loop3A_272, %parallel_loop3A_273 : vector<16xi1>, vector<16xf32>
          %parallel_loop3A_275 = arith.constant 5 : i32
          %parallel_loop3A_276 = arith.constant 0 : i32
          %parallel_loop3A_277 = arith.index_cast %parallel_loop3A_275 : i32 to index
          %parallel_loop3A_278 = arith.index_cast %parallel_loop3A_276 : i32 to index
          %parallel_loop3A_279 = arith.index_cast %parallel_loop3A_150 : i32 to index
          %parallel_loop3A_280 = tpu.vector_load %arg7[%parallel_loop3A_277, %parallel_loop3A_278, %parallel_loop3A_279] {strides = array<i32>} : memref<8x1x2048xf32, #tpu.memory_space<vmem>>, vector<16xf32>,
          tpu.vector_store %arg7[%parallel_loop3A_277, %parallel_loop3A_278, %parallel_loop3A_279], %parallel_loop3A_274 {strides = array<i32>} : memref<8x1x2048xf32, #tpu.memory_space<vmem>>, vector<16xf32>,
          %parallel_loop3A_281 = arith.constant 6 : i32
          %parallel_loop3A_282 = arith.constant 0 : i32
          %parallel_loop3A_283 = arith.index_cast %parallel_loop3A_281 : i32 to index
          %parallel_loop3A_284 = arith.index_cast %parallel_loop3A_282 : i32 to index
          %parallel_loop3A_285 = arith.index_cast %parallel_loop3A_150 : i32 to index
          %parallel_loop3A_286 = tpu.vector_load %arg5[%parallel_loop3A_283, %parallel_loop3A_284, %parallel_loop3A_285] {strides = array<i32>} : memref<8x1x2048xf32, #tpu.memory_space<vmem>>, vector<16xf32>,
          %parallel_loop3A_287 = arith.addf %parallel_loop3A_266, %parallel_loop3A_286 : vector<16xf32>
          %parallel_loop3A_288 = arith.constant 1.000000e+00 : f32
          %parallel_loop3A_289 = vector.broadcast %parallel_loop3A_288 : f32 to vector<16xf32>
          %parallel_loop3A_290 = arith.cmpf oge, %parallel_loop3A_287, %parallel_loop3A_289 : vector<16xf32>
          %parallel_loop3A_291 = arith.constant 1.000000e+00 : f32
          %parallel_loop3A_292 = arith.constant 0.000000e+00 : f32
          %parallel_loop3A_293 = vector.broadcast %parallel_loop3A_291 : f32 to vector<16xf32>
          %parallel_loop3A_294 = vector.broadcast %parallel_loop3A_292 : f32 to vector<16xf32>
          %parallel_loop3A_295 = arith.select %parallel_loop3A_290, %parallel_loop3A_293, %parallel_loop3A_294 : vector<16xi1>, vector<16xf32>
          %parallel_loop3A_296 = arith.constant 6 : i32
          %parallel_loop3A_297 = arith.constant 0 : i32
          %parallel_loop3A_298 = arith.index_cast %parallel_loop3A_296 : i32 to index
          %parallel_loop3A_299 = arith.index_cast %parallel_loop3A_297 : i32 to index
          %parallel_loop3A_300 = arith.index_cast %parallel_loop3A_150 : i32 to index
          %parallel_loop3A_301 = tpu.vector_load %arg7[%parallel_loop3A_298, %parallel_loop3A_299, %parallel_loop3A_300] {strides = array<i32>} : memref<8x1x2048xf32, #tpu.memory_space<vmem>>, vector<16xf32>,
          tpu.vector_store %arg7[%parallel_loop3A_298, %parallel_loop3A_299, %parallel_loop3A_300], %parallel_loop3A_295 {strides = array<i32>} : memref<8x1x2048xf32, #tpu.memory_space<vmem>>, vector<16xf32>,
          %parallel_loop3A_302 = arith.constant 7 : i32
          %parallel_loop3A_303 = arith.constant 0 : i32
          %parallel_loop3A_304 = arith.index_cast %parallel_loop3A_302 : i32 to index
          %parallel_loop3A_305 = arith.index_cast %parallel_loop3A_303 : i32 to index
          %parallel_loop3A_306 = arith.index_cast %parallel_loop3A_150 : i32 to index
          %parallel_loop3A_307 = tpu.vector_load %arg5[%parallel_loop3A_304, %parallel_loop3A_305, %parallel_loop3A_306] {strides = array<i32>} : memref<8x1x2048xf32, #tpu.memory_space<vmem>>, vector<16xf32>,
          %parallel_loop3A_308 = arith.addf %parallel_loop3A_287, %parallel_loop3A_307 : vector<16xf32>
          %parallel_loop3A_309 = arith.constant 1.000000e+00 : f32
          %parallel_loop3A_310 = vector.broadcast %parallel_loop3A_309 : f32 to vector<16xf32>
          %parallel_loop3A_311 = arith.cmpf oge, %parallel_loop3A_308, %parallel_loop3A_310 : vector<16xf32>
          %parallel_loop3A_312 = arith.constant 1.000000e+00 : f32
          %parallel_loop3A_313 = arith.constant 0.000000e+00 : f32
          %parallel_loop3A_314 = vector.broadcast %parallel_loop3A_312 : f32 to vector<16xf32>
          %parallel_loop3A_315 = vector.broadcast %parallel_loop3A_313 : f32 to vector<16xf32>
          %parallel_loop3A_316 = arith.select %parallel_loop3A_311, %parallel_loop3A_314, %parallel_loop3A_315 : vector<16xi1>, vector<16xf32>
          %parallel_loop3A_317 = arith.constant 7 : i32
          %parallel_loop3A_318 = arith.constant 0 : i32
          %parallel_loop3A_319 = arith.index_cast %parallel_loop3A_317 : i32 to index
          %parallel_loop3A_320 = arith.index_cast %parallel_loop3A_318 : i32 to index
          %parallel_loop3A_321 = arith.index_cast %parallel_loop3A_150 : i32 to index
          %parallel_loop3A_322 = tpu.vector_load %arg7[%parallel_loop3A_319, %parallel_loop3A_320, %parallel_loop3A_321] {strides = array<i32>} : memref<8x1x2048xf32, #tpu.memory_space<vmem>>, vector<16xf32>,
          tpu.vector_store %arg7[%parallel_loop3A_319, %parallel_loop3A_320, %parallel_loop3A_321], %parallel_loop3A_316 {strides = array<i32>} : memref<8x1x2048xf32, #tpu.memory_space<vmem>>, vector<16xf32>,
          %parallel_loop3A_323 = arith.index_cast %parallel_loop3A_152 : i32 to index
          %parallel_loop3A_324 = tpu.vector_load %arg9[%parallel_loop3A_323] {strides = array<i32>} : memref<2048xf32, #tpu.memory_space<vmem>>, vector<16xf32>,
          tpu.vector_store %arg9[%parallel_loop3A_323], %parallel_loop3A_308 {strides = array<i32>} : memref<2048xf32, #tpu.memory_space<vmem>>, vector<16xf32>,
        } {sc.loop_unroll_factor = 2 : i64, sc.parallel_access}
        %mul3A_146 = arith.constant 8 : i32
        %mul3A_147 = arith.muli %scan3A_140, %mul3A_146 : i32
        "tpu.region"() ({
          %run_scoped3A = tpu.sem_alloc : memref<!tpu.dma_semaphore, #tpu.memory_space<semaphore_mem>>
          %dma_start3A_148 = arith.constant 0 : i32
          %dma_start3A_149 = arith.constant 0 : i32
          %dma_start3A_150 = tpu.memref_slice %arg4[%mul3A_147, %add3A, %dma_start3A_148, %dma_start3A_149] : memref<64x32x1x2048xf32, #tpu.memory_space<hbm>> -> memref<8x1x1x2048xf32, #tpu.memory_space<hbm>>
          %dma_start3A_151 = tpu.memref_squeeze %dma_start3A_150 : memref<8x1x1x2048xf32, #tpu.memory_space<hbm>> -> memref<8x1x2048xf32, #tpu.memory_space<hbm>>
          %dma_start3A_152 = arith.constant 0 : i32
          %dma_start3A_153 = arith.constant 0 : i32
          %dma_start3A_154 = tpu.memref_slice %arg4[%mul3A_147, %add3A, %dma_start3A_152, %dma_start3A_153] : memref<64x32x1x2048xf32, #tpu.memory_space<hbm>> -> memref<8x1x1x2048xf32, #tpu.memory_space<hbm>>
          %dma_start3A_155 = tpu.memref_squeeze %dma_start3A_154 : memref<8x1x1x2048xf32, #tpu.memory_space<hbm>> -> memref<8x1x2048xf32, #tpu.memory_space<hbm>>
          tpu.enqueue_dma source(%arg7 : memref<8x1x2048xf32, #tpu.memory_space<vmem>>) target(%dma_start3A_155 : memref<8x1x2048xf32, #tpu.memory_space<hbm>>) target_semaphore(%run_scoped3A : memref<!tpu.dma_semaphore, #tpu.memory_space<semaphore_mem>>)
          %dma_wait3A_156 = arith.constant 0 : i32
          %dma_wait3A_157 = arith.constant 0 : i32
          %dma_wait3A_158 = tpu.memref_slice %arg4[%mul3A_147, %add3A, %dma_wait3A_156, %dma_wait3A_157] : memref<64x32x1x2048xf32, #tpu.memory_space<hbm>> -> memref<8x1x1x2048xf32, #tpu.memory_space<hbm>>
          %dma_wait3A_159 = tpu.memref_squeeze %dma_wait3A_158 : memref<8x1x1x2048xf32, #tpu.memory_space<hbm>> -> memref<8x1x2048xf32, #tpu.memory_space<hbm>>
          %dma_wait3A_160 = arith.constant 0 : i32
          %dma_wait3A_161 = arith.constant 0 : i32
          %dma_wait3A_162 = tpu.memref_slice %arg4[%mul3A_147, %add3A, %dma_wait3A_160, %dma_wait3A_161] : memref<64x32x1x2048xf32, #tpu.memory_space<hbm>> -> memref<8x1x1x2048xf32, #tpu.memory_space<hbm>>
          %dma_wait3A_163 = tpu.memref_squeeze %dma_wait3A_162 : memref<8x1x1x2048xf32, #tpu.memory_space<hbm>> -> memref<8x1x2048xf32, #tpu.memory_space<hbm>>
          tpu.wait_dma2 semaphore(%run_scoped3A : memref<!tpu.dma_semaphore, #tpu.memory_space<semaphore_mem>>) src(%arg7 : memref<8x1x2048xf32, #tpu.memory_space<vmem>>) dst(%dma_wait3A_163 : memref<8x1x2048xf32, #tpu.memory_space<hbm>>)
          tpu.yield
        }) : () -> ()
      }
      %scan3A_139 = arith.constant 6 : i32
    } else {
    }
    return
  }
}

</mosaic_0001>

<sc_bundles>
// kernel: kernel.3.cloned.1.call-start
scs
__scs_entry_jumppad:
0x0: {  	(pc) =	sbr.rel $0x88, $3  }
0x1: {  	(tag) =	ssettag $0x0;
	lr =	simm.s32 $0x1  }
0x2: {  	[smem:$0x3F9F] =	sst lr;
	_ =	strace $0xD0000000  }
0x3: {  	_ = 	snop  }
0x4: {  	_ = 	snop  }
0x5: {  	_ = 	snop  }
0x6: {  	_ = 	snop  }
0x7: {  	_ = 	snop  }
__scs_overlays_trampoline_lowered:
0x8: {  	[smem:$0x3FAE] =	sst s0  }
0x9: {  	[smem:$0x3FAF] =	sst s1  }
0xa: {  	[smem:$0x3FB0] =	sst s2  }
0xb: {  	[smem:$0x3FB1] =	sst s3  }
0xc: {  	[smem:$0x3FB2] =	sst s4  }
0xd: {  	[smem:$0x3FB3] =	sst s5  }
0xe: {  	[smem:$0x3FB4] =	sst s6  }
0xf: {  	[smem:$0x3FB5] =	sst s7  }
0x10: {  	[smem:$0x3FB6] =	sst s8  }
0x11: {  	[smem:$0x3FB7] =	sst s9;
	s0 =	simm.s32 @!p0 $0x0  }
0x12: {  	s1 =	sld [smem:$0x3F9D];
	s0 =	simm.s32 @p0 $0x1  }
0x13: {  	[smem:$0x3FB8] =	sst s0;
	s0 =	simm.s32 @!p1 $0x0  }
0x14: {  	s2 =	sld [smem:$0x3F9C];
	s0 =	simm.s32 @p1 $0x1  }
0x15: {  	[smem:$0x3FB9] =	sst s0;
	s0 =	simm.s32 @!p2 $0x0  }
0x16: {  	s3 =	sld [smem:$0x3FDB];
	s0 =	simm.s32 @p2 $0x1  }
0x17: {  	s4 =	simm.s32 $0x1BF5;
	[smem:$0x3FBB] =	sst s0  }
0x18: {  	s0 =	sld [smem:$0x3F9E];
	_ =	swait.ge [sflag:s4], $0x0  }
0x19: {  	s7 =	sld [smem:$0x3F9F]  }
0x1a: {  	s8 =	sadd.s32 $0xFFFFE003, lr  }
0x1b: {  	s9 =	sadd.s32 $0xFFFFFEF7, lr;
	s5 =	simm.s32 $0xFFFFFFFF;
	p2 =	slt.u32 s8, $0xFFFFF086  }
0x1c: {  	p1 =	slt.u32 s9, $0xF7A;
	s5 =	simm.s32 @!p2 $0x0  }
0x1d: {  	s5 =	simm.s32 @p1 $0x1;
	p0 =	seq.s32 s7, s2  }
0x1e: {  	s7 =	smul.u32 @!p0 $0xF7A, s2;
	p2 =	seq.s32 @!p0 s5, $0x0  }
0x1f: {  	s9 =	smul.u32 $0xF7A, s1;
	s8 =	simm.s32 @!p0 $0x1BF5;
	p2 =	por !p2, p0  }
0x20: {  	[sflag:s8] =	ssyncset.s32 @!p0 $0xFFFFF086;
	s6 =	sadd.s32 @!p0 s3, s7;
	s7 =	simm.s32 @!p0 $0x108  }
0x21: {  	s3 =	sadd.s32 s3, s9;
	s6 =	sadd.s32 @!p0 $0x88, s6;
	s7 =	simm.s32 @p2 $0x1082  }
0x22: {  	[simem:s7], [sflag:s8] =	dma.local @!p0 [hbm:s6], $0xF7A  }
0x23: {  	s9 =	sor.u32 $0xD0000000, s2;
	s6 =	simm.s32 $0x108;
	_ =	swait.ge @!p0 [sflag:s8], $0x0  }
0x24: {  	s3 =	sadd.s32 $0x88, s3;
	s6 =	simm.s32 @!p1 $0x1082;
	[sflag:s4] =	ssyncset.s32 $0xFFFFF086  }
0x25: {  	[simem:s6], [sflag:s4] =	dma.local [hbm:s3], $0xF7A  }
0x26: {  	[smem:$0x3F9F] =	sst s1;
	(tag) =	ssettag s2;
	_ =	strace s9  }
0x27: {  	s1 =	sld [smem:$0x3FAF]  }
0x28: {  	s2 =	sld [smem:$0x3FB0]  }
0x29: {  	s4 =	sld [smem:$0x3FB2]  }
0x2a: {  	p0 =	seq.s32 s5, $0x0;
	s5 =	sld [smem:$0x3FB3]  }
0x2b: {  	s6 =	sld [smem:$0x3FB4]  }
0x2c: {  	s7 =	sld [smem:$0x3FB5]  }
0x2d: {  	s3 =	simm.s32 $0x108;
	s8 =	sld [smem:$0x3FB6]  }
0x2e: {  	s3 =	simm.s32 @!p0 $0x1082;
	s9 =	sld [smem:$0x3FB7]  }
0x2f: {  	lr =	sadd.s32 s0, s3;
	s0 =	sld [smem:$0x3FAE]  }
0x30: {  	s3 =	sld [smem:$0x3FB1]  }
0x31: {  	[smem:$0x3FBA] =	sst s10  }
0x32: {  	s10 =	sld [smem:$0x3FB8];
	_ =	sdelay $0x3  }
0x33: {  	p0 =	seq.s32 s10, $0x1;
	s10 =	sld [smem:$0x3FBA];
	_ =	sdelay $0x3  }
0x34: {  	[smem:$0x3FBA] =	sst s10  }
0x35: {  	s10 =	sld [smem:$0x3FB9];
	_ =	sdelay $0x3  }
0x36: {  	p1 =	seq.s32 s10, $0x1;
	s10 =	sld [smem:$0x3FBA];
	_ =	sdelay $0x3  }
0x37: {  	[smem:$0x3FBA] =	sst s10  }
0x38: {  	s10 =	sld [smem:$0x3FBB]  }
0x39: {  	_ = 	snop;
	(pc) =	sbr.ind lr, $3  }
0x3a: {  	_ = 	snop  }
0x3b: {  	_ = 	snop  }
0x3c: {  	p2 =	seq.s32 s10, $0x1;
	s10 =	sld [smem:$0x3FBA]  }
0x3d: {  	_ =	shalt  }
0x3e: {  	_ =	shalt  }
0x3f: {  	_ =	shalt  }
0x40: {  	_ =	shalt  }
0x41: {  	_ =	shalt  }
0x42: {  	_ =	shalt  }
0x43: {  	_ =	shalt  }
0x44: {  	_ =	shalt  }
0x45: {  	_ =	shalt  }
0x46: {  	_ =	shalt  }
0x47: {  	_ =	shalt  }
0x48: {  	_ =	shalt  }
0x49: {  	_ =	shalt  }
0x4a: {  	_ =	shalt  }
0x4b: {  	_ =	shalt  }
0x4c: {  	_ =	shalt  }
0x4d: {  	_ =	shalt  }
0x4e: {  	_ =	shalt  }
0x4f: {  	_ =	shalt  }
0x50: {  	_ =	shalt  }
0x51: {  	_ =	shalt  }
0x52: {  	_ =	shalt  }
0x53: {  	_ =	shalt  }
0x54: {  	_ =	shalt  }
0x55: {  	_ =	shalt  }
0x56: {  	_ =	shalt  }
0x57: {  	_ =	shalt  }
0x58: {  	_ =	shalt  }
0x59: {  	_ =	shalt  }
0x5a: {  	_ =	shalt  }
0x5b: {  	_ =	shalt  }
0x5c: {  	_ =	shalt  }
0x5d: {  	_ =	shalt  }
0x5e: {  	_ =	shalt  }
0x5f: {  	_ =	shalt  }
0x60: {  	_ =	shalt  }
0x61: {  	_ =	shalt  }
0x62: {  	_ =	shalt  }
0x63: {  	_ =	shalt  }
0x64: {  	_ =	shalt  }
0x65: {  	_ =	shalt  }
0x66: {  	_ =	shalt  }
0x67: {  	_ =	shalt  }
0x68: {  	_ =	shalt  }
0x69: {  	_ =	shalt  }
0x6a: {  	_ =	shalt  }
0x6b: {  	_ =	shalt  }
0x6c: {  	_ =	shalt  }
0x6d: {  	_ =	shalt  }
0x6e: {  	_ =	shalt  }
0x6f: {  	_ =	shalt  }
0x70: {  	_ =	shalt  }
0x71: {  	_ =	shalt  }
0x72: {  	_ =	shalt  }
0x73: {  	_ =	shalt  }
0x74: {  	_ =	shalt  }
0x75: {  	_ =	shalt  }
0x76: {  	_ =	shalt  }
0x77: {  	_ =	shalt  }
0x78: {  	_ =	shalt  }
0x79: {  	_ =	shalt  }
0x7a: {  	_ =	shalt  }
0x7b: {  	_ =	shalt  }
0x7c: {  	_ =	shalt  }
0x7d: {  	_ =	shalt  }
0x7e: {  	_ =	shalt  }
0x7f: {  	_ =	shalt  }
0x80: {  	_ =	shalt  }
0x81: {  	_ =	shalt  }
0x82: {  	_ =	shalt  }
0x83: {  	_ =	shalt  }
0x84: {  	_ =	shalt  }
0x85: {  	_ =	shalt  }
0x86: {  	_ =	shalt  }
0x87: {  	_ =	shalt  }
.Lfunc_end0:
.L_simem_size_0:
called_computation_lowered:
.L_overlay_start_0:
0x88: {  	s2 =	sld [smem:$0x3FD9]  }
0x89: {  	s3 =	sld [smem:$0x3FFE];
	_ =	sdelay $0x1  }
0x8a: {  	s1 =	srdreg.scid  }
0x8b: {  	s0 =	sand.u32 $0x1, s1  }
0x8c: {  	s18 =	sshll.u32 s0, $0xA;
	s2 =	sadd.s32 s3, s2  }
0x8d: {  	s2 =	sadd.s32 s2, s18  }
0x8e: {  	[smem:$0x3FC6] =	sst s2  }
0x8f: {  	_ = 	snop  }
0x90: {  	s2 =	sld [smem:$0x3FC9]  }
0x91: {  	s19 =	sld [smem:$0x3FD0];
	(tm) =	ssettm $0x1  }
0x92: {  	s4 =	sld [smem:$0x3FFB];
	_ =	sdelay $0x3  }
0x93: {  	_ =	strace s4  }
0x94: {  	s4 =	sld [smem:$0x3FFC];
	_ =	sdelay $0x3  }
0x95: {  	_ =	strace s4  }
0x96: {  	s4 =	sld [smem:$0x3FFD];
	_ =	sdelay $0x3  }
0x97: {  	_ =	strace s4  }
0x98: {  	_ =	strace $0x8FFFFFFF  }
0x99: {  	s20 =	sld [smem:$0x3FDB];
	_ =	sdelay $0x1  }
0x9a: {  	s5 =	simm.s32 $_scs_section_size  }
0x9b: {  	s6 =	simm.s32 $_size__tile_overlayer_lowered;
	s7 =	simm.s32 $_tile_overlayer_lowered  }
0x9c: {  	s23 =	simm.s32 $0x1BFF;
	s22 =	sshll.u32 s7, $0x1;
	s4 =	sadd.s32 s5, s20  }
0x9d: {  	s8 =	simm.s32 $0x0;
	s21 =	sshll.u32 s6, $0x1;
	s6 =	sadd.s32 s22, s4  }
0x9e: {  	[timem:s8], [sflag:s23] =	dma.local [hbm:s6], s21  }
0x9f: {  	_ =	swait.ge [sflag:s23], s21  }
0xa0: {  	s5 =	ssub.s32 $0x0, s21;
	[sflag:s23] =	ssyncset.done $0x0  }
0xa1: {  	[sflag:s23] =	ssyncadd.s32 s5;
	_ =	sdelay $0x1  }
0xa2: {  	s24 =	simm.s32 $0x1B8B  }
0xa3: {  	_ =	swait.ge [sflag:s24], $0x1  }
0xa4: {  	[sflag:s24] =	ssyncset.done $0x0  }
0xa5: {  	s25 =	simm.s32 $0x1B8E;
	[sflag:s24] =	ssyncadd.s32 $0xFFFFFFFF  }
0xa6: {  	s26 =	simm.s32 $execute0_lowered;
	[smem:$0x3FD2] =	sst s25  }
0xa7: {  	s5 =	sshll.u32 s26, $0x1;
	_ =	strace $0x80000046;
	[dreg:$0x1] =	wrdreg $0xFFFFFFFF  }
0xa8: {  	s28 =	simm.s32 $_size_execute0_lowered;
	s4 =	sadd.s32 s4, s5;
	[dreg:$0x0] =	wrdreg $0x0  }
0xa9: {  	s5 =	sshll.u32 s28, $0x1;
	[dreg:$0x2] =	wrdreg s4  }
0xaa: {  	[dreg:$0x3] =	wrdreg s5  }
0xab: {  	[dreg:$0x4] =	wrdreg $0xC0  }
0xac: {  	_ =	task [dreg:s8], $0x5FFFF  }
0xad: {  	[dreg:$0x1] =	wrdreg $0xFFFFFFFF  }
0xae: {  	[dreg:$0x0] =	wrdreg $0x60  }
0xaf: {  	[dreg:$0x2] =	wrdreg s2  }
0xb0: {  	[dreg:$0x3] =	wrdreg s19  }
0xb1: {  	[dreg:$0x4] =	wrdreg $0x9  }
0xb2: {  	_ =	task.clear_ibuf [dreg:s8], $0x5FFFF;
	_ =	strace $0x90000046  }
0xb3: {  	s29 =	simm.s32 $0x9;
	_ =	strace $0x80000048  }
0xb4: {  	_ =	swait.ge [sflag:s29], $0x1  }
0xb5: {  	[sflag:s29] =	ssyncadd.s32 $0xFFFFFFFF  }
0xb6: {  	_ =	strace $0x90000048  }
0xb7: {  	_ =	sfence  }
0xb8: {  	s30 =	sld [smem:$0x0];
	_ =	sdelay $0x2  }
0xb9: {  	s31 =	sshll.u32 s1, $0xD;
	s1 =	sshrl.u32 s1, $0x2  }
0xba: {  	s3 =	sand.u32 $0x4000, s31;
	s1 =	sadd.s32 s1, s30  }
0xbb: {  	s0 =	sor.u32 s3, s0;
	s1 =	sshll.u32 s1, $0x11  }
0xbc: {  	s0 =	sor.u32 s1, s0  }
0xbd: {  	s0 =	sadd.s32 $0x8F2B, s0  }
0xbe: {  	[sflag:s0] =	ssyncadd.remote.s32 $0x1  }
0xbf: {  	_ =	sfence.sel $0xFFFF  }
0xc0: {  	[dreg:$0x0] =	wrdreg $0xFFFFFFFF;
	(pc) =	sbr.abs _section_cstart, $3  }
0xc1: {  	[dreg:$0x1] =	wrdreg $0xFFFFFFFF  }
0xc2: {  	_ =	task.clear_ibuf [dreg:s8], $0x2FFFF;
	_ =	strace $0x9FFFFFFF  }
0xc3: {  	(tm) =	ssettm $0x7FFFFFFF  }
tec
execute0_lowered:
.L_overlay_start_1:
0x0: {  	(tag) =	ssettag $0x1  }
0x1: {  	s0 =	srdreg.scid  }
0x2: {  	s1 =	rddreg [dreg:$0x0];
	s2 =	stileid.u32;
	s0 =	sand.u32 $0x1, s0  }
0x3: {  	s3 =	rddreg [dreg:$0x1];
	v0 =	vimm.s32 $0xEFCDAB89;
	v1 =	vimm.s32 $0x67452301;
	s2 =	sshll.u32 s2, $0xC;
	s5 =	sshll.u32 s0, $0xB  }
0x4: {  	v2 =	vimm.s32 $0xDCFE98BA;
	s4 =	simm.s32 $0x0;
	v3 =	vimm.s32 $0x54761032;
	v4 =	vimm.s32 $0xBA98FEDC;
	s0 =	ssub.s32 $0x2, s0;
	s5 =	sor.u32 s5, s2  }
0x5: {  	v5 =	vimm.s32 $0x32107654;
	v6 =	vimm.s32 $0xFEDCBA98;
	[smem:$0x7FF] =	sst s4;
	s25 =	sshrl.u32 s0, $0x1;
	s6 =	sshrl.u32 s5, $0x3  }
0x6: {  	v7 =	vimm.s32 $0x76543210;
	v0 =	vunpack.c.l.s4.s8 v0;
	v1 =	vunpack.c.l.s4.s8 v1;
	_ =	strace $0x80000047;
	s0 =	ssub.s32 s0, s25;
	s7 =	sadd.s32 s1, s6  }
0x7: {  	v2 =	vunpack.c.l.s4.s8 v2;
	v3 =	vunpack.c.l.s4.s8 v3;
	v4 =	vunpack.c.l.s4.s8 v4;
	s26 =	sor.u32 $0x10000, s6;
	s6 =	sadd.s32 s3, s6;
	[dreg:$0x3] =	wrdreg s7  }
0x8: {  	v5 =	vunpack.c.l.s4.s8 v5;
	v6 =	vunpack.c.l.s4.s8 v6;
	v0 =	vunpack.c.0.s8.s32 v0;
	s0 =	smax.u32 s0, $0x1;
	[dreg:$0x5] =	wrdreg s6  }
0x9: {  	v1 =	vunpack.c.0.s8.s32 v1;
	v2 =	vunpack.c.0.s8.s32 v2;
	v3 =	vunpack.c.0.s8.s32 v3;
	s28 =	sadd.s32 s1, s26;
	[dreg:$0xa] =	wrdreg s0  }
.Ltmp0:
0xa: {  	v7 =	vunpack.c.l.s4.s8 v7;
	v4 =	vunpack.c.0.s8.s32 v4;
	v5 =	vunpack.c.0.s8.s32 v5;
	s2 =	sadd.s32 s3, s26;
	[dreg:$0x4] =	wrdreg s28;
	(pc) =	sbr.rel .LBB2_1-.Ltmp0, $4  }
0xb: {  	s14 =	simm.s32 $0x800;
	v6 =	vunpack.c.0.s8.s32 v6;
	v8 =	vcombine.low v1, v0;
	v3 =	vcombine.low v3, v2;
	s29 =	sadd.s32 $0x20000, s6;
	[dreg:$0x6] =	wrdreg s2  }
0xc: {  	s17 =	simm.s32 $0x10000;
	v0 =	vimm.f32 $0.0e+00;
	v4 =	vcombine.low v5, v4;
	v5 =	vunpack.c.0.s8.s32 v7;
	s30 =	sadd.s32 $0x40000, s6;
	[dreg:$0x7] =	wrdreg s29  }
0xd: {  	s18 =	simm.s32 $0x8000;
	v1 =	vimm.f32 $1.000000000e+00;
	v6 =	vand.u32 $0xF, v6;
	s31 =	sadd.s32 $0x60000, s6;
	[dreg:$0x8] =	wrdreg s30;
	v2 =	vand.u32 $0xF, v8  }
0xe: {  	s24 =	simm.s32 $0x5;
	s26 =	simm.s32 $0x0;
	[dreg:$0x9] =	wrdreg s31;
	v3 =	vand.u32 $0xF, v3;
	v4 =	vand.u32 $0xF, v4;
	v5 =	vcombine.low v6, v5  }
.LBB2_10:
0xf: {  	s0 =	rddreg [dreg:$0x7];
	s2 =	simm.s32 $0x10880  }
0x10: {  	[hbm4b:s0+s14] =	stream.strided.scatter [tilespmem:s2], [sflag:$0x3], $0x8000, s17, s14, $0x38;
	[tilespmem:$0x18880] =	vst v63  }
0x11: {  	s28 =	rddreg [dreg:$0x8]  }
0x12: {  	[hbm4b:s28+s14] =	stream.strided.scatter [tilespmem:s2], [sflag:$0x3], $0x8000, s17, s14, $0x38;
	[tilespmem:$0x18880] =	vst v63  }
0x13: {  	s29 =	rddreg [dreg:$0x9];
	s30 =	simm.s32 $0x3  }
0x14: {  	[hbm4b:s29+s14] =	stream.strided.scatter [tilespmem:s2], [sflag:$0x3], $0x8000, s17, s14, $0x38;
	[tilespmem:$0x18880] =	vst v63  }
0x15: {  	_ =	swait.ge [sflag:s30], $0x4000  }
0x16: {  	[sflag:s30] =	ssyncset.done $0x0  }
0x17: {  	s31 =	simm.s32 $0x4;
	[sflag:s30] =	ssyncadd.s32 $0xFFFFC000  }
0x18: {  	_ =	swait.ge [sflag:s31], $0x4000  }
0x19: {  	[sflag:s31] =	ssyncset.done $0x0  }
0x1a: {  	[sflag:s31] =	ssyncadd.s32 $0xFFFFC000  }
0x1b: {  	_ =	swait.ge [sflag:s30], $0x8000  }
0x1c: {  	[sflag:s30] =	ssyncset.done $0x0  }
0x1d: {  	[sflag:s30] =	ssyncadd.s32 $0xFFFF8000  }
0x1e: {  	_ =	swait.ge [sflag:s30], $0x8000  }
0x1f: {  	[sflag:s30] =	ssyncset.done $0x0  }
0x20: {  	[sflag:s30] =	ssyncadd.s32 $0xFFFF8000  }
0x21: {  	_ =	swait.ge [sflag:s30], $0x8000  }
0x22: {  	[sflag:s30] =	ssyncset.done $0x0  }
0x23: {  	[sflag:s30] =	ssyncadd.s32 $0xFFFF8000  }
.LBB2_15:
0x24: {  	s26 =	sadd.s32 $0x1, s26;
	s0 =	rddreg [dreg:$0xa]  }
0x25: {  	p0 =	sne.s32 s26, s0  }
.Ltmp1:
0x26: {  	_ = 	snop;
	(pc) =	sbr.rel @!p0 .LBB2_16-.Ltmp1, $1  }
0x27: {  	_ =	sdelay $0x3  }
.LBB2_1:
0x28: {  	s0 =	rddreg [dreg:$0x3]  }
0x29: {  	[tilespmem:s4], [sflag:$0x1] =	stream.strided.gather [hbm4b:s0+s14], $0x4000, s17, s14, $0x38;
	[tilespmem:$0x18880] =	vst v63  }
0x2a: {  	s30 =	rddreg [dreg:$0x4];
	s2 =	simm.s32 $0x4000  }
0x2b: {  	[tilespmem:s2], [sflag:$0x2] =	stream.strided.gather [hbm4b:s30+s14], $0x4000, s17, s14, $0x38;
	[tilespmem:$0x18880] =	vst v63  }
0x2c: {  	s2 =	sand.u32 $0x60, s4  }
0x2d: {  	s31 =	sand.u32 $0x780, s4;
	s7 =	simm.s32 $0x10880;
	[tilespmem:s17+$0x0] =	vst v0;
	s6 =	sor.u32 $0x10, s2  }
0x2e: {  	[tilespmem:s7+$0x0] =	vst v1;
	s11 =	sor.u32 s31, s6  }
0x2f: {  	s8 =	sadd.s32 $0x11080, s31;
	[tilespmem:s11+$0x10000] =	vst v0  }
0x30: {  	s12 =	sor.u32 s6, s8;
	s8 =	sor.u32 s2, s8;
	[tilespmem:s11+$0x10880] =	vst v1  }
0x31: {  	s9 =	sadd.s32 $0x11880, s31;
	[tilespmem:s8+$0x0] =	vst v1  }
0x32: {  	s13 =	sor.u32 s6, s9;
	s9 =	sor.u32 s2, s9;
	[tilespmem:s12+$0x0] =	vst v1  }
0x33: {  	s10 =	sadd.s32 $0x12080, s31;
	[tilespmem:s9+$0x0] =	vst v1  }
0x34: {  	s15 =	sor.u32 s6, s10;
	s10 =	sor.u32 s2, s10;
	[tilespmem:s13+$0x0] =	vst v1  }
0x35: {  	s11 =	sadd.s32 $0x12880, s31;
	[tilespmem:s10+$0x0] =	vst v1  }
0x36: {  	s16 =	sor.u32 s6, s11;
	s11 =	sor.u32 s2, s11;
	[tilespmem:s15+$0x0] =	vst v1  }
0x37: {  	s12 =	sadd.s32 $0x13080, s31;
	[tilespmem:s11+$0x0] =	vst v1  }
0x38: {  	s19 =	sor.u32 s6, s12;
	s12 =	sor.u32 s2, s12;
	[tilespmem:s16+$0x0] =	vst v1  }
0x39: {  	s13 =	sadd.s32 $0x13880, s31;
	[tilespmem:s12+$0x0] =	vst v1  }
0x3a: {  	s20 =	sor.u32 s6, s13;
	s13 =	sor.u32 s2, s13;
	[tilespmem:s19+$0x0] =	vst v1  }
0x3b: {  	s15 =	sadd.s32 $0x14080, s31;
	[tilespmem:s13+$0x0] =	vst v1  }
0x3c: {  	s21 =	sor.u32 s6, s15;
	s15 =	sor.u32 s2, s15;
	[tilespmem:s20+$0x0] =	vst v1  }
0x3d: {  	s16 =	sadd.s32 $0x14880, s31;
	[tilespmem:s15+$0x0] =	vst v1  }
0x3e: {  	s22 =	sor.u32 s6, s16;
	s16 =	sor.u32 s2, s16;
	[tilespmem:s21+$0x0] =	vst v1  }
0x3f: {  	s19 =	sadd.s32 $0x15080, s31;
	[tilespmem:s16+$0x0] =	vst v1  }
0x40: {  	s23 =	sor.u32 s6, s19;
	s19 =	sor.u32 s2, s19;
	[tilespmem:s22+$0x0] =	vst v1  }
0x41: {  	s20 =	sadd.s32 $0x15880, s31;
	[tilespmem:s19+$0x0] =	vst v1  }
0x42: {  	s25 =	sor.u32 s6, s20;
	s20 =	sor.u32 s2, s20;
	[tilespmem:s23+$0x0] =	vst v1  }
0x43: {  	s21 =	sadd.s32 $0x16080, s31;
	[tilespmem:s20+$0x0] =	vst v1  }
0x44: {  	s28 =	sor.u32 s6, s21;
	s21 =	sor.u32 s2, s21;
	[tilespmem:s25+$0x0] =	vst v1  }
0x45: {  	s22 =	sadd.s32 $0x16880, s31;
	[tilespmem:s21+$0x0] =	vst v1  }
0x46: {  	s23 =	sadd.s32 $0x17080, s31;
	s29 =	sor.u32 s6, s22;
	[tilespmem:s28+$0x0] =	vst v1  }
0x47: {  	s30 =	sor.u32 s6, s23;
	[tilespmem:s29+$0x0] =	vst v1  }
0x48: {  	s25 =	sadd.s32 $0x17880, s31;
	s29 =	sor.u32 s2, s22;
	[tilespmem:s30+$0x0] =	vst v1  }
0x49: {  	s28 =	sadd.s32 $0x18080, s31;
	s31 =	sor.u32 s6, s25;
	[tilespmem:s29+$0x0] =	vst v1  }
0x4a: {  	s30 =	sor.u32 s2, s23;
	[tilespmem:s31+$0x0] =	vst v1  }
0x4b: {  	s7 =	sor.u32 s6, s28;
	[tilespmem:s30+$0x0] =	vst v1  }
0x4c: {  	s0 =	simm.s32 $0x0;
	s9 =	sor.u32 s2, s28;
	s31 =	sor.u32 s2, s25;
	[tilespmem:s7+$0x0] =	vst v1  }
0x4d: {  	s6 =	simm.s32 $0x10000;
	s2 =	simm.s32 $0x20;
	[tilespmem:s31+$0x0] =	vst v1;
	s7 =	simm.s32 $0x10880  }
.LBB2_2:
0x4e: {  	s8 =	sand.u32 $0x60, s2;
	[tilespmem:s9+$0x0] =	vst v1;
	s6 =	sadd.s32 $0x20, s6  }
0x4f: {  	s11 =	sand.u32 $0x780, s2;
	s7 =	sadd.s32 $0x20, s7;
	[tilespmem:s6+$0x0] =	vst v0;
	s9 =	sor.u32 $0x10, s8  }
0x50: {  	[tilespmem:s7+$0x0] =	vst v1;
	s12 =	sor.u32 s11, s9  }
0x51: {  	s13 =	sadd.s32 $0x11080, s11;
	[tilespmem:s12+$0x10000] =	vst v0  }
0x52: {  	s15 =	sadd.s32 $0x11880, s11;
	s10 =	sor.u32 s8, s13;
	s13 =	sor.u32 s9, s13;
	[tilespmem:s12+$0x10880] =	vst v1  }
0x53: {  	s16 =	sadd.s32 $0x12080, s11;
	s12 =	sor.u32 s8, s15;
	s15 =	sor.u32 s9, s15;
	[tilespmem:s13+$0x0] =	vst v1  }
0x54: {  	s19 =	sadd.s32 $0x12880, s11;
	s13 =	sor.u32 s8, s16;
	s16 =	sor.u32 s9, s16;
	[tilespmem:s15+$0x0] =	vst v1  }
0x55: {  	s20 =	sadd.s32 $0x13080, s11;
	s15 =	sor.u32 s8, s19;
	s19 =	sor.u32 s9, s19;
	[tilespmem:s16+$0x0] =	vst v1  }
0x56: {  	s21 =	sadd.s32 $0x13880, s11;
	s16 =	sor.u32 s8, s20;
	s20 =	sor.u32 s9, s20;
	[tilespmem:s19+$0x0] =	vst v1  }
0x57: {  	s22 =	sadd.s32 $0x14080, s11;
	s19 =	sor.u32 s8, s21;
	[tilespmem:s20+$0x0] =	vst v1;
	s20 =	sor.u32 s9, s21  }
0x58: {  	s23 =	sadd.s32 $0x14880, s11;
	s21 =	sor.u32 s8, s22;
	[tilespmem:s20+$0x0] =	vst v1;
	s20 =	sor.u32 s9, s22  }
0x59: {  	s25 =	sadd.s32 $0x15080, s11;
	s22 =	sor.u32 s8, s23;
	[tilespmem:s20+$0x0] =	vst v1;
	s20 =	sor.u32 s9, s23  }
0x5a: {  	s28 =	sadd.s32 $0x15880, s11;
	s23 =	sor.u32 s8, s25;
	[tilespmem:s20+$0x0] =	vst v1;
	s20 =	sor.u32 s9, s25  }
0x5b: {  	s29 =	sadd.s32 $0x16080, s11;
	s25 =	sor.u32 s8, s28;
	[tilespmem:s20+$0x0] =	vst v1;
	s20 =	sor.u32 s9, s28  }
0x5c: {  	s30 =	sadd.s32 $0x16880, s11;
	s28 =	sor.u32 s8, s29;
	[tilespmem:s20+$0x0] =	vst v1;
	s20 =	sor.u32 s9, s29  }
0x5d: {  	s31 =	sadd.s32 $0x17080, s11;
	s29 =	sor.u32 s8, s30;
	[tilespmem:s20+$0x0] =	vst v1;
	s20 =	sor.u32 s9, s30  }
0x5e: {  	s0 =	sadd.s32 $0x2, s0;
	s30 =	sadd.s32 $0x17880, s11;
	[tilespmem:s20+$0x0] =	vst v1;
	s20 =	sor.u32 s9, s31  }
0x5f: {  	p0 =	slt.u32 s0, $0x7E;
	s11 =	sadd.s32 $0x18080, s11;
	[tilespmem:s20+$0x0] =	vst v1;
	s20 =	sor.u32 s9, s30  }
0x60: {  	s31 =	sor.u32 s8, s31;
	s30 =	sor.u32 s8, s30;
	[tilespmem:s20+$0x0] =	vst v1;
	s20 =	sor.u32 s9, s11  }
0x61: {  	s9 =	sor.u32 s8, s11;
	[tilespmem:s20+$0x0] =	vst v1  }
0x62: {  	[tilespmem:s10+$0x0] =	vst v1  }
0x63: {  	[tilespmem:s12+$0x0] =	vst v1  }
0x64: {  	[tilespmem:s13+$0x0] =	vst v1  }
0x65: {  	[tilespmem:s15+$0x0] =	vst v1  }
0x66: {  	[tilespmem:s16+$0x0] =	vst v1  }
0x67: {  	[tilespmem:s19+$0x0] =	vst v1  }
0x68: {  	[tilespmem:s21+$0x0] =	vst v1  }
0x69: {  	[tilespmem:s22+$0x0] =	vst v1  }
0x6a: {  	[tilespmem:s23+$0x0] =	vst v1  }
.Ltmp2:
0x6b: {  	[tilespmem:s25+$0x0] =	vst v1;
	(pc) =	sbr.rel @p0 .LBB2_2-.Ltmp2, $4  }
0x6c: {  	[tilespmem:s28+$0x0] =	vst v1  }
0x6d: {  	[tilespmem:s29+$0x0] =	vst v1  }
0x6e: {  	[tilespmem:s31+$0x0] =	vst v1  }
0x6f: {  	s2 =	sadd.s32 $0x20, s2;
	[tilespmem:s30+$0x0] =	vst v1  }
0x70: {  	[tilespmem:s9+$0x0] =	vst v1;
	s0 =	simm.s32 $0x1  }
0x71: {  	_ =	swait.ge [sflag:s0], $0x4000  }
0x72: {  	[sflag:s0] =	ssyncset.done $0x0  }
0x73: {  	s30 =	simm.s32 $0x10010;
	[sflag:s0] =	ssyncadd.s32 $0xFFFFC000  }
0x74: {  	s16 =	simm.s32 $0x2000;
	v6 =	vld [tilespmem:s30+$0x0]  }
0x75: {  	v7 =	vld [tilespmem:s16+$0xFFFFE010];
	_ =	sdelay $0x4  }
0x76: {  	v6 =	vadd.f32 v7, v6;
	_ =	sdelay $0x1  }
0x77: {  	vm0 =	vge.f32 v6, $1.000000000e+00  }
0x78: {  	s10 =	simm.s32 $0xA000;
	v7 =	vsel vm0, $0x3F800000, v0  }
0x79: {  	[tilespmem:s10+$0xFFFFE010] =	vst v7  }
0x7a: {  	v7 =	vld [tilespmem:s16+$0xFFFFE810];
	_ =	sdelay $0x3  }
0x7b: {  	v8 =	vld [tilespmem:s16+$0xFFFFE000]  }
0x7c: {  	s2 =	simm.s32 $0x2020;
	v9 =	vld [tilespmem:s30+$0xFFFFFFF0];
	v6 =	vadd.f32 v7, v6  }
0x7d: {  	s28 =	simm.s32 $0x10030;
	v10 =	vld [tilespmem:s2+$0xFFFFE010]  }
0x7e: {  	v7 =	vld [tilespmem:s28+$0x0];
	vm0 =	vge.f32 v6, $1.000000000e+00  }
0x7f: {  	v11 =	vsel vm0, $0x3F800000, v0  }
0x80: {  	[tilespmem:s10+$0xFFFFE810] =	vst v11  }
0x81: {  	v11 =	vld [tilespmem:s16+$0xFFFFF010]  }
0x82: {  	v12 =	vld [tilespmem:s2+$0xFFFFE000];
	v8 =	vadd.f32 v8, v9  }
0x83: {  	v9 =	vld [tilespmem:s28+$0xFFFFFFF0];
	v7 =	vadd.f32 v10, v7  }
0x84: {  	vm0 =	vge.f32 v8, $1.000000000e+00  }
0x85: {  	v10 =	vsel vm0, $0x3F800000, v0;
	vm0 =	vge.f32 v7, $1.000000000e+00  }
0x86: {  	s0 =	simm.s32 $0xA020;
	[tilespmem:s10+$0xFFFFE000] =	vst v10;
	v10 =	vsel vm0, $0x3F800000, v0;
	v6 =	vadd.f32 v11, v6  }
0x87: {  	[tilespmem:s0+$0xFFFFE010] =	vst v10;
	v11 =	vld [tilespmem:s16+$0xFFFFE800]  }
0x88: {  	v9 =	vadd.f32 v12, v9;
	v10 =	vld [tilespmem:s2+$0xFFFFE810];
	vm0 =	vge.f32 v6, $1.000000000e+00  }
0x89: {  	v12 =	vsel vm0, $0x3F800000, v0  }
0x8a: {  	vm1 =	vge.f32 v9, $1.000000000e+00;
	[tilespmem:s10+$0xFFFFF010] =	vst v12  }
0x8b: {  	v13 =	vsel vm1, $0x3F800000, v0;
	v12 =	vld [tilespmem:s16+$0xFFFFF810]  }
0x8c: {  	[tilespmem:s0+$0xFFFFE000] =	vst v13;
	v8 =	vadd.f32 v11, v8  }
0x8d: {  	v11 =	vld [tilespmem:s2+$0xFFFFE800];
	v7 =	vadd.f32 v10, v7  }
0x8e: {  	s29 =	simm.s32 $0x10050;
	vm0 =	vge.f32 v8, $1.000000000e+00  }
0x8f: {  	s20 =	simm.s32 $0x2040;
	v13 =	vld [tilespmem:s29+$0x0];
	v10 =	vsel vm0, $0x3F800000, v0;
	vm0 =	vge.f32 v7, $1.000000000e+00  }
0x90: {  	[tilespmem:s10+$0xFFFFE800] =	vst v10;
	v10 =	vld [tilespmem:s20+$0xFFFFE010];
	v6 =	vadd.f32 v12, v6;
	v12 =	vsel vm0, $0x3F800000, v0  }
0x91: {  	v16 =	vld [tilespmem:s29+$0xFFFFFFF0];
	[tilespmem:s0+$0xFFFFE810] =	vst v12  }
0x92: {  	v9 =	vadd.f32 v11, v9;
	v11 =	vld [tilespmem:s2+$0xFFFFF010]  }
0x93: {  	v14 =	vld [tilespmem:s16+$0xFFFFF000];
	vm0 =	vge.f32 v6, $1.000000000e+00  }
0x94: {  	v12 =	vld [tilespmem:s20+$0xFFFFE000];
	vm1 =	vge.f32 v9, $1.000000000e+00;
	v15 =	vsel vm0, $0x3F800000, v0  }
0x95: {  	v17 =	vsel vm1, $0x3F800000, v0;
	[tilespmem:s10+$0xFFFFF810] =	vst v15;
	v10 =	vadd.f32 v10, v13  }
0x96: {  	[tilespmem:s0+$0xFFFFE800] =	vst v17;
	v15 =	vld [tilespmem:s16+$0x10]  }
0x97: {  	v13 =	vld [tilespmem:s2+$0xFFFFF000];
	vm0 =	vge.f32 v10, $1.000000000e+00;
	v7 =	vadd.f32 v11, v7  }
0x98: {  	s15 =	simm.s32 $0xA040;
	v8 =	vadd.f32 v14, v8;
	v11 =	vsel vm0, $0x3F800000, v0  }
0x99: {  	v12 =	vadd.f32 v12, v16;
	[tilespmem:s15+$0xFFFFE010] =	vst v11;
	vm0 =	vge.f32 v7, $1.000000000e+00  }
0x9a: {  	vm1 =	vge.f32 v8, $1.000000000e+00;
	v11 =	vld [tilespmem:s20+$0xFFFFE810];
	v14 =	vsel vm0, $0x3F800000, v0  }
0x9b: {  	v6 =	vadd.f32 v15, v6;
	v15 =	vsel vm1, $0x3F800000, v0;
	vm0 =	vge.f32 v12, $1.000000000e+00;
	[tilespmem:s0+$0xFFFFF010] =	vst v14  }
0x9c: {  	v9 =	vadd.f32 v13, v9;
	[tilespmem:s10+$0xFFFFF000] =	vst v15;
	v13 =	vsel vm0, $0x3F800000, v0;
	v14 =	vld [tilespmem:s2+$0xFFFFF810]  }
0x9d: {  	vm0 =	vge.f32 v6, $1.000000000e+00;
	v15 =	vld [tilespmem:s16+$0xFFFFF800];
	[tilespmem:s15+$0xFFFFE000] =	vst v13  }
0x9e: {  	s11 =	simm.s32 $0x10070;
	vm1 =	vge.f32 v9, $1.000000000e+00;
	v13 =	vsel vm0, $0x3F800000, v0;
	v16 =	vld [tilespmem:s20+$0xFFFFE800]  }
0x9f: {  	v20 =	vld [tilespmem:s11+$0xFFFFFFF0];
	v17 =	vsel vm1, $0x3F800000, v0;
	[tilespmem:s10+$0x10] =	vst v13;
	v10 =	vadd.f32 v11, v10  }
0xa0: {  	[tilespmem:s0+$0xFFFFF000] =	vst v17;
	v17 =	vld [tilespmem:s11+$0x0]  }
0xa1: {  	s12 =	simm.s32 $0x2060;
	v13 =	vld [tilespmem:s16+$0x810];
	vm0 =	vge.f32 v10, $1.000000000e+00;
	v7 =	vadd.f32 v14, v7  }
0xa2: {  	v8 =	vadd.f32 v15, v8;
	v14 =	vld [tilespmem:s12+$0xFFFFE010];
	v15 =	vsel vm0, $0x3F800000, v0  }
0xa3: {  	v11 =	vld [tilespmem:s2+$0xFFFFF800];
	v12 =	vadd.f32 v16, v12;
	[tilespmem:s15+$0xFFFFE810] =	vst v15;
	vm0 =	vge.f32 v7, $1.000000000e+00  }
0xa4: {  	vm1 =	vge.f32 v8, $1.000000000e+00;
	v15 =	vld [tilespmem:s20+$0xFFFFF010];
	v18 =	vsel vm0, $0x3F800000, v0  }
0xa5: {  	v16 =	vld [tilespmem:s12+$0xFFFFE000];
	v19 =	vsel vm1, $0x3F800000, v0;
	vm0 =	vge.f32 v12, $1.000000000e+00;
	[tilespmem:s0+$0xFFFFF810] =	vst v18  }
0xa6: {  	v6 =	vadd.f32 v13, v6;
	[tilespmem:s10+$0xFFFFF800] =	vst v19;
	v13 =	vsel vm0, $0x3F800000, v0;
	v18 =	vld [tilespmem:s2+$0x10]  }
0xa7: {  	v19 =	vld [tilespmem:s16+$0x0];
	[tilespmem:s15+$0xFFFFE800] =	vst v13;
	v13 =	vadd.f32 v14, v17  }
0xa8: {  	v9 =	vadd.f32 v11, v9;
	vm0 =	vge.f32 v6, $1.000000000e+00;
	v11 =	vld [tilespmem:s20+$0xFFFFF000]  }
0xa9: {  	v14 =	vsel vm0, $0x3F800000, v0;
	vm0 =	vge.f32 v13, $1.000000000e+00;
	v10 =	vadd.f32 v15, v10  }
0xaa: {  	s6 =	simm.s32 $0xA060;
	s9 =	simm.s32 $0x2080;
	vm1 =	vge.f32 v9, $1.000000000e+00;
	[tilespmem:s10+$0x810] =	vst v14;
	v14 =	vadd.f32 v16, v20;
	v15 =	vsel vm0, $0x3F800000, v0  }
0xab: {  	v22 =	vld [tilespmem:s9+$0xFFFFE000];
	v16 =	vsel vm1, $0x3F800000, v0;
	[tilespmem:s6+$0xFFFFE010] =	vst v15;
	vm0 =	vge.f32 v10, $1.000000000e+00;
	v7 =	vadd.f32 v18, v7  }
0xac: {  	[tilespmem:s0+$0xFFFFF800] =	vst v16;
	vm1 =	vge.f32 v14, $1.000000000e+00;
	v8 =	vadd.f32 v19, v8;
	v15 =	vld [tilespmem:s12+$0xFFFFE810];
	v16 =	vsel vm0, $0x3F800000, v0  }
0xad: {  	v17 =	vld [tilespmem:s16+$0x1010];
	v11 =	vadd.f32 v11, v12;
	v12 =	vsel vm1, $0x3F800000, v0;
	[tilespmem:s15+$0xFFFFF010] =	vst v16;
	vm0 =	vge.f32 v7, $1.000000000e+00  }
0xae: {  	vm1 =	vge.f32 v8, $1.000000000e+00;
	[tilespmem:s6+$0xFFFFE000] =	vst v12;
	v12 =	vld [tilespmem:s20+$0xFFFFF810];
	v16 =	vsel vm0, $0x3F800000, v0  }
0xaf: {  	v19 =	vsel vm1, $0x3F800000, v0;
	vm0 =	vge.f32 v11, $1.000000000e+00;
	v20 =	vld [tilespmem:s12+$0xFFFFE800];
	[tilespmem:s0+$0x10] =	vst v16  }
0xb0: {  	v18 =	vld [tilespmem:s2+$0x0];
	[tilespmem:s10+$0x0] =	vst v19;
	v16 =	vsel vm0, $0x3F800000, v0  }
0xb1: {  	v19 =	vld [tilespmem:s2+$0x810];
	[tilespmem:s15+$0xFFFFF000] =	vst v16;
	v13 =	vadd.f32 v15, v13  }
0xb2: {  	s7 =	simm.s32 $0x10090;
	v15 =	vld [tilespmem:s20+$0xFFFFF800]  }
0xb3: {  	v16 =	vld [tilespmem:s7+$0x0];
	vm0 =	vge.f32 v13, $1.000000000e+00;
	v10 =	vadd.f32 v12, v10  }
0xb4: {  	v12 =	vld [tilespmem:s9+$0xFFFFE010];
	v14 =	vadd.f32 v20, v14;
	v20 =	vsel vm0, $0x3F800000, v0  }
0xb5: {  	v6 =	vadd.f32 v17, v6;
	v21 =	vld [tilespmem:s16+$0x800];
	[tilespmem:s6+$0xFFFFE810] =	vst v20;
	vm0 =	vge.f32 v10, $1.000000000e+00  }
0xb6: {  	v7 =	vadd.f32 v19, v7;
	vm1 =	vge.f32 v14, $1.000000000e+00;
	v17 =	vld [tilespmem:s12+$0xFFFFF010];
	v19 =	vsel vm0, $0x3F800000, v0  }
0xb7: {  	v11 =	vadd.f32 v15, v11;
	v15 =	vld [tilespmem:s7+$0xFFFFFFF0];
	v20 =	vsel vm1, $0x3F800000, v0;
	[tilespmem:s15+$0xFFFFF810] =	vst v19;
	vm1 =	vge.f32 v6, $1.000000000e+00  }
0xb8: {  	v9 =	vadd.f32 v18, v9;
	vm0 =	vge.f32 v7, $1.000000000e+00;
	[tilespmem:s6+$0xFFFFE800] =	vst v20;
	v18 =	vld [tilespmem:s20+$0x10];
	v20 =	vsel vm1, $0x3F800000, v0  }
0xb9: {  	v12 =	vadd.f32 v12, v16;
	v19 =	vsel vm0, $0x3F800000, v0;
	vm0 =	vge.f32 v11, $1.000000000e+00;
	v16 =	vld [tilespmem:s12+$0xFFFFF000];
	[tilespmem:s10+$0x1010] =	vst v20  }
0xba: {  	v8 =	vadd.f32 v21, v8;
	vm1 =	vge.f32 v9, $1.000000000e+00;
	[tilespmem:s0+$0x810] =	vst v19;
	v19 =	vsel vm0, $0x3F800000, v0;
	v23 =	vld [tilespmem:s16+$0x1810]  }
0xbb: {  	v21 =	vsel vm1, $0x3F800000, v0;
	vm0 =	vge.f32 v12, $1.000000000e+00;
	v20 =	vld [tilespmem:s2+$0x1010];
	[tilespmem:s15+$0xFFFFF800] =	vst v19;
	v13 =	vadd.f32 v17, v13  }
0xbc: {  	s13 =	simm.s32 $0xA080;
	vm1 =	vge.f32 v8, $1.000000000e+00;
	[tilespmem:s0+$0x0] =	vst v21;
	v19 =	vsel vm0, $0x3F800000, v0;
	v17 =	vld [tilespmem:s20+$0x0];
	v15 =	vadd.f32 v22, v15  }
0xbd: {  	v21 =	vsel vm1, $0x3F800000, v0;
	v22 =	vld [tilespmem:s2+$0x800];
	[tilespmem:s13+$0xFFFFE010] =	vst v19;
	vm0 =	vge.f32 v13, $1.000000000e+00;
	v10 =	vadd.f32 v18, v10  }
0xbe: {  	[tilespmem:s10+$0x800] =	vst v21;
	v18 =	vld [tilespmem:s9+$0xFFFFE810];
	vm1 =	vge.f32 v15, $1.000000000e+00;
	v14 =	vadd.f32 v16, v14;
	v16 =	vsel vm0, $0x3F800000, v0  }
0xbf: {  	v19 =	vld [tilespmem:s16+$0x1000];
	v21 =	vsel vm1, $0x3F800000, v0;
	[tilespmem:s6+$0xFFFFF010] =	vst v16;
	vm0 =	vge.f32 v10, $1.000000000e+00;
	v6 =	vadd.f32 v23, v6  }
0xc0: {  	v7 =	vadd.f32 v20, v7;
	[tilespmem:s13+$0xFFFFE000] =	vst v21;
	vm1 =	vge.f32 v14, $1.000000000e+00;
	v16 =	vld [tilespmem:s12+$0xFFFFF810];
	v20 =	vsel vm0, $0x3F800000, v0  }
0xc1: {  	v21 =	vld [tilespmem:s9+$0xFFFFE800];
	v23 =	vsel vm1, $0x3F800000, v0;
	[tilespmem:s15+$0x10] =	vst v20;
	vm1 =	vge.f32 v6, $1.000000000e+00  }
0xc2: {  	v17 =	vadd.f32 v17, v11;
	vm0 =	vge.f32 v7, $1.000000000e+00;
	[tilespmem:s6+$0xFFFFF000] =	vst v23;
	v11 =	vld [tilespmem:s20+$0x810];
	v23 =	vsel vm1, $0x3F800000, v0  }
0xc3: {  	s8 =	simm.s32 $0x100B0;
	v12 =	vadd.f32 v18, v12;
	v20 =	vsel vm0, $0x3F800000, v0;
	v18 =	vld [tilespmem:s12+$0xFFFFF800];
	[tilespmem:s10+$0x1810] =	vst v23  }
0xc4: {  	v9 =	vadd.f32 v22, v9;
	v22 =	vld [tilespmem:s8+$0x0];
	v24 =	vadd.f32 v19, v8;
	vm0 =	vge.f32 v17, $1.000000000e+00;
	[tilespmem:s0+$0x1010] =	vst v20  }
0xc5: {  	s19 =	simm.s32 $0x20A0;
	[tilespmem:s30+$0x0] =	vst v6;
	v6 =	vsel vm0, $0x3F800000, v0;
	vm0 =	vge.f32 v12, $1.000000000e+00;
	v20 =	vld [tilespmem:s2+$0x1810];
	v13 =	vadd.f32 v16, v13  }
0xc6: {  	vm1 =	vge.f32 v9, $1.000000000e+00;
	[tilespmem:s15+$0x0] =	vst v6;
	v6 =	vld [tilespmem:s19+$0xFFFFE010];
	v16 =	vsel vm0, $0x3F800000, v0;
	v15 =	vadd.f32 v21, v15  }
0xc7: {  	v8 =	vld [tilespmem:s8+$0xFFFFFFF0];
	v21 =	vsel vm1, $0x3F800000, v0;
	[tilespmem:s13+$0xFFFFE810] =	vst v16;
	vm0 =	vge.f32 v13, $1.000000000e+00;
	v10 =	vadd.f32 v11, v10  }
0xc8: {  	[tilespmem:s0+$0x800] =	vst v21;
	v11 =	vld [tilespmem:s9+$0xFFFFF010];
	vm1 =	vge.f32 v15, $1.000000000e+00;
	v16 =	vadd.f32 v18, v14;
	v14 =	vsel vm0, $0x3F800000, v0  }
0xc9: {  	v23 =	vld [tilespmem:s19+$0xFFFFE000];
	v18 =	vsel vm1, $0x3F800000, v0;
	[tilespmem:s6+$0xFFFFF810] =	vst v14;
	vm0 =	vge.f32 v10, $1.000000000e+00  }
0xca: {  	v7 =	vadd.f32 v20, v7;
	[tilespmem:s13+$0xFFFFE800] =	vst v18;
	vm1 =	vge.f32 v16, $1.000000000e+00;
	v18 =	vld [tilespmem:s12+$0x10];
	v14 =	vsel vm0, $0x3F800000, v0  }
0xcb: {  	vm0 =	vge.f32 v24, $1.000000000e+00;
	v19 =	vadd.f32 v6, v22;
	v6 =	vld [tilespmem:s9+$0xFFFFF000];
	v20 =	vsel vm1, $0x3F800000, v0;
	[tilespmem:s15+$0x810] =	vst v14  }
0xcc: {  	v14 =	vsel vm0, $0x3F800000, v0;
	vm0 =	vge.f32 v7, $1.000000000e+00;
	[tilespmem:s6+$0xFFFFF800] =	vst v20;
	v20 =	vld [tilespmem:s20+$0x1010]  }
0xcd: {  	[tilespmem:s10+$0x1000] =	vst v14;
	v12 =	vadd.f32 v11, v12;
	v14 =	vsel vm0, $0x3F800000, v0;
	vm0 =	vge.f32 v19, $1.000000000e+00;
	v21 =	vld [tilespmem:s12+$0x0]  }
0xce: {  	s25 =	simm.s32 $0xA0A0;
	v22 =	vld [tilespmem:s20+$0x800];
	[tilespmem:s0+$0x1810] =	vst v14;
	v14 =	vadd.f32 v23, v8;
	v8 =	vsel vm0, $0x3F800000, v0  }
0xcf: {  	vm0 =	vge.f32 v12, $1.000000000e+00;
	v23 =	vld [tilespmem:s2+$0x1000];
	[tilespmem:s25+$0xFFFFE010] =	vst v8;
	v11 =	vadd.f32 v18, v13  }
0xd0: {  	[tilespmem:s28+$0x0] =	vst v7;
	vm1 =	vge.f32 v14, $1.000000000e+00;
	v25 =	vld [tilespmem:s19+$0xFFFFE810];
	v13 =	vadd.f32 v6, v15;
	v6 =	vsel vm0, $0x3F800000, v0  }
0xd1: {  	v26 =	vld [tilespmem:s16+$0x1800];
	v7 =	vsel vm1, $0x3F800000, v0;
	[tilespmem:s13+$0xFFFFF010] =	vst v6;
	vm0 =	vge.f32 v11, $1.000000000e+00;
	v10 =	vadd.f32 v20, v10  }
0xd2: {  	[tilespmem:s25+$0xFFFFE000] =	vst v7;
	vm1 =	vge.f32 v13, $1.000000000e+00;
	v18 =	vld [tilespmem:s9+$0xFFFFF810];
	v8 =	vadd.f32 v21, v16;
	v6 =	vsel vm0, $0x3F800000, v0  }
0xd3: {  	v7 =	vadd.f32 v22, v17;
	v21 =	vld [tilespmem:s19+$0xFFFFE800];
	v15 =	vsel vm1, $0x3F800000, v0;
	[tilespmem:s6+$0x10] =	vst v6;
	vm0 =	vge.f32 v10, $1.000000000e+00  }
0xd4: {  	v6 =	vadd.f32 v23, v9;
	[tilespmem:s13+$0xFFFFF000] =	vst v15;
	vm1 =	vge.f32 v8, $1.000000000e+00;
	v17 =	vld [tilespmem:s12+$0x810];
	v15 =	vsel vm0, $0x3F800000, v0  }
0xd5: {  	vm0 =	vge.f32 v7, $1.000000000e+00;
	v16 =	vadd.f32 v25, v19;
	v19 =	vld [tilespmem:s9+$0xFFFFF800];
	v9 =	vsel vm1, $0x3F800000, v0;
	[tilespmem:s15+$0x1010] =	vst v15  }
0xd6: {  	s23 =	simm.s32 $0xA;
	s21 =	simm.s32 $0x100D0;
	s16 =	simm.s32 $0x20A0;
	v20 =	vsel vm0, $0x3F800000, v0;
	vm0 =	vge.f32 v6, $1.000000000e+00;
	[tilespmem:s6+$0x0] =	vst v9;
	v15 =	vld [tilespmem:s20+$0x1810];
	v9 =	vadd.f32 v26, v24  }
.LBB2_4:
0xd7: {  	v22 =	vld [tilespmem:s21+$0x0];
	vm1 =	vge.f32 v16, $1.000000000e+00;
	s19 =	sadd.s32 $0x20, s19;
	v18 =	vadd.f32 v18, v12;
	[tilespmem:s15+$0x800] =	vst v20;
	v12 =	vsel vm0, $0x3F800000, v0  }
0xd8: {  	v20 =	vld [tilespmem:s19+$0xFFFFE010];
	v21 =	vadd.f32 v21, v14;
	v14 =	vsel vm1, $0x3F800000, v0;
	[tilespmem:s0+$0x1000] =	vst v12;
	vm0 =	vge.f32 v9, $1.000000000e+00  }
0xd9: {  	s23 =	sadd.s32 $0x2, s23;
	v23 =	vld [tilespmem:s19+$0xFFFFE000];
	[tilespmem:s25+$0xFFFFE810] =	vst v14;
	vm1 =	vge.f32 v18, $1.000000000e+00;
	v17 =	vadd.f32 v17, v11;
	v11 =	vsel vm0, $0x3F800000, v0  }
0xda: {  	p0 =	slt.u32 s23, $0x7E;
	vm0 =	vge.f32 v21, $1.000000000e+00;
	v12 =	vld [tilespmem:s16+$0xFFFFF010];
	v19 =	vadd.f32 v19, v13;
	v13 =	vsel vm1, $0x3F800000, v0;
	[tilespmem:s10+$0x1800] =	vst v11;
	s10 =	smov.u32 s0;
	s0 =	smov.u32 s15  }
0xdb: {  	s15 =	smov.u32 s6;
	s6 =	smov.u32 s13;
	v11 =	vld [tilespmem:s21+$0xFFFFFFF0];
	v14 =	vsel vm0, $0x3F800000, v0;
	[tilespmem:s13+$0xFFFFF810] =	vst v13;
	vm0 =	vge.f32 v17, $1.000000000e+00;
	v10 =	vadd.f32 v15, v10;
	s13 =	smov.u32 s25  }
0xdc: {  	[tilespmem:s25+$0xFFFFE800] =	vst v14;
	vm1 =	vge.f32 v19, $1.000000000e+00;
	v13 =	vld [tilespmem:s9+$0x10];
	v14 =	vsel vm0, $0x3F800000, v0  }
0xdd: {  	v15 =	vadd.f32 v20, v22;
	v20 =	vld [tilespmem:s16+$0xFFFFF000];
	v22 =	vsel vm1, $0x3F800000, v0;
	[tilespmem:s15+$0x810] =	vst v14;
	vm0 =	vge.f32 v10, $1.000000000e+00  }
0xde: {  	[tilespmem:s6+$0xFFFFF800] =	vst v22;
	v22 =	vld [tilespmem:s12+$0x1010];
	v14 =	vsel vm0, $0x3F800000, v0  }
0xdf: {  	vm0 =	vge.f32 v15, $1.000000000e+00;
	v12 =	vadd.f32 v12, v16;
	v16 =	vld [tilespmem:s9+$0x0];
	[tilespmem:s0+$0x1810] =	vst v14  }
0xe0: {  	s25 =	sadd.s32 $0x20, s25;
	v14 =	vadd.f32 v23, v11;
	v11 =	vsel vm0, $0x3F800000, v0;
	v23 =	vld [tilespmem:s12+$0x800];
	[tilespmem:s29+$0x0] =	vst v10  }
0xe1: {  	[tilespmem:s25+$0xFFFFE010] =	vst v11;
	vm0 =	vge.f32 v12, $1.000000000e+00;
	v11 =	vadd.f32 v13, v18;
	v24 =	vld [tilespmem:s20+$0x1000]  }
0xe2: {  	vm1 =	vge.f32 v14, $1.000000000e+00;
	v25 =	vld [tilespmem:s19+$0xFFFFE810];
	v13 =	vadd.f32 v20, v21;
	v10 =	vsel vm0, $0x3F800000, v0;
	[tilespmem:s30+$0xFFFFFFF0] =	vst v9;
	s30 =	smov.u32 s28;
	s28 =	smov.u32 s29;
	s29 =	smov.u32 s11  }
0xe3: {  	v9 =	vsel vm1, $0x3F800000, v0;
	[tilespmem:s13+$0xFFFFF010] =	vst v10;
	vm0 =	vge.f32 v11, $1.000000000e+00;
	v10 =	vadd.f32 v22, v17;
	v22 =	vld [tilespmem:s2+$0x1800];
	s2 =	smov.u32 s20;
	s20 =	smov.u32 s12;
	s12 =	smov.u32 s9  }
.Ltmp3:
0xe4: {  	s9 =	smov.u32 s16;
	[tilespmem:s25+$0xFFFFE000] =	vst v9;
	vm1 =	vge.f32 v13, $1.000000000e+00;
	v18 =	vld [tilespmem:s16+$0xFFFFF810];
	v9 =	vadd.f32 v16, v19;
	v16 =	vsel vm0, $0x3F800000, v0;
	s16 =	smov.u32 s19;
	(pc) =	sbr.rel @p0 .LBB2_4-.Ltmp3, $4  }
0xe5: {  	s11 =	smov.u32 s7;
	s7 =	smov.u32 s8;
	s8 =	smov.u32 s21;
	v21 =	vld [tilespmem:s19+$0xFFFFE800];
	v17 =	vsel vm1, $0x3F800000, v0;
	[tilespmem:s6+$0x10] =	vst v16;
	v20 =	vadd.f32 v23, v8;
	vm0 =	vge.f32 v10, $1.000000000e+00  }
0xe6: {  	[tilespmem:s13+$0xFFFFF000] =	vst v17;
	vm1 =	vge.f32 v9, $1.000000000e+00;
	v17 =	vld [tilespmem:s12+$0x810];
	v23 =	vsel vm0, $0x3F800000, v0;
	v24 =	vadd.f32 v24, v7;
	v8 =	vmovc v9  }
0xe7: {  	v16 =	vadd.f32 v25, v15;
	v19 =	vld [tilespmem:s9+$0xFFFFF800];
	v9 =	vsel vm1, $0x3F800000, v0;
	vm0 =	vge.f32 v20, $1.000000000e+00;
	[tilespmem:s15+$0x1010] =	vst v23;
	v7 =	vmovc v20  }
0xe8: {  	s21 =	sadd.s32 $0x20, s21;
	[tilespmem:s6+$0x0] =	vst v9;
	v20 =	vsel vm0, $0x3F800000, v0;
	v15 =	vld [tilespmem:s20+$0x1810];
	vm0 =	vge.f32 v24, $1.000000000e+00;
	v9 =	vadd.f32 v22, v6;
	v6 =	vmovc v24  }
0xe9: {  	vm1 =	vge.f32 v16, $1.000000000e+00  }
0xea: {  	v22 =	vsel vm1, $0x3F800000, v0  }
0xeb: {  	[tilespmem:s25+$0xFFFFE810] =	vst v22  }
0xec: {  	v14 =	vadd.f32 v21, v14;
	v21 =	vld [tilespmem:s16+$0xFFFFF010];
	_ =	sdelay $0x1  }
0xed: {  	vm1 =	vge.f32 v14, $1.000000000e+00  }
0xee: {  	v22 =	vsel vm1, $0x3F800000, v0  }
0xef: {  	[tilespmem:s25+$0xFFFFE800] =	vst v22  }
0xf0: {  	v22 =	vld [tilespmem:s16+$0xFFFFF000];
	v16 =	vadd.f32 v21, v16;
	_ =	sdelay $0x1  }
0xf1: {  	vm1 =	vge.f32 v16, $1.000000000e+00  }
0xf2: {  	v21 =	vsel vm1, $0x3F800000, v0  }
0xf3: {  	[tilespmem:s25+$0xFFFFF010] =	vst v21  }
0xf4: {  	v14 =	vadd.f32 v22, v14;
	v21 =	vld [tilespmem:s16+$0xFFFFF810]  }
0xf5: {  	v12 =	vadd.f32 v18, v12  }
0xf6: {  	vm1 =	vge.f32 v14, $1.000000000e+00  }
0xf7: {  	v18 =	vsel vm1, $0x3F800000, v0;
	vm1 =	vge.f32 v12, $1.000000000e+00  }
0xf8: {  	v22 =	vsel vm1, $0x3F800000, v0;
	[tilespmem:s25+$0xFFFFF000] =	vst v18  }
0xf9: {  	[tilespmem:s13+$0xFFFFF810] =	vst v22;
	v18 =	vld [tilespmem:s16+$0xFFFFF800];
	v16 =	vadd.f32 v21, v16  }
0xfa: {  	v21 =	vld [tilespmem:s9+$0x10]  }
0xfb: {  	vm1 =	vge.f32 v16, $1.000000000e+00  }
0xfc: {  	v13 =	vadd.f32 v19, v13;
	v19 =	vsel vm1, $0x3F800000, v0  }
0xfd: {  	[tilespmem:s25+$0xFFFFF810] =	vst v19  }
0xfe: {  	vm1 =	vge.f32 v13, $1.000000000e+00;
	v14 =	vadd.f32 v18, v14;
	v18 =	vld [tilespmem:s16+$0x10]  }
0xff: {  	v19 =	vsel vm1, $0x3F800000, v0;
	v12 =	vadd.f32 v21, v12  }
0x100: {  	[tilespmem:s13+$0xFFFFF800] =	vst v19;
	vm1 =	vge.f32 v14, $1.000000000e+00  }
0x101: {  	v11 =	vadd.f32 v17, v11;
	v17 =	vld [tilespmem:s9+$0x0];
	v19 =	vsel vm1, $0x3F800000, v0;
	vm1 =	vge.f32 v12, $1.000000000e+00  }
0x102: {  	[tilespmem:s25+$0xFFFFF800] =	vst v19;
	v21 =	vsel vm1, $0x3F800000, v0  }
0x103: {  	vm1 =	vge.f32 v11, $1.000000000e+00;
	v19 =	vld [tilespmem:s16+$0x0];
	[tilespmem:s13+$0x10] =	vst v21;
	v16 =	vadd.f32 v18, v16  }
0x104: {  	v18 =	vsel vm1, $0x3F800000, v0;
	v21 =	vld [tilespmem:s9+$0x810]  }
0x105: {  	[tilespmem:s6+$0x810] =	vst v18;
	vm1 =	vge.f32 v16, $1.000000000e+00  }
0x106: {  	v13 =	vadd.f32 v17, v13;
	v18 =	vld [tilespmem:s12+$0x1010];
	v17 =	vsel vm1, $0x3F800000, v0  }
0x107: {  	v22 =	vld [tilespmem:s12+$0x800];
	[tilespmem:s25+$0x10] =	vst v17  }
0x108: {  	[tilespmem:s15+$0x800] =	vst v20;
	v14 =	vadd.f32 v19, v14;
	v17 =	vsel vm0, $0x3F800000, v0;
	vm0 =	vge.f32 v13, $1.000000000e+00;
	v19 =	vld [tilespmem:s16+$0x810]  }
0x109: {  	vm1 =	vge.f32 v9, $1.000000000e+00;
	[tilespmem:s0+$0x1000] =	vst v17;
	v17 =	vsel vm0, $0x3F800000, v0;
	v12 =	vadd.f32 v21, v12  }
0x10a: {  	v10 =	vadd.f32 v15, v10;
	v20 =	vsel vm1, $0x3F800000, v0;
	vm0 =	vge.f32 v14, $1.000000000e+00;
	[tilespmem:s13+$0x0] =	vst v17  }
0x10b: {  	[tilespmem:s10+$0x1800] =	vst v20;
	v17 =	vsel vm0, $0x3F800000, v0;
	v11 =	vadd.f32 v18, v11;
	vm1 =	vge.f32 v12, $1.000000000e+00;
	v15 =	vld [tilespmem:s9+$0x800]  }
0x10c: {  	v8 =	vadd.f32 v22, v8;
	vm0 =	vge.f32 v10, $1.000000000e+00;
	v18 =	vld [tilespmem:s20+$0x1000];
	[tilespmem:s25+$0x0] =	vst v17;
	v20 =	vsel vm1, $0x3F800000, v0  }
0x10d: {  	v17 =	vsel vm0, $0x3F800000, v0;
	vm0 =	vge.f32 v11, $1.000000000e+00;
	[tilespmem:s13+$0x810] =	vst v20;
	v16 =	vadd.f32 v19, v16;
	v19 =	vld [tilespmem:s16+$0x800]  }
0x10e: {  	[tilespmem:s15+$0x1810] =	vst v17;
	v17 =	vsel vm0, $0x3F800000, v0;
	vm0 =	vge.f32 v8, $1.000000000e+00;
	v20 =	vld [tilespmem:s9+$0x1010]  }
0x10f: {  	v21 =	vld [tilespmem:s2+$0x1800];
	[tilespmem:s6+$0x1010] =	vst v17;
	v17 =	vsel vm0, $0x3F800000, v0;
	vm0 =	vge.f32 v16, $1.000000000e+00  }
0x110: {  	v22 =	vld [tilespmem:s12+$0x1810];
	[tilespmem:s6+$0x800] =	vst v17;
	v13 =	vadd.f32 v15, v13;
	v15 =	vsel vm0, $0x3F800000, v0  }
0x111: {  	v7 =	vadd.f32 v18, v7;
	v17 =	vld [tilespmem:s12+$0x1000];
	[tilespmem:s25+$0x810] =	vst v15  }
0x112: {  	[tilespmem:s29+$0x0] =	vst v10;
	vm0 =	vge.f32 v13, $1.000000000e+00;
	v10 =	vld [tilespmem:s16+$0x1010];
	v14 =	vadd.f32 v19, v14  }
0x113: {  	[tilespmem:s30+$0xFFFFFFF0] =	vst v9;
	vm1 =	vge.f32 v7, $1.000000000e+00;
	v9 =	vadd.f32 v20, v12;
	v12 =	vsel vm0, $0x3F800000, v0  }
0x114: {  	v6 =	vadd.f32 v21, v6;
	v15 =	vsel vm1, $0x3F800000, v0;
	[tilespmem:s13+$0x800] =	vst v12;
	vm0 =	vge.f32 v14, $1.000000000e+00  }
0x115: {  	[tilespmem:s15+$0x1000] =	vst v15;
	v11 =	vadd.f32 v22, v11;
	vm1 =	vge.f32 v9, $1.000000000e+00;
	v12 =	vld [tilespmem:s9+$0x1000];
	v15 =	vsel vm0, $0x3F800000, v0  }
0x116: {  	v18 =	vld [tilespmem:s20+$0x1800];
	vm0 =	vge.f32 v6, $1.000000000e+00;
	v19 =	vsel vm1, $0x3F800000, v0;
	v8 =	vadd.f32 v17, v8;
	[tilespmem:s25+$0x800] =	vst v15  }
0x117: {  	v15 =	vsel vm0, $0x3F800000, v0;
	vm0 =	vge.f32 v11, $1.000000000e+00;
	[tilespmem:s13+$0x1010] =	vst v19;
	v10 =	vadd.f32 v10, v16;
	v16 =	vld [tilespmem:s16+$0x1000]  }
0x118: {  	[tilespmem:s0+$0x1800] =	vst v15;
	v15 =	vsel vm0, $0x3F800000, v0;
	v17 =	vld [tilespmem:s9+$0x1810];
	vm0 =	vge.f32 v8, $1.000000000e+00  }
0x119: {  	[tilespmem:s6+$0x1810] =	vst v15;
	v15 =	vsel vm0, $0x3F800000, v0;
	vm0 =	vge.f32 v10, $1.000000000e+00  }
0x11a: {  	[tilespmem:s6+$0x1000] =	vst v15;
	v12 =	vadd.f32 v12, v13;
	v15 =	vsel vm0, $0x3F800000, v0  }
0x11b: {  	v7 =	vadd.f32 v18, v7;
	v13 =	vld [tilespmem:s12+$0x1800];
	[tilespmem:s25+$0x1010] =	vst v15  }
0x11c: {  	[tilespmem:s11+$0x0] =	vst v11;
	vm0 =	vge.f32 v12, $1.000000000e+00;
	v11 =	vld [tilespmem:s16+$0x1810];
	v14 =	vadd.f32 v16, v14  }
0x11d: {  	[tilespmem:s28+$0xFFFFFFF0] =	vst v6;
	vm1 =	vge.f32 v7, $1.000000000e+00;
	v6 =	vadd.f32 v17, v9;
	v9 =	vsel vm0, $0x3F800000, v0  }
0x11e: {  	v15 =	vsel vm1, $0x3F800000, v0;
	[tilespmem:s13+$0x1000] =	vst v9;
	vm0 =	vge.f32 v14, $1.000000000e+00  }
0x11f: {  	[tilespmem:s15+$0x1800] =	vst v15;
	v9 =	vld [tilespmem:s9+$0x1800];
	v15 =	vsel vm0, $0x3F800000, v0  }
0x120: {  	vm1 =	vge.f32 v6, $1.000000000e+00;
	v8 =	vadd.f32 v13, v8;
	[tilespmem:s25+$0x1000] =	vst v15  }
0x121: {  	[tilespmem:s29+$0xFFFFFFF0] =	vst v7;
	v16 =	vsel vm1, $0x3F800000, v0;
	v10 =	vadd.f32 v11, v10;
	v11 =	vld [tilespmem:s16+$0x1800]  }
0x122: {  	[tilespmem:s13+$0x1810] =	vst v16;
	vm0 =	vge.f32 v8, $1.000000000e+00  }
0x123: {  	[tilespmem:s7+$0x0] =	vst v6;
	v6 =	vsel vm0, $0x3F800000, v0  }
0x124: {  	vm0 =	vge.f32 v10, $1.000000000e+00;
	[tilespmem:s6+$0x1800] =	vst v6;
	v7 =	vadd.f32 v9, v12  }
0x125: {  	v6 =	vsel vm0, $0x3F800000, v0;
	[tilespmem:s11+$0xFFFFFFF0] =	vst v8  }
0x126: {  	[tilespmem:s25+$0x1810] =	vst v6;
	vm0 =	vge.f32 v7, $1.000000000e+00;
	v6 =	vadd.f32 v11, v14  }
0x127: {  	[tilespmem:s8+$0x0] =	vst v10;
	v8 =	vsel vm0, $0x3F800000, v0  }
0x128: {  	[tilespmem:s13+$0x1800] =	vst v8;
	vm0 =	vge.f32 v6, $1.000000000e+00  }
0x129: {  	[tilespmem:s7+$0xFFFFFFF0] =	vst v7;
	v7 =	vsel vm0, $0x3F800000, v0  }
0x12a: {  	[tilespmem:s25+$0x1800] =	vst v7  }
0x12b: {  	[tilespmem:s8+$0xFFFFFFF0] =	vst v6  }
0x12c: {  	s25 =	simm.s32 $0x2;
	s0 =	rddreg [dreg:$0x5]  }
0x12d: {  	[hbm4b:s0+s14] =	stream.strided.scatter [tilespmem:s18], [sflag:$0x3], $0x4000, s17, s14, $0x38;
	[tilespmem:$0x18880] =	vst v63  }
0x12e: {  	_ =	swait.ge [sflag:s25], $0x4000  }
0x12f: {  	[sflag:s25] =	ssyncset.done $0x0  }
0x130: {  	s30 =	simm.s32 $0x10010;
	[sflag:s25] =	ssyncadd.s32 $0xFFFFC000  }
0x131: {  	s31 =	simm.s32 $0x6000;
	v6 =	vld [tilespmem:s30+$0x0]  }
0x132: {  	v7 =	vld [tilespmem:s31+$0xFFFFE010];
	_ =	sdelay $0x4  }
0x133: {  	v6 =	vadd.f32 v7, v6;
	_ =	sdelay $0x1  }
0x134: {  	vm0 =	vge.f32 v6, $1.000000000e+00  }
0x135: {  	s10 =	simm.s32 $0xE000;
	v7 =	vsel vm0, $0x3F800000, v0  }
0x136: {  	[tilespmem:s10+$0xFFFFE010] =	vst v7  }
0x137: {  	v7 =	vld [tilespmem:s31+$0xFFFFE810];
	_ =	sdelay $0x3  }
0x138: {  	v8 =	vld [tilespmem:s31+$0xFFFFE000]  }
0x139: {  	s2 =	simm.s32 $0x6020;
	v9 =	vld [tilespmem:s30+$0xFFFFFFF0];
	v6 =	vadd.f32 v7, v6  }
0x13a: {  	s28 =	simm.s32 $0x10030;
	v10 =	vld [tilespmem:s2+$0xFFFFE010]  }
0x13b: {  	v7 =	vld [tilespmem:s28+$0x0];
	vm0 =	vge.f32 v6, $1.000000000e+00  }
0x13c: {  	v11 =	vsel vm0, $0x3F800000, v0  }
0x13d: {  	[tilespmem:s10+$0xFFFFE810] =	vst v11  }
0x13e: {  	v11 =	vld [tilespmem:s31+$0xFFFFF010]  }
0x13f: {  	v12 =	vld [tilespmem:s2+$0xFFFFE000];
	v8 =	vadd.f32 v8, v9  }
0x140: {  	v9 =	vld [tilespmem:s28+$0xFFFFFFF0];
	v7 =	vadd.f32 v10, v7  }
0x141: {  	vm0 =	vge.f32 v8, $1.000000000e+00  }
0x142: {  	v10 =	vsel vm0, $0x3F800000, v0;
	vm0 =	vge.f32 v7, $1.000000000e+00  }
0x143: {  	s0 =	simm.s32 $0xE020;
	[tilespmem:s10+$0xFFFFE000] =	vst v10;
	v10 =	vsel vm0, $0x3F800000, v0;
	v6 =	vadd.f32 v11, v6  }
0x144: {  	[tilespmem:s0+$0xFFFFE010] =	vst v10;
	v11 =	vld [tilespmem:s31+$0xFFFFE800]  }
0x145: {  	v9 =	vadd.f32 v12, v9;
	v10 =	vld [tilespmem:s2+$0xFFFFE810];
	vm0 =	vge.f32 v6, $1.000000000e+00  }
0x146: {  	v12 =	vsel vm0, $0x3F800000, v0  }
0x147: {  	vm1 =	vge.f32 v9, $1.000000000e+00;
	[tilespmem:s10+$0xFFFFF010] =	vst v12  }
0x148: {  	v13 =	vsel vm1, $0x3F800000, v0;
	v12 =	vld [tilespmem:s31+$0xFFFFF810]  }
0x149: {  	[tilespmem:s0+$0xFFFFE000] =	vst v13;
	v8 =	vadd.f32 v11, v8  }
0x14a: {  	v11 =	vld [tilespmem:s2+$0xFFFFE800];
	v7 =	vadd.f32 v10, v7  }
0x14b: {  	s29 =	simm.s32 $0x10050;
	vm0 =	vge.f32 v8, $1.000000000e+00  }
0x14c: {  	s20 =	simm.s32 $0x6040;
	v13 =	vld [tilespmem:s29+$0x0];
	v10 =	vsel vm0, $0x3F800000, v0;
	vm0 =	vge.f32 v7, $1.000000000e+00  }
0x14d: {  	[tilespmem:s10+$0xFFFFE800] =	vst v10;
	v10 =	vld [tilespmem:s20+$0xFFFFE010];
	v6 =	vadd.f32 v12, v6;
	v12 =	vsel vm0, $0x3F800000, v0  }
0x14e: {  	v16 =	vld [tilespmem:s29+$0xFFFFFFF0];
	[tilespmem:s0+$0xFFFFE810] =	vst v12  }
0x14f: {  	v9 =	vadd.f32 v11, v9;
	v11 =	vld [tilespmem:s2+$0xFFFFF010]  }
0x150: {  	v14 =	vld [tilespmem:s31+$0xFFFFF000];
	vm0 =	vge.f32 v6, $1.000000000e+00  }
0x151: {  	v12 =	vld [tilespmem:s20+$0xFFFFE000];
	vm1 =	vge.f32 v9, $1.000000000e+00;
	v15 =	vsel vm0, $0x3F800000, v0  }
0x152: {  	v17 =	vsel vm1, $0x3F800000, v0;
	[tilespmem:s10+$0xFFFFF810] =	vst v15;
	v10 =	vadd.f32 v10, v13  }
0x153: {  	[tilespmem:s0+$0xFFFFE800] =	vst v17;
	v15 =	vld [tilespmem:s31+$0x10]  }
0x154: {  	v13 =	vld [tilespmem:s2+$0xFFFFF000];
	vm0 =	vge.f32 v10, $1.000000000e+00;
	v7 =	vadd.f32 v11, v7  }
0x155: {  	s15 =	simm.s32 $0xE040;
	v8 =	vadd.f32 v14, v8;
	v11 =	vsel vm0, $0x3F800000, v0  }
0x156: {  	v12 =	vadd.f32 v12, v16;
	[tilespmem:s15+$0xFFFFE010] =	vst v11;
	vm0 =	vge.f32 v7, $1.000000000e+00  }
0x157: {  	vm1 =	vge.f32 v8, $1.000000000e+00;
	v11 =	vld [tilespmem:s20+$0xFFFFE810];
	v14 =	vsel vm0, $0x3F800000, v0  }
0x158: {  	v6 =	vadd.f32 v15, v6;
	v15 =	vsel vm1, $0x3F800000, v0;
	vm0 =	vge.f32 v12, $1.000000000e+00;
	[tilespmem:s0+$0xFFFFF010] =	vst v14  }
0x159: {  	v9 =	vadd.f32 v13, v9;
	[tilespmem:s10+$0xFFFFF000] =	vst v15;
	v13 =	vsel vm0, $0x3F800000, v0;
	v14 =	vld [tilespmem:s2+$0xFFFFF810]  }
0x15a: {  	vm0 =	vge.f32 v6, $1.000000000e+00;
	v15 =	vld [tilespmem:s31+$0xFFFFF800];
	[tilespmem:s15+$0xFFFFE000] =	vst v13  }
0x15b: {  	s11 =	simm.s32 $0x10070;
	vm1 =	vge.f32 v9, $1.000000000e+00;
	v13 =	vsel vm0, $0x3F800000, v0;
	v16 =	vld [tilespmem:s20+$0xFFFFE800]  }
0x15c: {  	v20 =	vld [tilespmem:s11+$0xFFFFFFF0];
	v17 =	vsel vm1, $0x3F800000, v0;
	[tilespmem:s10+$0x10] =	vst v13;
	v10 =	vadd.f32 v11, v10  }
0x15d: {  	[tilespmem:s0+$0xFFFFF000] =	vst v17;
	v17 =	vld [tilespmem:s11+$0x0]  }
0x15e: {  	s12 =	simm.s32 $0x6060;
	v13 =	vld [tilespmem:s31+$0x810];
	vm0 =	vge.f32 v10, $1.000000000e+00;
	v7 =	vadd.f32 v14, v7  }
0x15f: {  	v8 =	vadd.f32 v15, v8;
	v14 =	vld [tilespmem:s12+$0xFFFFE010];
	v15 =	vsel vm0, $0x3F800000, v0  }
0x160: {  	v11 =	vld [tilespmem:s2+$0xFFFFF800];
	v12 =	vadd.f32 v16, v12;
	[tilespmem:s15+$0xFFFFE810] =	vst v15;
	vm0 =	vge.f32 v7, $1.000000000e+00  }
0x161: {  	vm1 =	vge.f32 v8, $1.000000000e+00;
	v15 =	vld [tilespmem:s20+$0xFFFFF010];
	v18 =	vsel vm0, $0x3F800000, v0  }
0x162: {  	v16 =	vld [tilespmem:s12+$0xFFFFE000];
	v19 =	vsel vm1, $0x3F800000, v0;
	vm0 =	vge.f32 v12, $1.000000000e+00;
	[tilespmem:s0+$0xFFFFF810] =	vst v18  }
0x163: {  	v6 =	vadd.f32 v13, v6;
	[tilespmem:s10+$0xFFFFF800] =	vst v19;
	v13 =	vsel vm0, $0x3F800000, v0;
	v18 =	vld [tilespmem:s2+$0x10]  }
0x164: {  	v19 =	vld [tilespmem:s31+$0x0];
	[tilespmem:s15+$0xFFFFE800] =	vst v13;
	v13 =	vadd.f32 v14, v17  }
0x165: {  	v9 =	vadd.f32 v11, v9;
	vm0 =	vge.f32 v6, $1.000000000e+00;
	v11 =	vld [tilespmem:s20+$0xFFFFF000]  }
0x166: {  	v14 =	vsel vm0, $0x3F800000, v0;
	vm0 =	vge.f32 v13, $1.000000000e+00;
	v10 =	vadd.f32 v15, v10  }
0x167: {  	s9 =	simm.s32 $0x6080;
	s6 =	simm.s32 $0xE060;
	vm1 =	vge.f32 v9, $1.000000000e+00;
	[tilespmem:s10+$0x810] =	vst v14;
	v14 =	vadd.f32 v16, v20;
	v15 =	vsel vm0, $0x3F800000, v0  }
0x168: {  	v22 =	vld [tilespmem:s9+$0xFFFFE000];
	v16 =	vsel vm1, $0x3F800000, v0;
	[tilespmem:s6+$0xFFFFE010] =	vst v15;
	vm0 =	vge.f32 v10, $1.000000000e+00;
	v7 =	vadd.f32 v18, v7  }
0x169: {  	[tilespmem:s0+$0xFFFFF800] =	vst v16;
	vm1 =	vge.f32 v14, $1.000000000e+00;
	v8 =	vadd.f32 v19, v8;
	v15 =	vld [tilespmem:s12+$0xFFFFE810];
	v16 =	vsel vm0, $0x3F800000, v0  }
0x16a: {  	v17 =	vld [tilespmem:s31+$0x1010];
	v11 =	vadd.f32 v11, v12;
	v12 =	vsel vm1, $0x3F800000, v0;
	[tilespmem:s15+$0xFFFFF010] =	vst v16;
	vm0 =	vge.f32 v7, $1.000000000e+00  }
0x16b: {  	vm1 =	vge.f32 v8, $1.000000000e+00;
	[tilespmem:s6+$0xFFFFE000] =	vst v12;
	v12 =	vld [tilespmem:s20+$0xFFFFF810];
	v16 =	vsel vm0, $0x3F800000, v0  }
0x16c: {  	v19 =	vsel vm1, $0x3F800000, v0;
	vm0 =	vge.f32 v11, $1.000000000e+00;
	v20 =	vld [tilespmem:s12+$0xFFFFE800];
	[tilespmem:s0+$0x10] =	vst v16  }
0x16d: {  	v18 =	vld [tilespmem:s2+$0x0];
	[tilespmem:s10+$0x0] =	vst v19;
	v16 =	vsel vm0, $0x3F800000, v0  }
0x16e: {  	v19 =	vld [tilespmem:s2+$0x810];
	[tilespmem:s15+$0xFFFFF000] =	vst v16;
	v13 =	vadd.f32 v15, v13  }
0x16f: {  	s7 =	simm.s32 $0x10090;
	v15 =	vld [tilespmem:s20+$0xFFFFF800]  }
0x170: {  	v16 =	vld [tilespmem:s7+$0x0];
	vm0 =	vge.f32 v13, $1.000000000e+00;
	v10 =	vadd.f32 v12, v10  }
0x171: {  	v12 =	vld [tilespmem:s9+$0xFFFFE010];
	v14 =	vadd.f32 v20, v14;
	v20 =	vsel vm0, $0x3F800000, v0  }
0x172: {  	v6 =	vadd.f32 v17, v6;
	v21 =	vld [tilespmem:s31+$0x800];
	[tilespmem:s6+$0xFFFFE810] =	vst v20;
	vm0 =	vge.f32 v10, $1.000000000e+00  }
0x173: {  	v7 =	vadd.f32 v19, v7;
	vm1 =	vge.f32 v14, $1.000000000e+00;
	v17 =	vld [tilespmem:s12+$0xFFFFF010];
	v19 =	vsel vm0, $0x3F800000, v0  }
0x174: {  	v11 =	vadd.f32 v15, v11;
	v15 =	vld [tilespmem:s7+$0xFFFFFFF0];
	v20 =	vsel vm1, $0x3F800000, v0;
	[tilespmem:s15+$0xFFFFF810] =	vst v19;
	vm1 =	vge.f32 v6, $1.000000000e+00  }
0x175: {  	v9 =	vadd.f32 v18, v9;
	vm0 =	vge.f32 v7, $1.000000000e+00;
	[tilespmem:s6+$0xFFFFE800] =	vst v20;
	v18 =	vld [tilespmem:s20+$0x10];
	v20 =	vsel vm1, $0x3F800000, v0  }
0x176: {  	v12 =	vadd.f32 v12, v16;
	v19 =	vsel vm0, $0x3F800000, v0;
	vm0 =	vge.f32 v11, $1.000000000e+00;
	v16 =	vld [tilespmem:s12+$0xFFFFF000];
	[tilespmem:s10+$0x1010] =	vst v20  }
0x177: {  	v8 =	vadd.f32 v21, v8;
	vm1 =	vge.f32 v9, $1.000000000e+00;
	[tilespmem:s0+$0x810] =	vst v19;
	v19 =	vsel vm0, $0x3F800000, v0;
	v23 =	vld [tilespmem:s31+$0x1810]  }
0x178: {  	v21 =	vsel vm1, $0x3F800000, v0;
	vm0 =	vge.f32 v12, $1.000000000e+00;
	v20 =	vld [tilespmem:s2+$0x1010];
	[tilespmem:s15+$0xFFFFF800] =	vst v19;
	v13 =	vadd.f32 v17, v13  }
0x179: {  	s13 =	simm.s32 $0xE080;
	vm1 =	vge.f32 v8, $1.000000000e+00;
	[tilespmem:s0+$0x0] =	vst v21;
	v19 =	vsel vm0, $0x3F800000, v0;
	v17 =	vld [tilespmem:s20+$0x0];
	v15 =	vadd.f32 v22, v15  }
0x17a: {  	v21 =	vsel vm1, $0x3F800000, v0;
	v22 =	vld [tilespmem:s2+$0x800];
	[tilespmem:s13+$0xFFFFE010] =	vst v19;
	vm0 =	vge.f32 v13, $1.000000000e+00;
	v10 =	vadd.f32 v18, v10  }
0x17b: {  	[tilespmem:s10+$0x800] =	vst v21;
	v18 =	vld [tilespmem:s9+$0xFFFFE810];
	vm1 =	vge.f32 v15, $1.000000000e+00;
	v14 =	vadd.f32 v16, v14;
	v16 =	vsel vm0, $0x3F800000, v0  }
0x17c: {  	v19 =	vld [tilespmem:s31+$0x1000];
	v21 =	vsel vm1, $0x3F800000, v0;
	[tilespmem:s6+$0xFFFFF010] =	vst v16;
	vm0 =	vge.f32 v10, $1.000000000e+00;
	v6 =	vadd.f32 v23, v6  }
0x17d: {  	v7 =	vadd.f32 v20, v7;
	[tilespmem:s13+$0xFFFFE000] =	vst v21;
	vm1 =	vge.f32 v14, $1.000000000e+00;
	v16 =	vld [tilespmem:s12+$0xFFFFF810];
	v20 =	vsel vm0, $0x3F800000, v0  }
0x17e: {  	v21 =	vld [tilespmem:s9+$0xFFFFE800];
	v23 =	vsel vm1, $0x3F800000, v0;
	[tilespmem:s15+$0x10] =	vst v20;
	vm1 =	vge.f32 v6, $1.000000000e+00  }
0x17f: {  	v17 =	vadd.f32 v17, v11;
	vm0 =	vge.f32 v7, $1.000000000e+00;
	[tilespmem:s6+$0xFFFFF000] =	vst v23;
	v11 =	vld [tilespmem:s20+$0x810];
	v23 =	vsel vm1, $0x3F800000, v0  }
0x180: {  	s8 =	simm.s32 $0x100B0;
	v12 =	vadd.f32 v18, v12;
	v20 =	vsel vm0, $0x3F800000, v0;
	v18 =	vld [tilespmem:s12+$0xFFFFF800];
	[tilespmem:s10+$0x1810] =	vst v23  }
0x181: {  	v9 =	vadd.f32 v22, v9;
	v22 =	vld [tilespmem:s8+$0x0];
	v24 =	vadd.f32 v19, v8;
	vm0 =	vge.f32 v17, $1.000000000e+00;
	[tilespmem:s0+$0x1010] =	vst v20  }
0x182: {  	s19 =	simm.s32 $0x60A0;
	[tilespmem:s30+$0x0] =	vst v6;
	v6 =	vsel vm0, $0x3F800000, v0;
	vm0 =	vge.f32 v12, $1.000000000e+00;
	v20 =	vld [tilespmem:s2+$0x1810];
	v13 =	vadd.f32 v16, v13  }
0x183: {  	vm1 =	vge.f32 v9, $1.000000000e+00;
	[tilespmem:s15+$0x0] =	vst v6;
	v6 =	vld [tilespmem:s19+$0xFFFFE010];
	v16 =	vsel vm0, $0x3F800000, v0;
	v15 =	vadd.f32 v21, v15  }
0x184: {  	v8 =	vld [tilespmem:s8+$0xFFFFFFF0];
	v21 =	vsel vm1, $0x3F800000, v0;
	[tilespmem:s13+$0xFFFFE810] =	vst v16;
	vm0 =	vge.f32 v13, $1.000000000e+00;
	v10 =	vadd.f32 v11, v10  }
0x185: {  	[tilespmem:s0+$0x800] =	vst v21;
	v11 =	vld [tilespmem:s9+$0xFFFFF010];
	vm1 =	vge.f32 v15, $1.000000000e+00;
	v16 =	vadd.f32 v18, v14;
	v14 =	vsel vm0, $0x3F800000, v0  }
0x186: {  	v23 =	vld [tilespmem:s19+$0xFFFFE000];
	v18 =	vsel vm1, $0x3F800000, v0;
	[tilespmem:s6+$0xFFFFF810] =	vst v14;
	vm0 =	vge.f32 v10, $1.000000000e+00  }
0x187: {  	v7 =	vadd.f32 v20, v7;
	[tilespmem:s13+$0xFFFFE800] =	vst v18;
	vm1 =	vge.f32 v16, $1.000000000e+00;
	v18 =	vld [tilespmem:s12+$0x10];
	v14 =	vsel vm0, $0x3F800000, v0  }
0x188: {  	vm0 =	vge.f32 v24, $1.000000000e+00;
	v19 =	vadd.f32 v6, v22;
	v6 =	vld [tilespmem:s9+$0xFFFFF000];
	v20 =	vsel vm1, $0x3F800000, v0;
	[tilespmem:s15+$0x810] =	vst v14  }
0x189: {  	v14 =	vsel vm0, $0x3F800000, v0;
	vm0 =	vge.f32 v7, $1.000000000e+00;
	[tilespmem:s6+$0xFFFFF800] =	vst v20;
	v20 =	vld [tilespmem:s20+$0x1010]  }
0x18a: {  	[tilespmem:s10+$0x1000] =	vst v14;
	v12 =	vadd.f32 v11, v12;
	v14 =	vsel vm0, $0x3F800000, v0;
	vm0 =	vge.f32 v19, $1.000000000e+00;
	v21 =	vld [tilespmem:s12+$0x0]  }
0x18b: {  	s25 =	simm.s32 $0xE0A0;
	v22 =	vld [tilespmem:s20+$0x800];
	[tilespmem:s0+$0x1810] =	vst v14;
	v14 =	vadd.f32 v23, v8;
	v8 =	vsel vm0, $0x3F800000, v0  }
0x18c: {  	vm0 =	vge.f32 v12, $1.000000000e+00;
	v23 =	vld [tilespmem:s2+$0x1000];
	[tilespmem:s25+$0xFFFFE010] =	vst v8;
	v11 =	vadd.f32 v18, v13  }
0x18d: {  	[tilespmem:s28+$0x0] =	vst v7;
	vm1 =	vge.f32 v14, $1.000000000e+00;
	v25 =	vld [tilespmem:s19+$0xFFFFE810];
	v13 =	vadd.f32 v6, v15;
	v6 =	vsel vm0, $0x3F800000, v0  }
0x18e: {  	v26 =	vld [tilespmem:s31+$0x1800];
	v7 =	vsel vm1, $0x3F800000, v0;
	[tilespmem:s13+$0xFFFFF010] =	vst v6;
	vm0 =	vge.f32 v11, $1.000000000e+00;
	v10 =	vadd.f32 v20, v10  }
0x18f: {  	[tilespmem:s25+$0xFFFFE000] =	vst v7;
	vm1 =	vge.f32 v13, $1.000000000e+00;
	v18 =	vld [tilespmem:s9+$0xFFFFF810];
	v8 =	vadd.f32 v21, v16;
	v6 =	vsel vm0, $0x3F800000, v0  }
0x190: {  	v7 =	vadd.f32 v22, v17;
	v21 =	vld [tilespmem:s19+$0xFFFFE800];
	v15 =	vsel vm1, $0x3F800000, v0;
	[tilespmem:s6+$0x10] =	vst v6;
	vm0 =	vge.f32 v10, $1.000000000e+00  }
0x191: {  	v6 =	vadd.f32 v23, v9;
	[tilespmem:s13+$0xFFFFF000] =	vst v15;
	vm1 =	vge.f32 v8, $1.000000000e+00;
	v17 =	vld [tilespmem:s12+$0x810];
	v15 =	vsel vm0, $0x3F800000, v0  }
0x192: {  	vm0 =	vge.f32 v7, $1.000000000e+00;
	v16 =	vadd.f32 v25, v19;
	v19 =	vld [tilespmem:s9+$0xFFFFF800];
	v9 =	vsel vm1, $0x3F800000, v0;
	[tilespmem:s15+$0x1010] =	vst v15  }
0x193: {  	s23 =	simm.s32 $0xA;
	s21 =	simm.s32 $0x100D0;
	s16 =	simm.s32 $0x60A0;
	v20 =	vsel vm0, $0x3F800000, v0;
	vm0 =	vge.f32 v6, $1.000000000e+00;
	[tilespmem:s6+$0x0] =	vst v9;
	v15 =	vld [tilespmem:s20+$0x1810];
	v9 =	vadd.f32 v26, v24  }
.LBB2_6:
0x194: {  	v22 =	vld [tilespmem:s21+$0x0];
	vm1 =	vge.f32 v16, $1.000000000e+00;
	s19 =	sadd.s32 $0x20, s19;
	v18 =	vadd.f32 v18, v12;
	[tilespmem:s15+$0x800] =	vst v20;
	v12 =	vsel vm0, $0x3F800000, v0  }
0x195: {  	v20 =	vld [tilespmem:s19+$0xFFFFE010];
	v21 =	vadd.f32 v21, v14;
	v14 =	vsel vm1, $0x3F800000, v0;
	[tilespmem:s0+$0x1000] =	vst v12;
	vm0 =	vge.f32 v9, $1.000000000e+00  }
0x196: {  	s23 =	sadd.s32 $0x2, s23;
	v23 =	vld [tilespmem:s19+$0xFFFFE000];
	[tilespmem:s25+$0xFFFFE810] =	vst v14;
	vm1 =	vge.f32 v18, $1.000000000e+00;
	v17 =	vadd.f32 v17, v11;
	v11 =	vsel vm0, $0x3F800000, v0  }
0x197: {  	p0 =	slt.u32 s23, $0x7E;
	vm0 =	vge.f32 v21, $1.000000000e+00;
	v12 =	vld [tilespmem:s16+$0xFFFFF010];
	v19 =	vadd.f32 v19, v13;
	v13 =	vsel vm1, $0x3F800000, v0;
	[tilespmem:s10+$0x1800] =	vst v11;
	s10 =	smov.u32 s0;
	s0 =	smov.u32 s15  }
0x198: {  	s15 =	smov.u32 s6;
	s6 =	smov.u32 s13;
	v11 =	vld [tilespmem:s21+$0xFFFFFFF0];
	v14 =	vsel vm0, $0x3F800000, v0;
	[tilespmem:s13+$0xFFFFF810] =	vst v13;
	vm0 =	vge.f32 v17, $1.000000000e+00;
	v10 =	vadd.f32 v15, v10;
	s13 =	smov.u32 s25  }
0x199: {  	[tilespmem:s25+$0xFFFFE800] =	vst v14;
	vm1 =	vge.f32 v19, $1.000000000e+00;
	v13 =	vld [tilespmem:s9+$0x10];
	v14 =	vsel vm0, $0x3F800000, v0  }
0x19a: {  	v15 =	vadd.f32 v20, v22;
	v20 =	vld [tilespmem:s16+$0xFFFFF000];
	v22 =	vsel vm1, $0x3F800000, v0;
	[tilespmem:s15+$0x810] =	vst v14;
	vm0 =	vge.f32 v10, $1.000000000e+00  }
0x19b: {  	[tilespmem:s6+$0xFFFFF800] =	vst v22;
	v22 =	vld [tilespmem:s12+$0x1010];
	v14 =	vsel vm0, $0x3F800000, v0  }
0x19c: {  	vm0 =	vge.f32 v15, $1.000000000e+00;
	v12 =	vadd.f32 v12, v16;
	v16 =	vld [tilespmem:s9+$0x0];
	[tilespmem:s0+$0x1810] =	vst v14  }
0x19d: {  	s25 =	sadd.s32 $0x20, s25;
	v14 =	vadd.f32 v23, v11;
	v11 =	vsel vm0, $0x3F800000, v0;
	v23 =	vld [tilespmem:s12+$0x800];
	[tilespmem:s29+$0x0] =	vst v10  }
0x19e: {  	[tilespmem:s25+$0xFFFFE010] =	vst v11;
	vm0 =	vge.f32 v12, $1.000000000e+00;
	v11 =	vadd.f32 v13, v18;
	v24 =	vld [tilespmem:s20+$0x1000]  }
0x19f: {  	vm1 =	vge.f32 v14, $1.000000000e+00;
	v25 =	vld [tilespmem:s19+$0xFFFFE810];
	v13 =	vadd.f32 v20, v21;
	v10 =	vsel vm0, $0x3F800000, v0;
	[tilespmem:s30+$0xFFFFFFF0] =	vst v9;
	s30 =	smov.u32 s28;
	s28 =	smov.u32 s29;
	s29 =	smov.u32 s11  }
0x1a0: {  	v9 =	vsel vm1, $0x3F800000, v0;
	[tilespmem:s13+$0xFFFFF010] =	vst v10;
	vm0 =	vge.f32 v11, $1.000000000e+00;
	v10 =	vadd.f32 v22, v17;
	v22 =	vld [tilespmem:s2+$0x1800];
	s2 =	smov.u32 s20;
	s20 =	smov.u32 s12;
	s12 =	smov.u32 s9  }
.Ltmp4:
0x1a1: {  	s9 =	smov.u32 s16;
	[tilespmem:s25+$0xFFFFE000] =	vst v9;
	vm1 =	vge.f32 v13, $1.000000000e+00;
	v18 =	vld [tilespmem:s16+$0xFFFFF810];
	v9 =	vadd.f32 v16, v19;
	v16 =	vsel vm0, $0x3F800000, v0;
	s16 =	smov.u32 s19;
	(pc) =	sbr.rel @p0 .LBB2_6-.Ltmp4, $4  }
0x1a2: {  	s11 =	smov.u32 s7;
	s7 =	smov.u32 s8;
	s8 =	smov.u32 s21;
	v21 =	vld [tilespmem:s19+$0xFFFFE800];
	v17 =	vsel vm1, $0x3F800000, v0;
	[tilespmem:s6+$0x10] =	vst v16;
	v20 =	vadd.f32 v23, v8;
	vm0 =	vge.f32 v10, $1.000000000e+00  }
0x1a3: {  	[tilespmem:s13+$0xFFFFF000] =	vst v17;
	vm1 =	vge.f32 v9, $1.000000000e+00;
	v17 =	vld [tilespmem:s12+$0x810];
	v23 =	vsel vm0, $0x3F800000, v0;
	v24 =	vadd.f32 v24, v7;
	v8 =	vmovc v9  }
0x1a4: {  	v16 =	vadd.f32 v25, v15;
	v19 =	vld [tilespmem:s9+$0xFFFFF800];
	v9 =	vsel vm1, $0x3F800000, v0;
	vm0 =	vge.f32 v20, $1.000000000e+00;
	[tilespmem:s15+$0x1010] =	vst v23;
	v7 =	vmovc v20  }
0x1a5: {  	s21 =	sadd.s32 $0x20, s21;
	[tilespmem:s6+$0x0] =	vst v9;
	v20 =	vsel vm0, $0x3F800000, v0;
	v15 =	vld [tilespmem:s20+$0x1810];
	vm0 =	vge.f32 v24, $1.000000000e+00;
	v9 =	vadd.f32 v22, v6;
	v6 =	vmovc v24  }
0x1a6: {  	vm1 =	vge.f32 v16, $1.000000000e+00  }
0x1a7: {  	v22 =	vsel vm1, $0x3F800000, v0  }
0x1a8: {  	v14 =	vadd.f32 v21, v14;
	[tilespmem:s25+$0xFFFFE810] =	vst v22  }
0x1a9: {  	v51 =	vld [tilespmem:s16+$0xFFFFF010]  }
0x1aa: {  	vm6 =	vge.f32 v14, $1.000000000e+00  }
0x1ab: {  	v52 =	vsel vm6, $0x3F800000, v0  }
0x1ac: {  	[tilespmem:s25+$0xFFFFE800] =	vst v52  }
0x1ad: {  	v22 =	vld [tilespmem:s16+$0xFFFFF000]  }
0x1ae: {  	v53 =	vadd.f32 v51, v16;
	_ =	sdelay $0x1  }
0x1af: {  	vm7 =	vge.f32 v53, $1.000000000e+00  }
0x1b0: {  	v54 =	vsel vm7, $0x3F800000, v0  }
0x1b1: {  	v14 =	vadd.f32 v22, v14;
	[tilespmem:s25+$0xFFFFF010] =	vst v54  }
0x1b2: {  	v21 =	vld [tilespmem:s16+$0xFFFFF810]  }
0x1b3: {  	v12 =	vadd.f32 v18, v12;
	vm8 =	vge.f32 v14, $1.000000000e+00  }
0x1b4: {  	v55 =	vsel vm8, $0x3F800000, v0  }
0x1b5: {  	vm9 =	vge.f32 v12, $1.000000000e+00;
	[tilespmem:s25+$0xFFFFF000] =	vst v55  }
0x1b6: {  	v56 =	vsel vm9, $0x3F800000, v0;
	v57 =	vld [tilespmem:s16+$0xFFFFF800]  }
0x1b7: {  	[tilespmem:s13+$0xFFFFF810] =	vst v56;
	v16 =	vadd.f32 v21, v53  }
0x1b8: {  	v13 =	vadd.f32 v19, v13;
	v58 =	vld [tilespmem:s9+$0x10]  }
0x1b9: {  	vm10 =	vge.f32 v16, $1.000000000e+00  }
0x1ba: {  	vm11 =	vge.f32 v13, $1.000000000e+00;
	v59 =	vsel vm10, $0x3F800000, v0  }
0x1bb: {  	v61 =	vsel vm11, $0x3F800000, v0;
	v14 =	vadd.f32 v57, v14;
	[tilespmem:s25+$0xFFFFF810] =	vst v59  }
0x1bc: {  	[tilespmem:s13+$0xFFFFF800] =	vst v61;
	v60 =	vld [tilespmem:s16+$0x10]  }
0x1bd: {  	v62 =	vld [tilespmem:s9+$0x0];
	v12 =	vadd.f32 v58, v12;
	vm12 =	vge.f32 v14, $1.000000000e+00  }
0x1be: {  	v63 =	vsel vm12, $0x3F800000, v0  }
0x1bf: {  	vm13 =	vge.f32 v12, $1.000000000e+00;
	[tilespmem:s25+$0xFFFFF800] =	vst v63  }
0x1c0: {  	v11 =	vadd.f32 v17, v11;
	v24 =	vsel vm13, $0x3F800000, v0;
	v19 =	vld [tilespmem:s16+$0x0]  }
0x1c1: {  	[tilespmem:s13+$0x10] =	vst v24;
	v16 =	vadd.f32 v60, v16  }
0x1c2: {  	[tilespmem:s15+$0x800] =	vst v20;
	vm14 =	vge.f32 v11, $1.000000000e+00;
	v13 =	vadd.f32 v62, v13;
	v21 =	vld [tilespmem:s9+$0x810]  }
0x1c3: {  	v34 =	vld [tilespmem:s20+$0x1000];
	v25 =	vsel vm14, $0x3F800000, v0;
	vm15 =	vge.f32 v16, $1.000000000e+00  }
0x1c4: {  	v27 =	vld [tilespmem:s12+$0x800];
	[tilespmem:s6+$0x810] =	vst v25;
	vm4 =	vge.f32 v13, $1.000000000e+00;
	v26 =	vsel vm15, $0x3F800000, v0  }
0x1c5: {  	v18 =	vld [tilespmem:s12+$0x1010];
	v30 =	vsel vm4, $0x3F800000, v0;
	v14 =	vadd.f32 v19, v14;
	[tilespmem:s25+$0x10] =	vst v26  }
0x1c6: {  	v28 =	vsel vm0, $0x3F800000, v0;
	vm5 =	vge.f32 v9, $1.000000000e+00;
	[tilespmem:s13+$0x0] =	vst v30;
	v29 =	vld [tilespmem:s16+$0x810]  }
0x1c7: {  	[tilespmem:s0+$0x1000] =	vst v28;
	v31 =	vsel vm5, $0x3F800000, v0;
	v32 =	vld [tilespmem:s9+$0x800];
	v12 =	vadd.f32 v21, v12;
	vm6 =	vge.f32 v14, $1.000000000e+00  }
0x1c8: {  	[tilespmem:s10+$0x1800] =	vst v31;
	v7 =	vadd.f32 v34, v7;
	v33 =	vsel vm6, $0x3F800000, v0  }
0x1c9: {  	v8 =	vadd.f32 v27, v8;
	vm7 =	vge.f32 v12, $1.000000000e+00;
	[tilespmem:s25+$0x0] =	vst v33  }
0x1ca: {  	[tilespmem:s30+$0xFFFFFFF0] =	vst v9;
	v11 =	vadd.f32 v18, v11;
	vm13 =	vge.f32 v7, $1.000000000e+00;
	v35 =	vsel vm7, $0x3F800000, v0;
	v37 =	vld [tilespmem:s16+$0x800]  }
0x1cb: {  	v40 =	vld [tilespmem:s2+$0x1800];
	v48 =	vsel vm13, $0x3F800000, v0;
	vm10 =	vge.f32 v8, $1.000000000e+00;
	[tilespmem:s13+$0x810] =	vst v35;
	v16 =	vadd.f32 v29, v16  }
0x1cc: {  	vm9 =	vge.f32 v11, $1.000000000e+00;
	[tilespmem:s15+$0x1000] =	vst v48;
	v41 =	vsel vm10, $0x3F800000, v0;
	v13 =	vadd.f32 v32, v13;
	v39 =	vld [tilespmem:s9+$0x1010]  }
0x1cd: {  	v10 =	vadd.f32 v15, v10;
	v38 =	vsel vm9, $0x3F800000, v0;
	[tilespmem:s6+$0x800] =	vst v41;
	vm11 =	vge.f32 v16, $1.000000000e+00  }
0x1ce: {  	[tilespmem:s6+$0x1010] =	vst v38;
	v44 =	vld [tilespmem:s12+$0x1000];
	vm12 =	vge.f32 v13, $1.000000000e+00;
	v43 =	vsel vm11, $0x3F800000, v0  }
0x1cf: {  	vm8 =	vge.f32 v10, $1.000000000e+00;
	v42 =	vld [tilespmem:s12+$0x1810];
	v47 =	vsel vm12, $0x3F800000, v0;
	v14 =	vadd.f32 v37, v14;
	[tilespmem:s25+$0x810] =	vst v43  }
0x1d0: {  	v6 =	vadd.f32 v40, v6;
	v36 =	vsel vm8, $0x3F800000, v0;
	[tilespmem:s13+$0x800] =	vst v47;
	v45 =	vld [tilespmem:s16+$0x1010]  }
0x1d1: {  	[tilespmem:s15+$0x1810] =	vst v36;
	v46 =	vadd.f32 v39, v12;
	v12 =	vld [tilespmem:s9+$0x1000];
	vm14 =	vge.f32 v14, $1.000000000e+00  }
0x1d2: {  	vm4 =	vge.f32 v6, $1.000000000e+00;
	[tilespmem:s29+$0x0] =	vst v10;
	v49 =	vsel vm14, $0x3F800000, v0  }
0x1d3: {  	v50 =	vld [tilespmem:s20+$0x1800];
	v52 =	vsel vm4, $0x3F800000, v0;
	v8 =	vadd.f32 v44, v8;
	vm15 =	vge.f32 v46, $1.000000000e+00;
	[tilespmem:s25+$0x800] =	vst v49  }
0x1d4: {  	[tilespmem:s0+$0x1800] =	vst v52;
	v11 =	vadd.f32 v42, v11;
	v51 =	vsel vm15, $0x3F800000, v0;
	v53 =	vld [tilespmem:s16+$0x1000]  }
0x1d5: {  	vm6 =	vge.f32 v8, $1.000000000e+00;
	[tilespmem:s13+$0x1010] =	vst v51;
	v10 =	vadd.f32 v45, v16  }
0x1d6: {  	[tilespmem:s28+$0xFFFFFFF0] =	vst v6;
	vm5 =	vge.f32 v11, $1.000000000e+00;
	v55 =	vsel vm6, $0x3F800000, v0;
	v18 =	vld [tilespmem:s9+$0x1810];
	v12 =	vadd.f32 v12, v13  }
0x1d7: {  	v54 =	vsel vm5, $0x3F800000, v0;
	[tilespmem:s6+$0x1000] =	vst v55;
	vm7 =	vge.f32 v10, $1.000000000e+00  }
0x1d8: {  	v7 =	vadd.f32 v50, v7;
	[tilespmem:s6+$0x1810] =	vst v54;
	v57 =	vld [tilespmem:s12+$0x1800];
	vm8 =	vge.f32 v12, $1.000000000e+00;
	v56 =	vsel vm7, $0x3F800000, v0  }
0x1d9: {  	v59 =	vsel vm8, $0x3F800000, v0;
	v14 =	vadd.f32 v53, v14;
	[tilespmem:s25+$0x1010] =	vst v56  }
0x1da: {  	vm9 =	vge.f32 v7, $1.000000000e+00;
	[tilespmem:s13+$0x1000] =	vst v59;
	v58 =	vld [tilespmem:s16+$0x1810]  }
0x1db: {  	[tilespmem:s11+$0x0] =	vst v11;
	v60 =	vsel vm9, $0x3F800000, v0;
	v6 =	vadd.f32 v18, v46;
	v9 =	vld [tilespmem:s9+$0x1800];
	vm10 =	vge.f32 v14, $1.000000000e+00  }
0x1dc: {  	[tilespmem:s15+$0x1800] =	vst v60;
	v61 =	vsel vm10, $0x3F800000, v0  }
0x1dd: {  	v8 =	vadd.f32 v57, v8;
	vm11 =	vge.f32 v6, $1.000000000e+00;
	[tilespmem:s25+$0x1000] =	vst v61  }
0x1de: {  	[tilespmem:s29+$0xFFFFFFF0] =	vst v7;
	v62 =	vsel vm11, $0x3F800000, v0;
	v63 =	vld [tilespmem:s16+$0x1800]  }
0x1df: {  	vm12 =	vge.f32 v8, $1.000000000e+00;
	[tilespmem:s13+$0x1810] =	vst v62;
	v10 =	vadd.f32 v58, v10  }
0x1e0: {  	[tilespmem:s7+$0x0] =	vst v6;
	v6 =	vsel vm12, $0x3F800000, v0;
	v7 =	vadd.f32 v9, v12  }
0x1e1: {  	[tilespmem:s6+$0x1800] =	vst v6;
	vm13 =	vge.f32 v10, $1.000000000e+00  }
0x1e2: {  	vm14 =	vge.f32 v7, $1.000000000e+00;
	[tilespmem:s11+$0xFFFFFFF0] =	vst v8;
	v6 =	vsel vm13, $0x3F800000, v0  }
0x1e3: {  	v8 =	vsel vm14, $0x3F800000, v0;
	[tilespmem:s25+$0x1810] =	vst v6;
	v6 =	vadd.f32 v63, v14  }
0x1e4: {  	[tilespmem:s13+$0x1800] =	vst v8  }
0x1e5: {  	[tilespmem:s7+$0xFFFFFFF0] =	vst v7;
	vm15 =	vge.f32 v6, $1.000000000e+00  }
0x1e6: {  	[tilespmem:s8+$0x0] =	vst v10;
	v7 =	vsel vm15, $0x3F800000, v0  }
0x1e7: {  	[tilespmem:s25+$0x1800] =	vst v7  }
0x1e8: {  	[tilespmem:s8+$0xFFFFFFF0] =	vst v6  }
0x1e9: {  	s31 =	simm.s32 $0x0;
	s30 =	simm.s32 $0xC000;
	s0 =	rddreg [dreg:$0x6]  }
0x1ea: {  	[hbm4b:s0+s14] =	stream.strided.scatter [tilespmem:s30], [sflag:$0x4], $0x4000, s17, s14, $0x38;
	[tilespmem:$0x18880] =	vst v63  }
0x1eb: {  	v6 =	vimm.f32 $3.399999950e+38;
	s0 =	simm.s32 $0x40;
	v7 =	vld [tilespmem:s31+$0x10000]  }
.LBB2_8:
0x1ec: {  	p0 =	sne.s32 s0, $0x1FC0  }
.Ltmp5:
0x1ed: {  	_ = 	snop;
	(pc) =	sbr.rel @p0 .LBB2_8-.Ltmp5, $3  }
0x1ee: {  	_ =	sdelay $0x1  }
0x1ef: {  	s2 =	sshra.s32 s0, $0x2;
	s0 =	sadd.s32 $0x40, s0;
	v6 =	vmin.f32 v6, v7  }
0x1f0: {  	v7 =	vld [tilespmem:s2+$0x10000]  }
0x1f1: {  	_ =	sdelay $0x3  }
0x1f2: {  	v6 =	vmin.f32 v6, v7  }
0x1f3: {  	s0 =	simm.s32 $0x10800;
	[tilespmem:$0x10800] =	vst v6  }
0x1f4: {  	v7 =	vld.idx.msk [tilespmem:v2+s0+$0x0], $0xffff;
	_ =	sdelay $0x4  }
0x1f5: {  	v6 =	vmin.f32 v6, v7  }
0x1f6: {  	[tilespmem:$0x10800] =	vst v6  }
0x1f7: {  	v7 =	vld.idx.msk [tilespmem:v3+s0+$0x0], $0xffff;
	_ =	sdelay $0x4  }
0x1f8: {  	v6 =	vmin.f32 v6, v7  }
0x1f9: {  	[tilespmem:$0x10800] =	vst v6  }
0x1fa: {  	v7 =	vld.idx.msk [tilespmem:v4+s0+$0x0], $0xffff;
	_ =	sdelay $0x4  }
0x1fb: {  	v6 =	vmin.f32 v6, v7  }
0x1fc: {  	[tilespmem:$0x10800] =	vst v6  }
0x1fd: {  	v7 =	vld.idx.msk [tilespmem:v5+s0+$0x0], $0xffff;
	_ =	sdelay $0x4  }
0x1fe: {  	v6 =	vmin.f32 v6, v7  }
0x1ff: {  	(v2sf) =	vpush v6, $0x0;
	_ =	sdelay $0xe  }
0x200: {  	s31 =	spop (v2sf)  }
0x201: {  	p0 =	sge.f32 s31, $1.000000000e+00  }
.Ltmp6:
0x202: {  	_ = 	snop;
	(pc) =	sbr.rel @p0 .LBB2_10-.Ltmp6, $2  }
0x203: {  	_ =	sdelay $0x2  }
0x204: {  	[tilespmem:$0x10800] =	vst v6  }
0x205: {  	s0 =	simm.s32 $0x3  }
0x206: {  	_ =	swait.ge [sflag:s0], $0x4000  }
0x207: {  	[sflag:s0] =	ssyncset.done $0x0  }
0x208: {  	s31 =	simm.s32 $0x4;
	[sflag:s0] =	ssyncadd.s32 $0xFFFFC000  }
0x209: {  	_ =	swait.ge [sflag:s31], $0x4000  }
0x20a: {  	[sflag:s31] =	ssyncset.done $0x0  }
0x20b: {  	s28 =	simm.s32 $0x2;
	[sflag:s31] =	ssyncadd.s32 $0xFFFFC000  }
.LBB2_12:
0x20c: {  	s0 =	sshll.u32 s28, $0x13  }
0x20d: {  	s0 =	sor.u32 s5, s0  }
0x20e: {  	s29 =	sshrl.u32 s0, $0x3  }
0x20f: {  	s0 =	sadd.s32 s1, s29  }
0x210: {  	[tilespmem:s4], [sflag:$0x5] =	stream.strided.gather [hbm4b:s0+s14], $0x4000, s17, s14, $0x38;
	[tilespmem:$0x18880] =	vst v63  }
0x211: {  	_ =	swait.ge [sflag:s24], $0x4000  }
0x212: {  	[sflag:s24] =	ssyncset.done $0x0  }
0x213: {  	s0 =	simm.s32 $0x10010;
	[sflag:s24] =	ssyncadd.s32 $0xFFFFC000  }
0x214: {  	s19 =	simm.s32 $0x2000;
	v6 =	vld [tilespmem:s0+$0x0]  }
0x215: {  	v7 =	vld [tilespmem:s19+$0xFFFFE010];
	_ =	sdelay $0x4  }
0x216: {  	v6 =	vadd.f32 v7, v6;
	_ =	sdelay $0x1  }
0x217: {  	vm0 =	vge.f32 v6, $1.000000000e+00  }
0x218: {  	s11 =	simm.s32 $0xA000;
	v7 =	vsel vm0, $0x3F800000, v0  }
0x219: {  	[tilespmem:s11+$0xFFFFE010] =	vst v7  }
0x21a: {  	v7 =	vld [tilespmem:s19+$0xFFFFE810];
	_ =	sdelay $0x3  }
0x21b: {  	v8 =	vld [tilespmem:s19+$0xFFFFE000]  }
0x21c: {  	s15 =	simm.s32 $0x2020;
	v9 =	vld [tilespmem:s0+$0xFFFFFFF0];
	v6 =	vadd.f32 v7, v6  }
0x21d: {  	s30 =	simm.s32 $0x10030;
	v10 =	vld [tilespmem:s15+$0xFFFFE010]  }
0x21e: {  	v7 =	vld [tilespmem:s30+$0x0];
	vm0 =	vge.f32 v6, $1.000000000e+00  }
0x21f: {  	v11 =	vsel vm0, $0x3F800000, v0  }
0x220: {  	[tilespmem:s11+$0xFFFFE810] =	vst v11  }
0x221: {  	v11 =	vld [tilespmem:s19+$0xFFFFF010]  }
0x222: {  	v12 =	vld [tilespmem:s15+$0xFFFFE000];
	v8 =	vadd.f32 v8, v9  }
0x223: {  	v9 =	vld [tilespmem:s30+$0xFFFFFFF0];
	v7 =	vadd.f32 v10, v7  }
0x224: {  	vm0 =	vge.f32 v8, $1.000000000e+00  }
0x225: {  	v10 =	vsel vm0, $0x3F800000, v0;
	vm0 =	vge.f32 v7, $1.000000000e+00  }
0x226: {  	s2 =	simm.s32 $0xA020;
	[tilespmem:s11+$0xFFFFE000] =	vst v10;
	v10 =	vsel vm0, $0x3F800000, v0;
	v6 =	vadd.f32 v11, v6  }
0x227: {  	[tilespmem:s2+$0xFFFFE010] =	vst v10;
	v11 =	vld [tilespmem:s19+$0xFFFFE800]  }
0x228: {  	v9 =	vadd.f32 v12, v9;
	v10 =	vld [tilespmem:s15+$0xFFFFE810];
	vm0 =	vge.f32 v6, $1.000000000e+00  }
0x229: {  	v12 =	vsel vm0, $0x3F800000, v0  }
0x22a: {  	vm1 =	vge.f32 v9, $1.000000000e+00;
	[tilespmem:s11+$0xFFFFF010] =	vst v12  }
0x22b: {  	v13 =	vsel vm1, $0x3F800000, v0;
	v12 =	vld [tilespmem:s19+$0xFFFFF810]  }
0x22c: {  	[tilespmem:s2+$0xFFFFE000] =	vst v13;
	v8 =	vadd.f32 v11, v8  }
0x22d: {  	v11 =	vld [tilespmem:s15+$0xFFFFE800];
	v7 =	vadd.f32 v10, v7  }
0x22e: {  	s31 =	simm.s32 $0x10050;
	vm0 =	vge.f32 v8, $1.000000000e+00  }
0x22f: {  	s10 =	simm.s32 $0x2040;
	v13 =	vld [tilespmem:s31+$0x0];
	v10 =	vsel vm0, $0x3F800000, v0;
	vm0 =	vge.f32 v7, $1.000000000e+00  }
0x230: {  	[tilespmem:s11+$0xFFFFE800] =	vst v10;
	v10 =	vld [tilespmem:s10+$0xFFFFE010];
	v6 =	vadd.f32 v12, v6;
	v12 =	vsel vm0, $0x3F800000, v0  }
0x231: {  	v16 =	vld [tilespmem:s31+$0xFFFFFFF0];
	[tilespmem:s2+$0xFFFFE810] =	vst v12  }
0x232: {  	v9 =	vadd.f32 v11, v9;
	v11 =	vld [tilespmem:s15+$0xFFFFF010]  }
0x233: {  	v14 =	vld [tilespmem:s19+$0xFFFFF000];
	vm0 =	vge.f32 v6, $1.000000000e+00  }
0x234: {  	v12 =	vld [tilespmem:s10+$0xFFFFE000];
	vm1 =	vge.f32 v9, $1.000000000e+00;
	v15 =	vsel vm0, $0x3F800000, v0  }
0x235: {  	v17 =	vsel vm1, $0x3F800000, v0;
	[tilespmem:s11+$0xFFFFF810] =	vst v15;
	v10 =	vadd.f32 v10, v13  }
0x236: {  	[tilespmem:s2+$0xFFFFE800] =	vst v17;
	v15 =	vld [tilespmem:s19+$0x10]  }
0x237: {  	v13 =	vld [tilespmem:s15+$0xFFFFF000];
	vm0 =	vge.f32 v10, $1.000000000e+00;
	v7 =	vadd.f32 v11, v7  }
0x238: {  	s20 =	simm.s32 $0xA040;
	v8 =	vadd.f32 v14, v8;
	v11 =	vsel vm0, $0x3F800000, v0  }
0x239: {  	v12 =	vadd.f32 v12, v16;
	[tilespmem:s20+$0xFFFFE010] =	vst v11;
	vm0 =	vge.f32 v7, $1.000000000e+00  }
0x23a: {  	vm1 =	vge.f32 v8, $1.000000000e+00;
	v11 =	vld [tilespmem:s10+$0xFFFFE810];
	v14 =	vsel vm0, $0x3F800000, v0  }
0x23b: {  	v6 =	vadd.f32 v15, v6;
	v15 =	vsel vm1, $0x3F800000, v0;
	vm0 =	vge.f32 v12, $1.000000000e+00;
	[tilespmem:s2+$0xFFFFF010] =	vst v14  }
0x23c: {  	v9 =	vadd.f32 v13, v9;
	[tilespmem:s11+$0xFFFFF000] =	vst v15;
	v13 =	vsel vm0, $0x3F800000, v0;
	v14 =	vld [tilespmem:s15+$0xFFFFF810]  }
0x23d: {  	vm0 =	vge.f32 v6, $1.000000000e+00;
	v15 =	vld [tilespmem:s19+$0xFFFFF800];
	[tilespmem:s20+$0xFFFFE000] =	vst v13  }
0x23e: {  	s12 =	simm.s32 $0x10070;
	vm1 =	vge.f32 v9, $1.000000000e+00;
	v13 =	vsel vm0, $0x3F800000, v0;
	v16 =	vld [tilespmem:s10+$0xFFFFE800]  }
0x23f: {  	v20 =	vld [tilespmem:s12+$0xFFFFFFF0];
	v17 =	vsel vm1, $0x3F800000, v0;
	[tilespmem:s11+$0x10] =	vst v13;
	v10 =	vadd.f32 v11, v10  }
0x240: {  	[tilespmem:s2+$0xFFFFF000] =	vst v17;
	v17 =	vld [tilespmem:s12+$0x0]  }
0x241: {  	s6 =	simm.s32 $0x2060;
	v13 =	vld [tilespmem:s19+$0x810];
	vm0 =	vge.f32 v10, $1.000000000e+00;
	v7 =	vadd.f32 v14, v7  }
0x242: {  	v8 =	vadd.f32 v15, v8;
	v14 =	vld [tilespmem:s6+$0xFFFFE010];
	v15 =	vsel vm0, $0x3F800000, v0  }
0x243: {  	v11 =	vld [tilespmem:s15+$0xFFFFF800];
	v12 =	vadd.f32 v16, v12;
	[tilespmem:s20+$0xFFFFE810] =	vst v15;
	vm0 =	vge.f32 v7, $1.000000000e+00  }
0x244: {  	vm1 =	vge.f32 v8, $1.000000000e+00;
	v15 =	vld [tilespmem:s10+$0xFFFFF010];
	v18 =	vsel vm0, $0x3F800000, v0  }
0x245: {  	v16 =	vld [tilespmem:s6+$0xFFFFE000];
	v19 =	vsel vm1, $0x3F800000, v0;
	vm0 =	vge.f32 v12, $1.000000000e+00;
	[tilespmem:s2+$0xFFFFF810] =	vst v18  }
0x246: {  	v6 =	vadd.f32 v13, v6;
	[tilespmem:s11+$0xFFFFF800] =	vst v19;
	v13 =	vsel vm0, $0x3F800000, v0;
	v18 =	vld [tilespmem:s15+$0x10]  }
0x247: {  	v19 =	vld [tilespmem:s19+$0x0];
	[tilespmem:s20+$0xFFFFE800] =	vst v13;
	v13 =	vadd.f32 v14, v17  }
0x248: {  	v9 =	vadd.f32 v11, v9;
	vm0 =	vge.f32 v6, $1.000000000e+00;
	v11 =	vld [tilespmem:s10+$0xFFFFF000]  }
0x249: {  	v14 =	vsel vm0, $0x3F800000, v0;
	vm0 =	vge.f32 v13, $1.000000000e+00;
	v10 =	vadd.f32 v15, v10  }
0x24a: {  	s7 =	simm.s32 $0xA060;
	s13 =	simm.s32 $0x2080;
	vm1 =	vge.f32 v9, $1.000000000e+00;
	[tilespmem:s11+$0x810] =	vst v14;
	v14 =	vadd.f32 v16, v20;
	v15 =	vsel vm0, $0x3F800000, v0  }
0x24b: {  	v22 =	vld [tilespmem:s13+$0xFFFFE000];
	v16 =	vsel vm1, $0x3F800000, v0;
	[tilespmem:s7+$0xFFFFE010] =	vst v15;
	vm0 =	vge.f32 v10, $1.000000000e+00;
	v7 =	vadd.f32 v18, v7  }
0x24c: {  	[tilespmem:s2+$0xFFFFF800] =	vst v16;
	vm1 =	vge.f32 v14, $1.000000000e+00;
	v8 =	vadd.f32 v19, v8;
	v15 =	vld [tilespmem:s6+$0xFFFFE810];
	v16 =	vsel vm0, $0x3F800000, v0  }
0x24d: {  	v17 =	vld [tilespmem:s19+$0x1010];
	v11 =	vadd.f32 v11, v12;
	v12 =	vsel vm1, $0x3F800000, v0;
	[tilespmem:s20+$0xFFFFF010] =	vst v16;
	vm0 =	vge.f32 v7, $1.000000000e+00  }
0x24e: {  	vm1 =	vge.f32 v8, $1.000000000e+00;
	[tilespmem:s7+$0xFFFFE000] =	vst v12;
	v12 =	vld [tilespmem:s10+$0xFFFFF810];
	v16 =	vsel vm0, $0x3F800000, v0  }
0x24f: {  	v19 =	vsel vm1, $0x3F800000, v0;
	vm0 =	vge.f32 v11, $1.000000000e+00;
	v20 =	vld [tilespmem:s6+$0xFFFFE800];
	[tilespmem:s2+$0x10] =	vst v16  }
0x250: {  	v18 =	vld [tilespmem:s15+$0x0];
	[tilespmem:s11+$0x0] =	vst v19;
	v16 =	vsel vm0, $0x3F800000, v0  }
0x251: {  	v19 =	vld [tilespmem:s15+$0x810];
	[tilespmem:s20+$0xFFFFF000] =	vst v16;
	v13 =	vadd.f32 v15, v13  }
0x252: {  	s9 =	simm.s32 $0x10090;
	v15 =	vld [tilespmem:s10+$0xFFFFF800]  }
0x253: {  	v16 =	vld [tilespmem:s9+$0x0];
	vm0 =	vge.f32 v13, $1.000000000e+00;
	v10 =	vadd.f32 v12, v10  }
0x254: {  	v12 =	vld [tilespmem:s13+$0xFFFFE010];
	v14 =	vadd.f32 v20, v14;
	v20 =	vsel vm0, $0x3F800000, v0  }
0x255: {  	v6 =	vadd.f32 v17, v6;
	v21 =	vld [tilespmem:s19+$0x800];
	[tilespmem:s7+$0xFFFFE810] =	vst v20;
	vm0 =	vge.f32 v10, $1.000000000e+00  }
0x256: {  	v7 =	vadd.f32 v19, v7;
	vm1 =	vge.f32 v14, $1.000000000e+00;
	v17 =	vld [tilespmem:s6+$0xFFFFF010];
	v19 =	vsel vm0, $0x3F800000, v0  }
0x257: {  	v11 =	vadd.f32 v15, v11;
	v15 =	vld [tilespmem:s9+$0xFFFFFFF0];
	v20 =	vsel vm1, $0x3F800000, v0;
	[tilespmem:s20+$0xFFFFF810] =	vst v19;
	vm1 =	vge.f32 v6, $1.000000000e+00  }
0x258: {  	v9 =	vadd.f32 v18, v9;
	vm0 =	vge.f32 v7, $1.000000000e+00;
	[tilespmem:s7+$0xFFFFE800] =	vst v20;
	v18 =	vld [tilespmem:s10+$0x10];
	v20 =	vsel vm1, $0x3F800000, v0  }
0x259: {  	v12 =	vadd.f32 v12, v16;
	v19 =	vsel vm0, $0x3F800000, v0;
	vm0 =	vge.f32 v11, $1.000000000e+00;
	v16 =	vld [tilespmem:s6+$0xFFFFF000];
	[tilespmem:s11+$0x1010] =	vst v20  }
0x25a: {  	v8 =	vadd.f32 v21, v8;
	vm1 =	vge.f32 v9, $1.000000000e+00;
	[tilespmem:s2+$0x810] =	vst v19;
	v19 =	vsel vm0, $0x3F800000, v0;
	v23 =	vld [tilespmem:s19+$0x1810]  }
0x25b: {  	v21 =	vsel vm1, $0x3F800000, v0;
	vm0 =	vge.f32 v12, $1.000000000e+00;
	v20 =	vld [tilespmem:s15+$0x1010];
	[tilespmem:s20+$0xFFFFF800] =	vst v19;
	v13 =	vadd.f32 v17, v13  }
0x25c: {  	s8 =	simm.s32 $0xA080;
	vm1 =	vge.f32 v8, $1.000000000e+00;
	[tilespmem:s2+$0x0] =	vst v21;
	v19 =	vsel vm0, $0x3F800000, v0;
	v17 =	vld [tilespmem:s10+$0x0];
	v15 =	vadd.f32 v22, v15  }
0x25d: {  	v21 =	vsel vm1, $0x3F800000, v0;
	v22 =	vld [tilespmem:s15+$0x800];
	[tilespmem:s8+$0xFFFFE010] =	vst v19;
	vm0 =	vge.f32 v13, $1.000000000e+00;
	v10 =	vadd.f32 v18, v10  }
0x25e: {  	[tilespmem:s11+$0x800] =	vst v21;
	v18 =	vld [tilespmem:s13+$0xFFFFE810];
	vm1 =	vge.f32 v15, $1.000000000e+00;
	v14 =	vadd.f32 v16, v14;
	v16 =	vsel vm0, $0x3F800000, v0  }
0x25f: {  	v19 =	vld [tilespmem:s19+$0x1000];
	v21 =	vsel vm1, $0x3F800000, v0;
	[tilespmem:s7+$0xFFFFF010] =	vst v16;
	vm0 =	vge.f32 v10, $1.000000000e+00;
	v6 =	vadd.f32 v23, v6  }
0x260: {  	v7 =	vadd.f32 v20, v7;
	[tilespmem:s8+$0xFFFFE000] =	vst v21;
	vm1 =	vge.f32 v14, $1.000000000e+00;
	v16 =	vld [tilespmem:s6+$0xFFFFF810];
	v20 =	vsel vm0, $0x3F800000, v0  }
0x261: {  	v21 =	vld [tilespmem:s13+$0xFFFFE800];
	v23 =	vsel vm1, $0x3F800000, v0;
	[tilespmem:s20+$0x10] =	vst v20;
	vm1 =	vge.f32 v6, $1.000000000e+00  }
0x262: {  	v17 =	vadd.f32 v17, v11;
	vm0 =	vge.f32 v7, $1.000000000e+00;
	[tilespmem:s7+$0xFFFFF000] =	vst v23;
	v11 =	vld [tilespmem:s10+$0x810];
	v23 =	vsel vm1, $0x3F800000, v0  }
0x263: {  	s25 =	simm.s32 $0x100B0;
	v12 =	vadd.f32 v18, v12;
	v20 =	vsel vm0, $0x3F800000, v0;
	v18 =	vld [tilespmem:s6+$0xFFFFF800];
	[tilespmem:s11+$0x1810] =	vst v23  }
0x264: {  	v9 =	vadd.f32 v22, v9;
	v22 =	vld [tilespmem:s25+$0x0];
	v24 =	vadd.f32 v19, v8;
	vm0 =	vge.f32 v17, $1.000000000e+00;
	[tilespmem:s2+$0x1010] =	vst v20  }
0x265: {  	s23 =	simm.s32 $0x20A0;
	[tilespmem:s0+$0x0] =	vst v6;
	v6 =	vsel vm0, $0x3F800000, v0;
	vm0 =	vge.f32 v12, $1.000000000e+00;
	v20 =	vld [tilespmem:s15+$0x1810];
	v13 =	vadd.f32 v16, v13  }
0x266: {  	vm1 =	vge.f32 v9, $1.000000000e+00;
	[tilespmem:s20+$0x0] =	vst v6;
	v6 =	vld [tilespmem:s23+$0xFFFFE010];
	v16 =	vsel vm0, $0x3F800000, v0;
	v15 =	vadd.f32 v21, v15  }
0x267: {  	v8 =	vld [tilespmem:s25+$0xFFFFFFF0];
	v21 =	vsel vm1, $0x3F800000, v0;
	[tilespmem:s8+$0xFFFFE810] =	vst v16;
	vm0 =	vge.f32 v13, $1.000000000e+00;
	v10 =	vadd.f32 v11, v10  }
0x268: {  	[tilespmem:s2+$0x800] =	vst v21;
	v11 =	vld [tilespmem:s13+$0xFFFFF010];
	vm1 =	vge.f32 v15, $1.000000000e+00;
	v16 =	vadd.f32 v18, v14;
	v14 =	vsel vm0, $0x3F800000, v0  }
0x269: {  	v23 =	vld [tilespmem:s23+$0xFFFFE000];
	v18 =	vsel vm1, $0x3F800000, v0;
	[tilespmem:s7+$0xFFFFF810] =	vst v14;
	vm0 =	vge.f32 v10, $1.000000000e+00  }
0x26a: {  	v7 =	vadd.f32 v20, v7;
	[tilespmem:s8+$0xFFFFE800] =	vst v18;
	vm1 =	vge.f32 v16, $1.000000000e+00;
	v18 =	vld [tilespmem:s6+$0x10];
	v14 =	vsel vm0, $0x3F800000, v0  }
0x26b: {  	vm0 =	vge.f32 v24, $1.000000000e+00;
	v19 =	vadd.f32 v6, v22;
	v6 =	vld [tilespmem:s13+$0xFFFFF000];
	v20 =	vsel vm1, $0x3F800000, v0;
	[tilespmem:s20+$0x810] =	vst v14  }
0x26c: {  	v14 =	vsel vm0, $0x3F800000, v0;
	vm0 =	vge.f32 v7, $1.000000000e+00;
	[tilespmem:s7+$0xFFFFF800] =	vst v20;
	v20 =	vld [tilespmem:s10+$0x1010]  }
0x26d: {  	[tilespmem:s11+$0x1000] =	vst v14;
	v12 =	vadd.f32 v11, v12;
	v14 =	vsel vm0, $0x3F800000, v0;
	vm0 =	vge.f32 v19, $1.000000000e+00;
	v21 =	vld [tilespmem:s6+$0x0]  }
0x26e: {  	s16 =	simm.s32 $0xA0A0;
	v22 =	vld [tilespmem:s10+$0x800];
	[tilespmem:s2+$0x1810] =	vst v14;
	v14 =	vadd.f32 v23, v8;
	v8 =	vsel vm0, $0x3F800000, v0  }
0x26f: {  	vm0 =	vge.f32 v12, $1.000000000e+00;
	v23 =	vld [tilespmem:s15+$0x1000];
	[tilespmem:s16+$0xFFFFE010] =	vst v8;
	v11 =	vadd.f32 v18, v13  }
0x270: {  	[tilespmem:s30+$0x0] =	vst v7;
	vm1 =	vge.f32 v14, $1.000000000e+00;
	v25 =	vld [tilespmem:s23+$0xFFFFE810];
	v13 =	vadd.f32 v6, v15;
	v6 =	vsel vm0, $0x3F800000, v0  }
0x271: {  	v26 =	vld [tilespmem:s19+$0x1800];
	v7 =	vsel vm1, $0x3F800000, v0;
	[tilespmem:s8+$0xFFFFF010] =	vst v6;
	vm0 =	vge.f32 v11, $1.000000000e+00;
	v10 =	vadd.f32 v20, v10  }
0x272: {  	[tilespmem:s16+$0xFFFFE000] =	vst v7;
	vm1 =	vge.f32 v13, $1.000000000e+00;
	v18 =	vld [tilespmem:s13+$0xFFFFF810];
	v8 =	vadd.f32 v21, v16;
	v6 =	vsel vm0, $0x3F800000, v0  }
0x273: {  	v7 =	vadd.f32 v22, v17;
	v21 =	vld [tilespmem:s23+$0xFFFFE800];
	v15 =	vsel vm1, $0x3F800000, v0;
	[tilespmem:s7+$0x10] =	vst v6;
	vm0 =	vge.f32 v10, $1.000000000e+00  }
0x274: {  	v6 =	vadd.f32 v23, v9;
	[tilespmem:s8+$0xFFFFF000] =	vst v15;
	vm1 =	vge.f32 v8, $1.000000000e+00;
	v17 =	vld [tilespmem:s6+$0x810];
	v15 =	vsel vm0, $0x3F800000, v0  }
0x275: {  	vm0 =	vge.f32 v7, $1.000000000e+00;
	v16 =	vadd.f32 v25, v19;
	v19 =	vld [tilespmem:s13+$0xFFFFF800];
	v9 =	vsel vm1, $0x3F800000, v0;
	[tilespmem:s20+$0x1010] =	vst v15  }
0x276: {  	s21 =	simm.s32 $0xA;
	s22 =	simm.s32 $0x100D0;
	s19 =	simm.s32 $0x20A0;
	v20 =	vsel vm0, $0x3F800000, v0;
	vm0 =	vge.f32 v6, $1.000000000e+00;
	[tilespmem:s7+$0x0] =	vst v9;
	v15 =	vld [tilespmem:s10+$0x1810];
	v9 =	vadd.f32 v26, v24  }
.LBB2_13:
0x277: {  	v22 =	vld [tilespmem:s22+$0x0];
	vm1 =	vge.f32 v16, $1.000000000e+00;
	s23 =	sadd.s32 $0x20, s23;
	v18 =	vadd.f32 v18, v12;
	[tilespmem:s20+$0x800] =	vst v20;
	v12 =	vsel vm0, $0x3F800000, v0  }
0x278: {  	v20 =	vld [tilespmem:s23+$0xFFFFE010];
	v21 =	vadd.f32 v21, v14;
	v14 =	vsel vm1, $0x3F800000, v0;
	[tilespmem:s2+$0x1000] =	vst v12;
	vm0 =	vge.f32 v9, $1.000000000e+00  }
0x279: {  	s21 =	sadd.s32 $0x2, s21;
	v23 =	vld [tilespmem:s23+$0xFFFFE000];
	[tilespmem:s16+$0xFFFFE810] =	vst v14;
	vm1 =	vge.f32 v18, $1.000000000e+00;
	v17 =	vadd.f32 v17, v11;
	v11 =	vsel vm0, $0x3F800000, v0  }
0x27a: {  	p0 =	slt.u32 s21, $0x7E;
	vm0 =	vge.f32 v21, $1.000000000e+00;
	v12 =	vld [tilespmem:s19+$0xFFFFF010];
	v19 =	vadd.f32 v19, v13;
	v13 =	vsel vm1, $0x3F800000, v0;
	[tilespmem:s11+$0x1800] =	vst v11;
	s11 =	smov.u32 s2;
	s2 =	smov.u32 s20  }
0x27b: {  	s20 =	smov.u32 s7;
	s7 =	smov.u32 s8;
	v11 =	vld [tilespmem:s22+$0xFFFFFFF0];
	v14 =	vsel vm0, $0x3F800000, v0;
	[tilespmem:s8+$0xFFFFF810] =	vst v13;
	vm0 =	vge.f32 v17, $1.000000000e+00;
	v10 =	vadd.f32 v15, v10;
	s8 =	smov.u32 s16  }
0x27c: {  	[tilespmem:s16+$0xFFFFE800] =	vst v14;
	vm1 =	vge.f32 v19, $1.000000000e+00;
	v13 =	vld [tilespmem:s13+$0x10];
	v14 =	vsel vm0, $0x3F800000, v0  }
0x27d: {  	v15 =	vadd.f32 v20, v22;
	v20 =	vld [tilespmem:s19+$0xFFFFF000];
	v22 =	vsel vm1, $0x3F800000, v0;
	[tilespmem:s20+$0x810] =	vst v14;
	vm0 =	vge.f32 v10, $1.000000000e+00  }
0x27e: {  	[tilespmem:s7+$0xFFFFF800] =	vst v22;
	v22 =	vld [tilespmem:s6+$0x1010];
	v14 =	vsel vm0, $0x3F800000, v0  }
0x27f: {  	vm0 =	vge.f32 v15, $1.000000000e+00;
	v12 =	vadd.f32 v12, v16;
	v16 =	vld [tilespmem:s13+$0x0];
	[tilespmem:s2+$0x1810] =	vst v14  }
0x280: {  	s16 =	sadd.s32 $0x20, s16;
	v14 =	vadd.f32 v23, v11;
	v11 =	vsel vm0, $0x3F800000, v0;
	v23 =	vld [tilespmem:s6+$0x800];
	[tilespmem:s31+$0x0] =	vst v10  }
0x281: {  	[tilespmem:s16+$0xFFFFE010] =	vst v11;
	vm0 =	vge.f32 v12, $1.000000000e+00;
	v11 =	vadd.f32 v13, v18;
	v24 =	vld [tilespmem:s10+$0x1000]  }
0x282: {  	vm1 =	vge.f32 v14, $1.000000000e+00;
	v25 =	vld [tilespmem:s23+$0xFFFFE810];
	v13 =	vadd.f32 v20, v21;
	v10 =	vsel vm0, $0x3F800000, v0;
	[tilespmem:s0+$0xFFFFFFF0] =	vst v9;
	s0 =	smov.u32 s30;
	s30 =	smov.u32 s31;
	s31 =	smov.u32 s12  }
0x283: {  	v9 =	vsel vm1, $0x3F800000, v0;
	[tilespmem:s8+$0xFFFFF010] =	vst v10;
	vm0 =	vge.f32 v11, $1.000000000e+00;
	v10 =	vadd.f32 v22, v17;
	v22 =	vld [tilespmem:s15+$0x1800];
	s15 =	smov.u32 s10;
	s10 =	smov.u32 s6;
	s6 =	smov.u32 s13  }
.Ltmp7:
0x284: {  	s13 =	smov.u32 s19;
	[tilespmem:s16+$0xFFFFE000] =	vst v9;
	vm1 =	vge.f32 v13, $1.000000000e+00;
	v18 =	vld [tilespmem:s19+$0xFFFFF810];
	v9 =	vadd.f32 v16, v19;
	v16 =	vsel vm0, $0x3F800000, v0;
	s19 =	smov.u32 s23;
	(pc) =	sbr.rel @p0 .LBB2_13-.Ltmp7, $4  }
0x285: {  	s12 =	smov.u32 s9;
	s9 =	smov.u32 s25;
	s25 =	smov.u32 s22;
	v21 =	vld [tilespmem:s23+$0xFFFFE800];
	v17 =	vsel vm1, $0x3F800000, v0;
	[tilespmem:s7+$0x10] =	vst v16;
	v20 =	vadd.f32 v23, v8;
	vm0 =	vge.f32 v10, $1.000000000e+00  }
0x286: {  	[tilespmem:s8+$0xFFFFF000] =	vst v17;
	vm1 =	vge.f32 v9, $1.000000000e+00;
	v17 =	vld [tilespmem:s6+$0x810];
	v23 =	vsel vm0, $0x3F800000, v0;
	v24 =	vadd.f32 v24, v7;
	v8 =	vmovc v9  }
0x287: {  	v16 =	vadd.f32 v25, v15;
	v19 =	vld [tilespmem:s13+$0xFFFFF800];
	v9 =	vsel vm1, $0x3F800000, v0;
	vm0 =	vge.f32 v20, $1.000000000e+00;
	[tilespmem:s20+$0x1010] =	vst v23;
	v7 =	vmovc v20  }
0x288: {  	s22 =	sadd.s32 $0x20, s22;
	[tilespmem:s7+$0x0] =	vst v9;
	v20 =	vsel vm0, $0x3F800000, v0;
	v15 =	vld [tilespmem:s10+$0x1810];
	vm0 =	vge.f32 v24, $1.000000000e+00;
	v9 =	vadd.f32 v22, v6;
	v6 =	vmovc v24  }
0x289: {  	vm1 =	vge.f32 v16, $1.000000000e+00  }
0x28a: {  	v22 =	vsel vm1, $0x3F800000, v0  }
0x28b: {  	v14 =	vadd.f32 v21, v14;
	[tilespmem:s16+$0xFFFFE810] =	vst v22  }
0x28c: {  	v50 =	vld [tilespmem:s19+$0xFFFFF010]  }
0x28d: {  	vm6 =	vge.f32 v14, $1.000000000e+00  }
0x28e: {  	v51 =	vsel vm6, $0x3F800000, v0  }
0x28f: {  	[tilespmem:s16+$0xFFFFE800] =	vst v51  }
0x290: {  	v22 =	vld [tilespmem:s19+$0xFFFFF000]  }
0x291: {  	v52 =	vadd.f32 v50, v16;
	_ =	sdelay $0x1  }
0x292: {  	vm7 =	vge.f32 v52, $1.000000000e+00  }
0x293: {  	v53 =	vsel vm7, $0x3F800000, v0  }
0x294: {  	v14 =	vadd.f32 v22, v14;
	[tilespmem:s16+$0xFFFFF010] =	vst v53  }
0x295: {  	v21 =	vld [tilespmem:s19+$0xFFFFF810]  }
0x296: {  	v12 =	vadd.f32 v18, v12;
	vm8 =	vge.f32 v14, $1.000000000e+00  }
0x297: {  	v54 =	vsel vm8, $0x3F800000, v0  }
0x298: {  	vm9 =	vge.f32 v12, $1.000000000e+00;
	[tilespmem:s16+$0xFFFFF000] =	vst v54  }
0x299: {  	v55 =	vsel vm9, $0x3F800000, v0;
	v56 =	vld [tilespmem:s19+$0xFFFFF800]  }
0x29a: {  	[tilespmem:s8+$0xFFFFF810] =	vst v55;
	v16 =	vadd.f32 v21, v52  }
0x29b: {  	v13 =	vadd.f32 v19, v13;
	v57 =	vld [tilespmem:s13+$0x10]  }
0x29c: {  	vm10 =	vge.f32 v16, $1.000000000e+00  }
0x29d: {  	vm11 =	vge.f32 v13, $1.000000000e+00;
	v58 =	vsel vm10, $0x3F800000, v0  }
0x29e: {  	v60 =	vsel vm11, $0x3F800000, v0;
	v14 =	vadd.f32 v56, v14;
	[tilespmem:s16+$0xFFFFF810] =	vst v58  }
0x29f: {  	[tilespmem:s8+$0xFFFFF800] =	vst v60;
	v59 =	vld [tilespmem:s19+$0x10]  }
0x2a0: {  	v61 =	vld [tilespmem:s13+$0x0];
	v12 =	vadd.f32 v57, v12;
	vm12 =	vge.f32 v14, $1.000000000e+00  }
0x2a1: {  	v62 =	vsel vm12, $0x3F800000, v0  }
0x2a2: {  	vm13 =	vge.f32 v12, $1.000000000e+00;
	[tilespmem:s16+$0xFFFFF800] =	vst v62  }
0x2a3: {  	v11 =	vadd.f32 v17, v11;
	v63 =	vsel vm13, $0x3F800000, v0;
	v19 =	vld [tilespmem:s19+$0x0]  }
0x2a4: {  	[tilespmem:s8+$0x10] =	vst v63;
	v16 =	vadd.f32 v59, v16  }
0x2a5: {  	[tilespmem:s20+$0x800] =	vst v20;
	vm14 =	vge.f32 v11, $1.000000000e+00;
	v13 =	vadd.f32 v61, v13;
	v21 =	vld [tilespmem:s13+$0x810]  }
0x2a6: {  	v33 =	vld [tilespmem:s10+$0x1000];
	v24 =	vsel vm14, $0x3F800000, v0;
	vm15 =	vge.f32 v16, $1.000000000e+00  }
0x2a7: {  	v26 =	vld [tilespmem:s6+$0x800];
	[tilespmem:s7+$0x810] =	vst v24;
	vm4 =	vge.f32 v13, $1.000000000e+00;
	v25 =	vsel vm15, $0x3F800000, v0  }
0x2a8: {  	v18 =	vld [tilespmem:s6+$0x1010];
	v29 =	vsel vm4, $0x3F800000, v0;
	v14 =	vadd.f32 v19, v14;
	[tilespmem:s16+$0x10] =	vst v25  }
0x2a9: {  	v27 =	vsel vm0, $0x3F800000, v0;
	vm5 =	vge.f32 v9, $1.000000000e+00;
	[tilespmem:s8+$0x0] =	vst v29;
	v28 =	vld [tilespmem:s19+$0x810]  }
0x2aa: {  	[tilespmem:s2+$0x1000] =	vst v27;
	v30 =	vsel vm5, $0x3F800000, v0;
	v31 =	vld [tilespmem:s13+$0x800];
	v12 =	vadd.f32 v21, v12;
	vm6 =	vge.f32 v14, $1.000000000e+00  }
0x2ab: {  	[tilespmem:s11+$0x1800] =	vst v30;
	v7 =	vadd.f32 v33, v7;
	v32 =	vsel vm6, $0x3F800000, v0  }
0x2ac: {  	v8 =	vadd.f32 v26, v8;
	vm7 =	vge.f32 v12, $1.000000000e+00;
	[tilespmem:s16+$0x0] =	vst v32  }
0x2ad: {  	[tilespmem:s0+$0xFFFFFFF0] =	vst v9;
	v11 =	vadd.f32 v18, v11;
	vm13 =	vge.f32 v7, $1.000000000e+00;
	v34 =	vsel vm7, $0x3F800000, v0;
	v36 =	vld [tilespmem:s19+$0x800]  }
0x2ae: {  	v39 =	vld [tilespmem:s15+$0x1800];
	v47 =	vsel vm13, $0x3F800000, v0;
	vm10 =	vge.f32 v8, $1.000000000e+00;
	[tilespmem:s8+$0x810] =	vst v34;
	v16 =	vadd.f32 v28, v16  }
0x2af: {  	vm9 =	vge.f32 v11, $1.000000000e+00;
	[tilespmem:s20+$0x1000] =	vst v47;
	v40 =	vsel vm10, $0x3F800000, v0;
	v13 =	vadd.f32 v31, v13;
	v38 =	vld [tilespmem:s13+$0x1010]  }
0x2b0: {  	v10 =	vadd.f32 v15, v10;
	v37 =	vsel vm9, $0x3F800000, v0;
	[tilespmem:s7+$0x800] =	vst v40;
	vm11 =	vge.f32 v16, $1.000000000e+00  }
0x2b1: {  	[tilespmem:s7+$0x1010] =	vst v37;
	v43 =	vld [tilespmem:s6+$0x1000];
	vm12 =	vge.f32 v13, $1.000000000e+00;
	v42 =	vsel vm11, $0x3F800000, v0  }
0x2b2: {  	vm8 =	vge.f32 v10, $1.000000000e+00;
	v41 =	vld [tilespmem:s6+$0x1810];
	v46 =	vsel vm12, $0x3F800000, v0;
	v14 =	vadd.f32 v36, v14;
	[tilespmem:s16+$0x810] =	vst v42  }
0x2b3: {  	v6 =	vadd.f32 v39, v6;
	v35 =	vsel vm8, $0x3F800000, v0;
	[tilespmem:s8+$0x800] =	vst v46;
	v44 =	vld [tilespmem:s19+$0x1010]  }
0x2b4: {  	[tilespmem:s20+$0x1810] =	vst v35;
	v45 =	vadd.f32 v38, v12;
	v12 =	vld [tilespmem:s13+$0x1000];
	vm14 =	vge.f32 v14, $1.000000000e+00  }
0x2b5: {  	vm4 =	vge.f32 v6, $1.000000000e+00;
	[tilespmem:s31+$0x0] =	vst v10;
	v48 =	vsel vm14, $0x3F800000, v0  }
0x2b6: {  	v49 =	vld [tilespmem:s10+$0x1800];
	v51 =	vsel vm4, $0x3F800000, v0;
	v8 =	vadd.f32 v43, v8;
	vm15 =	vge.f32 v45, $1.000000000e+00;
	[tilespmem:s16+$0x800] =	vst v48  }
0x2b7: {  	[tilespmem:s2+$0x1800] =	vst v51;
	v11 =	vadd.f32 v41, v11;
	v50 =	vsel vm15, $0x3F800000, v0;
	v52 =	vld [tilespmem:s19+$0x1000]  }
0x2b8: {  	vm6 =	vge.f32 v8, $1.000000000e+00;
	[tilespmem:s8+$0x1010] =	vst v50;
	v10 =	vadd.f32 v44, v16  }
0x2b9: {  	[tilespmem:s30+$0xFFFFFFF0] =	vst v6;
	vm5 =	vge.f32 v11, $1.000000000e+00;
	v54 =	vsel vm6, $0x3F800000, v0;
	v18 =	vld [tilespmem:s13+$0x1810];
	v12 =	vadd.f32 v12, v13  }
0x2ba: {  	v53 =	vsel vm5, $0x3F800000, v0;
	[tilespmem:s7+$0x1000] =	vst v54;
	vm7 =	vge.f32 v10, $1.000000000e+00  }
0x2bb: {  	v7 =	vadd.f32 v49, v7;
	[tilespmem:s7+$0x1810] =	vst v53;
	v56 =	vld [tilespmem:s6+$0x1800];
	vm8 =	vge.f32 v12, $1.000000000e+00;
	v55 =	vsel vm7, $0x3F800000, v0  }
0x2bc: {  	v58 =	vsel vm8, $0x3F800000, v0;
	v14 =	vadd.f32 v52, v14;
	[tilespmem:s16+$0x1010] =	vst v55  }
0x2bd: {  	vm9 =	vge.f32 v7, $1.000000000e+00;
	[tilespmem:s8+$0x1000] =	vst v58;
	v57 =	vld [tilespmem:s19+$0x1810]  }
0x2be: {  	[tilespmem:s12+$0x0] =	vst v11;
	v59 =	vsel vm9, $0x3F800000, v0;
	v6 =	vadd.f32 v18, v45;
	v9 =	vld [tilespmem:s13+$0x1800];
	vm10 =	vge.f32 v14, $1.000000000e+00  }
0x2bf: {  	[tilespmem:s20+$0x1800] =	vst v59;
	v60 =	vsel vm10, $0x3F800000, v0  }
0x2c0: {  	v8 =	vadd.f32 v56, v8;
	vm11 =	vge.f32 v6, $1.000000000e+00;
	[tilespmem:s16+$0x1000] =	vst v60  }
0x2c1: {  	[tilespmem:s31+$0xFFFFFFF0] =	vst v7;
	v61 =	vsel vm11, $0x3F800000, v0;
	v62 =	vld [tilespmem:s19+$0x1800]  }
0x2c2: {  	vm12 =	vge.f32 v8, $1.000000000e+00;
	[tilespmem:s8+$0x1810] =	vst v61;
	v10 =	vadd.f32 v57, v10  }
0x2c3: {  	[tilespmem:s9+$0x0] =	vst v6;
	v6 =	vsel vm12, $0x3F800000, v0;
	v7 =	vadd.f32 v9, v12  }
0x2c4: {  	[tilespmem:s7+$0x1800] =	vst v6;
	vm13 =	vge.f32 v10, $1.000000000e+00  }
0x2c5: {  	vm14 =	vge.f32 v7, $1.000000000e+00;
	[tilespmem:s12+$0xFFFFFFF0] =	vst v8;
	v6 =	vsel vm13, $0x3F800000, v0  }
0x2c6: {  	v63 =	vsel vm14, $0x3F800000, v0;
	[tilespmem:s16+$0x1810] =	vst v6;
	v6 =	vadd.f32 v62, v14  }
0x2c7: {  	[tilespmem:s8+$0x1800] =	vst v63  }
0x2c8: {  	[tilespmem:s9+$0xFFFFFFF0] =	vst v7;
	vm15 =	vge.f32 v6, $1.000000000e+00  }
0x2c9: {  	[tilespmem:s25+$0x0] =	vst v10;
	v7 =	vsel vm15, $0x3F800000, v0  }
0x2ca: {  	s28 =	sadd.s32 $0x1, s28;
	[tilespmem:s16+$0x1800] =	vst v7  }
0x2cb: {  	p0 =	sne.s32 s28, $0x8;
	s31 =	sadd.s32 s3, s29;
	[tilespmem:s25+$0xFFFFFFF0] =	vst v6  }
0x2cc: {  	[hbm4b:s31+s14] =	stream.strided.scatter [tilespmem:s18], [sflag:$0x5], $0x4000, s17, s14, $0x38;
	[tilespmem:$0x18880] =	vst v63  }
.Ltmp8:
0x2cd: {  	_ = 	snop;
	(pc) =	sbr.rel @p0 .LBB2_12-.Ltmp8, $4  }
.Ltmp9:
0x2ce: {  	_ = 	snop;
	(pc) =	sbr.rel @!p0 .LBB2_15-.Ltmp9, $4  }
0x2cf: {  	_ =	swait.ge [sflag:s24], $0x4000  }
0x2d0: {  	[sflag:s24] =	ssyncset.done $0x0  }
0x2d1: {  	[sflag:s24] =	ssyncadd.s32 $0xFFFFC000  }
0x2d2: {  	_ = 	snop  }
.LBB2_16:
0x2d3: {  	_ =	sfence.sel $0x180000  }
0x2d4: {  	[bflag:$0x0] =	sbarrier.arrive $0xFFFF  }
0x2d5: {  	_ =	strace $0x90000047  }
0x2d6: {  	s0 =	stileid.u32;
	[bflag:$0x2] =	sbarrier.arrive $0xFFFF  }
0x2d7: {  	p0 =	sne.s32 s0, $0x0;
	s0 =	rddreg [dreg:$0x2]  }
0x2d8: {  	s0 =	sadd.s32 @!p0 $0x100000, s0  }
0x2d9: {  	[sflag:s0] =	ssyncadd.tile.s32 @!p0 $0x1;
	_ =	shalt  }
.Lfunc_end2:
_tile_overlayer_lowered:
.L_overlay_start_2:
0x2da: {  	(tag) =	ssettag $0x2  }
0x2db: {  	s0 =	rddreg [dreg:$0x0];
	s2 =	stileid.u32  }
0x2dc: {  	s1 =	rddreg [dreg:$0x1];
	p0 =	sne.s32 s2, $0x0  }
0x2dd: {  	s3 =	rddreg [dreg:$0x2];
	[bflag:$0x3] =	sbarrier.arrive $0xFFFF;
	s2 =	simm.s32 @!p0 $0x1C05  }
0x2de: {  	[timem:s3], [sflag:s2] =	dma.local @!p0 [hbm:s0], s1  }
0x2df: {  	s0 =	simm.s32 @!p0 $0x5  }
0x2e0: {  	_ =	swait.ge @!p0 [sflag:s0], s1  }
0x2e1: {  	s1 =	ssub.s32 @!p0 $0x0, s1;
	[sflag:s0] =	ssyncset.done @!p0 $0x0  }
0x2e2: {  	[sflag:s0] =	ssyncadd.s32 @!p0 s1  }
0x2e3: {  	[bflag:$0x3] =	sbarrier.arrive $0xFFFF  }
0x2e4: {  	_ =	shalt  }

</sc_bundles>
